<compile_context>
chip_gen: v7x
topology: tpu7x:2x2x1
jax: 0.10.2.dev20260603
libtpu: 0.0.44.dev20260713+nightly
codegen_flags: <defaults>
</compile_context>

<pallas_src>
import functools

import jax
import jax.numpy as jnp
from jax import lax
from jax.experimental import pallas as pl
from jax.experimental.pallas import tpu as pltpu
from jax.experimental.pallas import tpu_sc as plsc

_VOCAB = 1000
_D = 1000
_DPAD = 1024
_B = 1024
_T = 50
_TPAD = 56

_NC = 2
_NS = 16
_NW = _NC * _NS
_BPW = _B // _NW

_CSTART = (0, 16, 32)
_CROWS = (16, 16, 18)
_IDXW = _BPW * _TPAD


def _compact_chunk(buf_a, buf_b, c):

    lanes = lax.iota(jnp.int32, 16)

    def row(k, carry):
        t = _CSTART[c] + k
        for j in range(62):
            buf_b[0, t, pl.ds(j * 16, 16)] = (
                buf_a[_CSTART[c] + k, j // 8, pl.ds((j * 16) % 128, 16)])
        x = plsc.load_gather(
            buf_a,
            [jnp.full((16,), _CSTART[c] + k, jnp.int32),
             jnp.full((16,), 7, jnp.int32),
             lanes + 88])
        plsc.store_scatter(
            buf_b,
            [jnp.zeros((16,), jnp.int32),
             jnp.full((16,), t, jnp.int32),
             lanes + 984],
            x)
        return carry

    lax.fori_loop(0, _CROWS[c], row, 0)


def _body(table_hbm, idx_hbm, out_hbm, idx_v, buf_a, buf_b, g0, g1, g2, s0):
    wid = lax.axis_index("s") * _NC + lax.axis_index("c")
    pltpu.sync_copy(idx_hbm.at[pl.ds(wid * _IDXW, _IDXW)], idx_v)

    gsem = (g0, g1, g2)

    def gather_dma(bl, c):
        return pltpu.make_async_copy(
            table_hbm.at[idx_v.at[pl.ds(bl * _TPAD + _CSTART[c], _CROWS[c])]],
            buf_a.at[pl.ds(_CSTART[c], _CROWS[c])],
            gsem[c],
        )

    def scatter_dma(bl):
        return pltpu.make_async_copy(
            buf_b,
            out_hbm.at[pl.ds(wid * _BPW + bl, 1)],
            s0,
        )

    gather_dma(0, 0).start()
    gather_dma(0, 1).start()

    def do_b(bl, carry):
        gather_dma(bl, 0).wait()
        gather_dma(bl, 2).start()

        @pl.when(bl >= 1)
        def _():
            scatter_dma(bl - 1).wait()

        _compact_chunk(buf_a, buf_b, 0)

        @pl.when(bl + 1 < _BPW)
        def _():
            gather_dma(bl + 1, 0).start()

        gather_dma(bl, 1).wait()
        _compact_chunk(buf_a, buf_b, 1)

        @pl.when(bl + 1 < _BPW)
        def _():
            gather_dma(bl + 1, 1).start()

        gather_dma(bl, 2).wait()
        _compact_chunk(buf_a, buf_b, 2)

        scatter_dma(bl).start()
        return carry

    lax.fori_loop(0, _BPW, do_b, 0)
    scatter_dma(_BPW - 1).wait()


@functools.partial(
    pl.kernel,
    mesh=plsc.VectorSubcoreMesh(core_axis_name="c", subcore_axis_name="s"),
    compiler_params=pltpu.CompilerParams(needs_layout_passes=False),
    out_type=jax.ShapeDtypeStruct((_B, _T, _D), jnp.float32),
    scratch_types=[
        pltpu.VMEM((_IDXW,), jnp.int32),
        pltpu.VMEM((_T, 8, 128), jnp.float32),
        pltpu.VMEM((1, _T, _D), jnp.float32),
        pltpu.SemaphoreType.DMA,
        pltpu.SemaphoreType.DMA,
        pltpu.SemaphoreType.DMA,
        pltpu.SemaphoreType.DMA,
    ],
)
def _gather_rows(table_hbm, idx_hbm, out_hbm, idx_v, buf_a, buf_b, *sems):
    _body(table_hbm, idx_hbm, out_hbm, idx_v, buf_a, buf_b, *sems)


def kernel(idx, table):
    table3 = jnp.pad(table, ((0, 0), (0, _DPAD - _D))).reshape(_VOCAB, 8, 128)
    idx_p = jnp.pad(idx, ((0, 0), (0, _TPAD - _T))).reshape(-1)
    return _gather_rows(table3, idx_p)

# --- scband reference (transcript-rebuilt; emitter-appended) ---
"""Pipeline reference for scband-bigram-language-model-88407606821103 (READ-ONLY COPY).

The authoritative reference and input builder live on the scoring server;
editing this copy changes nothing except your own understanding.
"""

import jax, jax.numpy as jnp
import numpy as np

VOCAB = 1000
B = 1024
T = 50


def setup_inputs(seed: int = 0) -> dict:
    key = jax.random.key(seed)
    k1, k2 = jax.random.split(key)
    idx = jax.random.randint(k1, (B, T), 0, VOCAB, dtype=jnp.int32)
    # nn.Embedding weight init ~ N(0, 1)
    table = jax.random.normal(k2, (VOCAB, VOCAB), dtype=jnp.float32)
    return {"idx": idx, "table": table}


def reference(idx, table):
    # BigramLanguageModel.forward with targets=None:
    # logits = token_embedding_table(idx); loss = None
    logits = jnp.take(table, idx, axis=0)
    return logits

if __name__ == "__main__":
    import jax
    _d = setup_inputs()
    print(jax.jit(kernel)(*tuple(_d.values())))

</pallas_src>

<mosaic_0001>
#map = affine_map<(d0, d1) -> (0, 0, 0)>
#map1 = affine_map<(d0, d1) -> (0)>
module attributes {stable_mosaic.version = 14 : i64} {
  func.func @_gather_rows(%arg0: i32, %arg1: i32, %arg2: memref<1000x8x128xf32, #tpu.memory_space<hbm>>, %arg3: memref<57344xi32, #tpu.memory_space<hbm>>, %arg4: memref<1024x50x1000xf32, #tpu.memory_space<hbm>>, %arg5: memref<1792xi32, #tpu.memory_space<vmem>>, %arg6: memref<50x8x128xf32, #tpu.memory_space<vmem>>, %arg7: memref<1x50x1000xf32, #tpu.memory_space<vmem>>, %arg8: memref<!tpu.dma_semaphore, #tpu.memory_space<semaphore_mem>>, %arg9: memref<!tpu.dma_semaphore, #tpu.memory_space<semaphore_mem>>, %arg10: memref<!tpu.dma_semaphore, #tpu.memory_space<semaphore_mem>>, %arg11: memref<!tpu.dma_semaphore, #tpu.memory_space<semaphore_mem>>) attributes {dimension_semantics = [#tpu.dimension_semantics<core_parallel>, #tpu.dimension_semantics<subcore_parallel>], iteration_bounds = array<i64: 2, 16>, scalar_prefetch = 0 : i64, scratch_operands = 7 : i64, tpu.core_type = #tpu.core_type<sc_vector_subcore>, window_params = [{transform_indices = #map}, {transform_indices = #map1}, {transform_indices = #map}]} {
    %mul3A = arith.constant 2 : i32
    %mul3A_0 = arith.muli %arg1, %mul3A : i32
    %add3A = arith.addi %mul3A_0, %arg0 : i32
    %mul3A_1 = arith.constant 1792 : i32
    %mul3A_2 = arith.muli %add3A, %mul3A_1 : i32
    "tpu.region"() ({
      %run_scoped3A = tpu.sem_alloc : memref<!tpu.dma_semaphore, #tpu.memory_space<semaphore_mem>>
      %dma_start3A_36 = tpu.memref_slice %arg3[%mul3A_2] : memref<57344xi32, #tpu.memory_space<hbm>> -> memref<1792xi32, #tpu.memory_space<hbm>>
      %dma_start3A_37 = tpu.memref_slice %arg3[%mul3A_2] : memref<57344xi32, #tpu.memory_space<hbm>> -> memref<1792xi32, #tpu.memory_space<hbm>>
      tpu.enqueue_dma source(%dma_start3A_37 : memref<1792xi32, #tpu.memory_space<hbm>>) target(%arg5 : memref<1792xi32, #tpu.memory_space<vmem>>) target_semaphore(%run_scoped3A : memref<!tpu.dma_semaphore, #tpu.memory_space<semaphore_mem>>)
      %dma_wait3A_38 = tpu.memref_slice %arg3[%mul3A_2] : memref<57344xi32, #tpu.memory_space<hbm>> -> memref<1792xi32, #tpu.memory_space<hbm>>
      %dma_wait3A_39 = tpu.memref_slice %arg3[%mul3A_2] : memref<57344xi32, #tpu.memory_space<hbm>> -> memref<1792xi32, #tpu.memory_space<hbm>>
      tpu.wait_dma2 semaphore(%run_scoped3A : memref<!tpu.dma_semaphore, #tpu.memory_space<semaphore_mem>>) src(%dma_wait3A_39 : memref<1792xi32, #tpu.memory_space<hbm>>) dst(%arg5 : memref<1792xi32, #tpu.memory_space<vmem>>)
      tpu.yield
    }) : () -> ()
    %dma_start3A = arith.constant 0 : i32
    %dma_start3A_3 = arith.constant 0 : i32
    %dma_start3A_4 = arith.constant 0 : i32
    %dma_start3A_5 = tpu.memref_slice %arg6[%dma_start3A, %dma_start3A_3, %dma_start3A_4] : memref<50x8x128xf32, #tpu.memory_space<vmem>> -> memref<16x8x128xf32, #tpu.memory_space<vmem>>
    %dma_start3A_6 = arith.constant 0 : i32
    %dma_start3A_7 = tpu.memref_slice %arg5[%dma_start3A_6] : memref<1792xi32, #tpu.memory_space<vmem>> -> memref<16xi32, #tpu.memory_space<vmem>>
    %dma_start3A_8 = arith.constant 0 : i32
    %dma_start3A_9 = arith.constant 0 : i32
    %dma_start3A_10 = arith.constant 0 : i32
    %dma_start3A_11 = tpu.memref_slice %arg2[%dma_start3A_8, %dma_start3A_9, %dma_start3A_10] : memref<1000x8x128xf32, #tpu.memory_space<hbm>> -> memref<1000x8x128xf32, #tpu.memory_space<hbm>>
    tpu.enqueue_indirect_dma source(%dma_start3A_11 : memref<1000x8x128xf32, #tpu.memory_space<hbm>>) target(%dma_start3A_5 : memref<16x8x128xf32, #tpu.memory_space<vmem>>) offsets(%dma_start3A_7 : memref<16xi32, #tpu.memory_space<vmem>>) semaphore(%arg8 : memref<!tpu.dma_semaphore, #tpu.memory_space<semaphore_mem>>)
    %dma_start3A_12 = arith.constant 16 : i32
    %dma_start3A_13 = arith.constant 0 : i32
    %dma_start3A_14 = arith.constant 0 : i32
    %dma_start3A_15 = tpu.memref_slice %arg6[%dma_start3A_12, %dma_start3A_13, %dma_start3A_14] : memref<50x8x128xf32, #tpu.memory_space<vmem>> -> memref<16x8x128xf32, #tpu.memory_space<vmem>>
    %dma_start3A_16 = arith.constant 16 : i32
    %dma_start3A_17 = tpu.memref_slice %arg5[%dma_start3A_16] : memref<1792xi32, #tpu.memory_space<vmem>> -> memref<16xi32, #tpu.memory_space<vmem>>
    %dma_start3A_18 = arith.constant 0 : i32
    %dma_start3A_19 = arith.constant 0 : i32
    %dma_start3A_20 = arith.constant 0 : i32
    %dma_start3A_21 = tpu.memref_slice %arg2[%dma_start3A_18, %dma_start3A_19, %dma_start3A_20] : memref<1000x8x128xf32, #tpu.memory_space<hbm>> -> memref<1000x8x128xf32, #tpu.memory_space<hbm>>
    tpu.enqueue_indirect_dma source(%dma_start3A_21 : memref<1000x8x128xf32, #tpu.memory_space<hbm>>) target(%dma_start3A_15 : memref<16x8x128xf32, #tpu.memory_space<vmem>>) offsets(%dma_start3A_17 : memref<16xi32, #tpu.memory_space<vmem>>) semaphore(%arg9 : memref<!tpu.dma_semaphore, #tpu.memory_space<semaphore_mem>>)
    %scan3A = arith.constant 0 : i32
    %scan3A_22 = arith.constant 0 : i32
    %scan3A_23 = arith.constant 32 : i32
    %scan3A_24 = arith.addi %scan3A_22, %scan3A_23 : i32
    %scan3A_25 = arith.constant 1 : i32
    scf.for %scan3A_36 = %scan3A_22 to %scan3A_24 step %scan3A_25  : i32 {
      %mul3A_37 = arith.constant 56 : i32
      %mul3A_38 = arith.muli %scan3A_36, %mul3A_37 : i32
      %add3A_39 = arith.constant 0 : i32
      %add3A_40 = arith.addi %mul3A_38, %add3A_39 : i32
      %dma_wait3A_41 = arith.constant 0 : i32
      %dma_wait3A_42 = arith.constant 0 : i32
      %dma_wait3A_43 = arith.constant 0 : i32
      %dma_wait3A_44 = tpu.memref_slice %arg6[%dma_wait3A_41, %dma_wait3A_42, %dma_wait3A_43] : memref<50x8x128xf32, #tpu.memory_space<vmem>> -> memref<16x8x128xf32, #tpu.memory_space<vmem>>
      %dma_wait3A_45 = tpu.memref_slice %arg5[%add3A_40] : memref<1792xi32, #tpu.memory_space<vmem>> -> memref<16xi32, #tpu.memory_space<vmem>>
      %dma_wait3A_46 = arith.constant 0 : i32
      %dma_wait3A_47 = arith.constant 0 : i32
      %dma_wait3A_48 = arith.constant 0 : i32
      %dma_wait3A_49 = tpu.memref_slice %arg2[%dma_wait3A_46, %dma_wait3A_47, %dma_wait3A_48] : memref<1000x8x128xf32, #tpu.memory_space<hbm>> -> memref<1000x8x128xf32, #tpu.memory_space<hbm>>
      tpu.wait_indirect_dma semaphore(%arg8 : memref<!tpu.dma_semaphore, #tpu.memory_space<semaphore_mem>>) src(%dma_wait3A_49 : memref<1000x8x128xf32, #tpu.memory_space<hbm>>) dst(%dma_wait3A_44 : memref<16x8x128xf32, #tpu.memory_space<vmem>>)
      %mul3A_50 = arith.constant 56 : i32
      %mul3A_51 = arith.muli %scan3A_36, %mul3A_50 : i32
      %add3A_52 = arith.constant 32 : i32
      %add3A_53 = arith.addi %mul3A_51, %add3A_52 : i32
      %dma_start3A_54 = arith.constant 32 : i32
      %dma_start3A_55 = arith.constant 0 : i32
      %dma_start3A_56 = arith.constant 0 : i32
      %dma_start3A_57 = tpu.memref_slice %arg6[%dma_start3A_54, %dma_start3A_55, %dma_start3A_56] : memref<50x8x128xf32, #tpu.memory_space<vmem>> -> memref<18x8x128xf32, #tpu.memory_space<vmem>>
      %dma_start3A_58 = tpu.memref_slice %arg5[%add3A_53] : memref<1792xi32, #tpu.memory_space<vmem>> -> memref<18xi32, #tpu.memory_space<vmem>>
      %dma_start3A_59 = arith.constant 0 : i32
      %dma_start3A_60 = arith.constant 0 : i32
      %dma_start3A_61 = arith.constant 0 : i32
      %dma_start3A_62 = tpu.memref_slice %arg2[%dma_start3A_59, %dma_start3A_60, %dma_start3A_61] : memref<1000x8x128xf32, #tpu.memory_space<hbm>> -> memref<1000x8x128xf32, #tpu.memory_space<hbm>>
      tpu.enqueue_indirect_dma source(%dma_start3A_62 : memref<1000x8x128xf32, #tpu.memory_space<hbm>>) target(%dma_start3A_57 : memref<18x8x128xf32, #tpu.memory_space<vmem>>) offsets(%dma_start3A_58 : memref<18xi32, #tpu.memory_space<vmem>>) semaphore(%arg10 : memref<!tpu.dma_semaphore, #tpu.memory_space<semaphore_mem>>)
      %ge3A = arith.constant 1 : i32
      %ge3A_63 = arith.cmpi sge, %scan3A_36, %ge3A : i32
      %convert_element_type3A = arith.extui %ge3A_63 : i1 to i32
      %cond3A = arith.constant 0 : i32
      %cond3A_64 = arith.cmpi ne, %convert_element_type3A, %cond3A : i32
      scf.if %cond3A_64 {
        %sub3A = arith.constant 1 : i32
        %sub3A_133 = arith.subi %scan3A_36, %sub3A : i32
        %mul3A_134 = arith.constant 32 : i32
        %mul3A_135 = arith.muli %add3A, %mul3A_134 : i32
        %add3A_136 = arith.addi %mul3A_135, %sub3A_133 : i32
        %dma_wait3A_137 = arith.constant 0 : i32
        %dma_wait3A_138 = arith.constant 0 : i32
        %dma_wait3A_139 = tpu.memref_slice %arg4[%add3A_136, %dma_wait3A_137, %dma_wait3A_138] : memref<1024x50x1000xf32, #tpu.memory_space<hbm>> -> memref<1x50x1000xf32, #tpu.memory_space<hbm>>
        %dma_wait3A_140 = arith.constant 0 : i32
        %dma_wait3A_141 = arith.constant 0 : i32
        %dma_wait3A_142 = tpu.memref_slice %arg4[%add3A_136, %dma_wait3A_140, %dma_wait3A_141] : memref<1024x50x1000xf32, #tpu.memory_space<hbm>> -> memref<1x50x1000xf32, #tpu.memory_space<hbm>>
        tpu.wait_dma2 semaphore(%arg11 : memref<!tpu.dma_semaphore, #tpu.memory_space<semaphore_mem>>) src(%arg7 : memref<1x50x1000xf32, #tpu.memory_space<vmem>>) dst(%dma_wait3A_142 : memref<1x50x1000xf32, #tpu.memory_space<hbm>>)
      } else {
      }
      %iota3A = tpu.iota {dimensions = array<i32: 0>} : vector<16xi32>
      %scan3A_65 = arith.constant 0 : i32
      %scan3A_66 = arith.constant 0 : i32
      %scan3A_67 = arith.constant 16 : i32
      %scan3A_68 = arith.addi %scan3A_66, %scan3A_67 : i32
      %scan3A_69 = arith.constant 1 : i32
      scf.for %scan3A_133 = %scan3A_66 to %scan3A_68 step %scan3A_69  : i32 {
        %add3A_134 = arith.constant 0 : i32
        %add3A_135 = arith.addi %add3A_134, %scan3A_133 : i32
        %add3A_136 = arith.constant 0 : i32
        %add3A_137 = arith.addi %add3A_136, %scan3A_133 : i32
        %get3A = arith.constant 0 : i32
        %get3A_138 = arith.index_cast %add3A_137 : i32 to index
        %get3A_139 = arith.index_cast %get3A : i32 to index
        %get3A_140 = arith.constant 0 : index
        %get3A_141 = tpu.vector_load %arg6[%get3A_138, %get3A_139, %get3A_140] {strides = array<i32>} : memref<50x8x128xf32, #tpu.memory_space<vmem>>, vector<16xf32>,
        %swap3A = arith.constant 0 : i32
        %swap3A_142 = arith.index_cast %swap3A : i32 to index
        %swap3A_143 = arith.index_cast %add3A_135 : i32 to index
        %swap3A_144 = arith.constant 0 : index
        %swap3A_145 = tpu.vector_load %arg7[%swap3A_142, %swap3A_143, %swap3A_144] {strides = array<i32>} : memref<1x50x1000xf32, #tpu.memory_space<vmem>>, vector<16xf32>,
        tpu.vector_store %arg7[%swap3A_142, %swap3A_143, %swap3A_144], %get3A_141 {strides = array<i32>} : memref<1x50x1000xf32, #tpu.memory_space<vmem>>, vector<16xf32>,
        %add3A_146 = arith.constant 0 : i32
        %add3A_147 = arith.addi %add3A_146, %scan3A_133 : i32
        %get3A_148 = arith.constant 0 : i32
        %get3A_149 = arith.index_cast %add3A_147 : i32 to index
        %get3A_150 = arith.index_cast %get3A_148 : i32 to index
        %get3A_151 = arith.constant 16 : index
        %get3A_152 = tpu.vector_load %arg6[%get3A_149, %get3A_150, %get3A_151] {strides = array<i32>} : memref<50x8x128xf32, #tpu.memory_space<vmem>>, vector<16xf32>,
        %swap3A_153 = arith.constant 0 : i32
        %swap3A_154 = arith.index_cast %swap3A_153 : i32 to index
        %swap3A_155 = arith.index_cast %add3A_135 : i32 to index
        %swap3A_156 = arith.constant 16 : index
        %swap3A_157 = tpu.vector_load %arg7[%swap3A_154, %swap3A_155, %swap3A_156] {strides = array<i32>} : memref<1x50x1000xf32, #tpu.memory_space<vmem>>, vector<16xf32>,
        tpu.vector_store %arg7[%swap3A_154, %swap3A_155, %swap3A_156], %get3A_152 {strides = array<i32>} : memref<1x50x1000xf32, #tpu.memory_space<vmem>>, vector<16xf32>,
        %add3A_158 = arith.constant 0 : i32
        %add3A_159 = arith.addi %add3A_158, %scan3A_133 : i32
        %get3A_160 = arith.constant 0 : i32
        %get3A_161 = arith.index_cast %add3A_159 : i32 to index
        %get3A_162 = arith.index_cast %get3A_160 : i32 to index
        %get3A_163 = arith.constant 32 : index
        %get3A_164 = tpu.vector_load %arg6[%get3A_161, %get3A_162, %get3A_163] {strides = array<i32>} : memref<50x8x128xf32, #tpu.memory_space<vmem>>, vector<16xf32>,
        %swap3A_165 = arith.constant 0 : i32
        %swap3A_166 = arith.index_cast %swap3A_165 : i32 to index
        %swap3A_167 = arith.index_cast %add3A_135 : i32 to index
        %swap3A_168 = arith.constant 32 : index
        %swap3A_169 = tpu.vector_load %arg7[%swap3A_166, %swap3A_167, %swap3A_168] {strides = array<i32>} : memref<1x50x1000xf32, #tpu.memory_space<vmem>>, vector<16xf32>,
        tpu.vector_store %arg7[%swap3A_166, %swap3A_167, %swap3A_168], %get3A_164 {strides = array<i32>} : memref<1x50x1000xf32, #tpu.memory_space<vmem>>, vector<16xf32>,
        %add3A_170 = arith.constant 0 : i32
        %add3A_171 = arith.addi %add3A_170, %scan3A_133 : i32
        %get3A_172 = arith.constant 0 : i32
        %get3A_173 = arith.index_cast %add3A_171 : i32 to index
        %get3A_174 = arith.index_cast %get3A_172 : i32 to index
        %get3A_175 = arith.constant 48 : index
        %get3A_176 = tpu.vector_load %arg6[%get3A_173, %get3A_174, %get3A_175] {strides = array<i32>} : memref<50x8x128xf32, #tpu.memory_space<vmem>>, vector<16xf32>,
        %swap3A_177 = arith.constant 0 : i32
        %swap3A_178 = arith.index_cast %swap3A_177 : i32 to index
        %swap3A_179 = arith.index_cast %add3A_135 : i32 to index
        %swap3A_180 = arith.constant 48 : index
        %swap3A_181 = tpu.vector_load %arg7[%swap3A_178, %swap3A_179, %swap3A_180] {strides = array<i32>} : memref<1x50x1000xf32, #tpu.memory_space<vmem>>, vector<16xf32>,
        tpu.vector_store %arg7[%swap3A_178, %swap3A_179, %swap3A_180], %get3A_176 {strides = array<i32>} : memref<1x50x1000xf32, #tpu.memory_space<vmem>>, vector<16xf32>,
        %add3A_182 = arith.constant 0 : i32
        %add3A_183 = arith.addi %add3A_182, %scan3A_133 : i32
        %get3A_184 = arith.constant 0 : i32
        %get3A_185 = arith.index_cast %add3A_183 : i32 to index
        %get3A_186 = arith.index_cast %get3A_184 : i32 to index
        %get3A_187 = arith.constant 64 : index
        %get3A_188 = tpu.vector_load %arg6[%get3A_185, %get3A_186, %get3A_187] {strides = array<i32>} : memref<50x8x128xf32, #tpu.memory_space<vmem>>, vector<16xf32>,
        %swap3A_189 = arith.constant 0 : i32
        %swap3A_190 = arith.index_cast %swap3A_189 : i32 to index
        %swap3A_191 = arith.index_cast %add3A_135 : i32 to index
        %swap3A_192 = arith.constant 64 : index
        %swap3A_193 = tpu.vector_load %arg7[%swap3A_190, %swap3A_191, %swap3A_192] {strides = array<i32>} : memref<1x50x1000xf32, #tpu.memory_space<vmem>>, vector<16xf32>,
        tpu.vector_store %arg7[%swap3A_190, %swap3A_191, %swap3A_192], %get3A_188 {strides = array<i32>} : memref<1x50x1000xf32, #tpu.memory_space<vmem>>, vector<16xf32>,
        %add3A_194 = arith.constant 0 : i32
        %add3A_195 = arith.addi %add3A_194, %scan3A_133 : i32
        %get3A_196 = arith.constant 0 : i32
        %get3A_197 = arith.index_cast %add3A_195 : i32 to index
        %get3A_198 = arith.index_cast %get3A_196 : i32 to index
        %get3A_199 = arith.constant 80 : index
        %get3A_200 = tpu.vector_load %arg6[%get3A_197, %get3A_198, %get3A_199] {strides = array<i32>} : memref<50x8x128xf32, #tpu.memory_space<vmem>>, vector<16xf32>,
        %swap3A_201 = arith.constant 0 : i32
        %swap3A_202 = arith.index_cast %swap3A_201 : i32 to index
        %swap3A_203 = arith.index_cast %add3A_135 : i32 to index
        %swap3A_204 = arith.constant 80 : index
        %swap3A_205 = tpu.vector_load %arg7[%swap3A_202, %swap3A_203, %swap3A_204] {strides = array<i32>} : memref<1x50x1000xf32, #tpu.memory_space<vmem>>, vector<16xf32>,
        tpu.vector_store %arg7[%swap3A_202, %swap3A_203, %swap3A_204], %get3A_200 {strides = array<i32>} : memref<1x50x1000xf32, #tpu.memory_space<vmem>>, vector<16xf32>,
        %add3A_206 = arith.constant 0 : i32
        %add3A_207 = arith.addi %add3A_206, %scan3A_133 : i32
        %get3A_208 = arith.constant 0 : i32
        %get3A_209 = arith.index_cast %add3A_207 : i32 to index
        %get3A_210 = arith.index_cast %get3A_208 : i32 to index
        %get3A_211 = arith.constant 96 : index
        %get3A_212 = tpu.vector_load %arg6[%get3A_209, %get3A_210, %get3A_211] {strides = array<i32>} : memref<50x8x128xf32, #tpu.memory_space<vmem>>, vector<16xf32>,
        %swap3A_213 = arith.constant 0 : i32
        %swap3A_214 = arith.index_cast %swap3A_213 : i32 to index
        %swap3A_215 = arith.index_cast %add3A_135 : i32 to index
        %swap3A_216 = arith.constant 96 : index
        %swap3A_217 = tpu.vector_load %arg7[%swap3A_214, %swap3A_215, %swap3A_216] {strides = array<i32>} : memref<1x50x1000xf32, #tpu.memory_space<vmem>>, vector<16xf32>,
        tpu.vector_store %arg7[%swap3A_214, %swap3A_215, %swap3A_216], %get3A_212 {strides = array<i32>} : memref<1x50x1000xf32, #tpu.memory_space<vmem>>, vector<16xf32>,
        %add3A_218 = arith.constant 0 : i32
        %add3A_219 = arith.addi %add3A_218, %scan3A_133 : i32
        %get3A_220 = arith.constant 0 : i32
        %get3A_221 = arith.index_cast %add3A_219 : i32 to index
        %get3A_222 = arith.index_cast %get3A_220 : i32 to index
        %get3A_223 = arith.constant 112 : index
        %get3A_224 = tpu.vector_load %arg6[%get3A_221, %get3A_222, %get3A_223] {strides = array<i32>} : memref<50x8x128xf32, #tpu.memory_space<vmem>>, vector<16xf32>,
        %swap3A_225 = arith.constant 0 : i32
        %swap3A_226 = arith.index_cast %swap3A_225 : i32 to index
        %swap3A_227 = arith.index_cast %add3A_135 : i32 to index
        %swap3A_228 = arith.constant 112 : index
        %swap3A_229 = tpu.vector_load %arg7[%swap3A_226, %swap3A_227, %swap3A_228] {strides = array<i32>} : memref<1x50x1000xf32, #tpu.memory_space<vmem>>, vector<16xf32>,
        tpu.vector_store %arg7[%swap3A_226, %swap3A_227, %swap3A_228], %get3A_224 {strides = array<i32>} : memref<1x50x1000xf32, #tpu.memory_space<vmem>>, vector<16xf32>,
        %add3A_230 = arith.constant 0 : i32
        %add3A_231 = arith.addi %add3A_230, %scan3A_133 : i32
        %get3A_232 = arith.constant 1 : i32
        %get3A_233 = arith.index_cast %add3A_231 : i32 to index
        %get3A_234 = arith.index_cast %get3A_232 : i32 to index
        %get3A_235 = arith.constant 0 : index
        %get3A_236 = tpu.vector_load %arg6[%get3A_233, %get3A_234, %get3A_235] {strides = array<i32>} : memref<50x8x128xf32, #tpu.memory_space<vmem>>, vector<16xf32>,
        %swap3A_237 = arith.constant 0 : i32
        %swap3A_238 = arith.index_cast %swap3A_237 : i32 to index
        %swap3A_239 = arith.index_cast %add3A_135 : i32 to index
        %swap3A_240 = arith.constant 128 : index
        %swap3A_241 = tpu.vector_load %arg7[%swap3A_238, %swap3A_239, %swap3A_240] {strides = array<i32>} : memref<1x50x1000xf32, #tpu.memory_space<vmem>>, vector<16xf32>,
        tpu.vector_store %arg7[%swap3A_238, %swap3A_239, %swap3A_240], %get3A_236 {strides = array<i32>} : memref<1x50x1000xf32, #tpu.memory_space<vmem>>, vector<16xf32>,
        %add3A_242 = arith.constant 0 : i32
        %add3A_243 = arith.addi %add3A_242, %scan3A_133 : i32
        %get3A_244 = arith.constant 1 : i32
        %get3A_245 = arith.index_cast %add3A_243 : i32 to index
        %get3A_246 = arith.index_cast %get3A_244 : i32 to index
        %get3A_247 = arith.constant 16 : index
        %get3A_248 = tpu.vector_load %arg6[%get3A_245, %get3A_246, %get3A_247] {strides = array<i32>} : memref<50x8x128xf32, #tpu.memory_space<vmem>>, vector<16xf32>,
        %swap3A_249 = arith.constant 0 : i32
        %swap3A_250 = arith.index_cast %swap3A_249 : i32 to index
        %swap3A_251 = arith.index_cast %add3A_135 : i32 to index
        %swap3A_252 = arith.constant 144 : index
        %swap3A_253 = tpu.vector_load %arg7[%swap3A_250, %swap3A_251, %swap3A_252] {strides = array<i32>} : memref<1x50x1000xf32, #tpu.memory_space<vmem>>, vector<16xf32>,
        tpu.vector_store %arg7[%swap3A_250, %swap3A_251, %swap3A_252], %get3A_248 {strides = array<i32>} : memref<1x50x1000xf32, #tpu.memory_space<vmem>>, vector<16xf32>,
        %add3A_254 = arith.constant 0 : i32
        %add3A_255 = arith.addi %add3A_254, %scan3A_133 : i32
        %get3A_256 = arith.constant 1 : i32
        %get3A_257 = arith.index_cast %add3A_255 : i32 to index
        %get3A_258 = arith.index_cast %get3A_256 : i32 to index
        %get3A_259 = arith.constant 32 : index
        %get3A_260 = tpu.vector_load %arg6[%get3A_257, %get3A_258, %get3A_259] {strides = array<i32>} : memref<50x8x128xf32, #tpu.memory_space<vmem>>, vector<16xf32>,
        %swap3A_261 = arith.constant 0 : i32
        %swap3A_262 = arith.index_cast %swap3A_261 : i32 to index
        %swap3A_263 = arith.index_cast %add3A_135 : i32 to index
        %swap3A_264 = arith.constant 160 : index
        %swap3A_265 = tpu.vector_load %arg7[%swap3A_262, %swap3A_263, %swap3A_264] {strides = array<i32>} : memref<1x50x1000xf32, #tpu.memory_space<vmem>>, vector<16xf32>,
        tpu.vector_store %arg7[%swap3A_262, %swap3A_263, %swap3A_264], %get3A_260 {strides = array<i32>} : memref<1x50x1000xf32, #tpu.memory_space<vmem>>, vector<16xf32>,
        %add3A_266 = arith.constant 0 : i32
        %add3A_267 = arith.addi %add3A_266, %scan3A_133 : i32
        %get3A_268 = arith.constant 1 : i32
        %get3A_269 = arith.index_cast %add3A_267 : i32 to index
        %get3A_270 = arith.index_cast %get3A_268 : i32 to index
        %get3A_271 = arith.constant 48 : index
        %get3A_272 = tpu.vector_load %arg6[%get3A_269, %get3A_270, %get3A_271] {strides = array<i32>} : memref<50x8x128xf32, #tpu.memory_space<vmem>>, vector<16xf32>,
        %swap3A_273 = arith.constant 0 : i32
        %swap3A_274 = arith.index_cast %swap3A_273 : i32 to index
        %swap3A_275 = arith.index_cast %add3A_135 : i32 to index
        %swap3A_276 = arith.constant 176 : index
        %swap3A_277 = tpu.vector_load %arg7[%swap3A_274, %swap3A_275, %swap3A_276] {strides = array<i32>} : memref<1x50x1000xf32, #tpu.memory_space<vmem>>, vector<16xf32>,
        tpu.vector_store %arg7[%swap3A_274, %swap3A_275, %swap3A_276], %get3A_272 {strides = array<i32>} : memref<1x50x1000xf32, #tpu.memory_space<vmem>>, vector<16xf32>,
        %add3A_278 = arith.constant 0 : i32
        %add3A_279 = arith.addi %add3A_278, %scan3A_133 : i32
        %get3A_280 = arith.constant 1 : i32
        %get3A_281 = arith.index_cast %add3A_279 : i32 to index
        %get3A_282 = arith.index_cast %get3A_280 : i32 to index
        %get3A_283 = arith.constant 64 : index
        %get3A_284 = tpu.vector_load %arg6[%get3A_281, %get3A_282, %get3A_283] {strides = array<i32>} : memref<50x8x128xf32, #tpu.memory_space<vmem>>, vector<16xf32>,
        %swap3A_285 = arith.constant 0 : i32
        %swap3A_286 = arith.index_cast %swap3A_285 : i32 to index
        %swap3A_287 = arith.index_cast %add3A_135 : i32 to index
        %swap3A_288 = arith.constant 192 : index
        %swap3A_289 = tpu.vector_load %arg7[%swap3A_286, %swap3A_287, %swap3A_288] {strides = array<i32>} : memref<1x50x1000xf32, #tpu.memory_space<vmem>>, vector<16xf32>,
        tpu.vector_store %arg7[%swap3A_286, %swap3A_287, %swap3A_288], %get3A_284 {strides = array<i32>} : memref<1x50x1000xf32, #tpu.memory_space<vmem>>, vector<16xf32>,
        %add3A_290 = arith.constant 0 : i32
        %add3A_291 = arith.addi %add3A_290, %scan3A_133 : i32
        %get3A_292 = arith.constant 1 : i32
        %get3A_293 = arith.index_cast %add3A_291 : i32 to index
        %get3A_294 = arith.index_cast %get3A_292 : i32 to index
        %get3A_295 = arith.constant 80 : index
        %get3A_296 = tpu.vector_load %arg6[%get3A_293, %get3A_294, %get3A_295] {strides = array<i32>} : memref<50x8x128xf32, #tpu.memory_space<vmem>>, vector<16xf32>,
        %swap3A_297 = arith.constant 0 : i32
        %swap3A_298 = arith.index_cast %swap3A_297 : i32 to index
        %swap3A_299 = arith.index_cast %add3A_135 : i32 to index
        %swap3A_300 = arith.constant 208 : index
        %swap3A_301 = tpu.vector_load %arg7[%swap3A_298, %swap3A_299, %swap3A_300] {strides = array<i32>} : memref<1x50x1000xf32, #tpu.memory_space<vmem>>, vector<16xf32>,
        tpu.vector_store %arg7[%swap3A_298, %swap3A_299, %swap3A_300], %get3A_296 {strides = array<i32>} : memref<1x50x1000xf32, #tpu.memory_space<vmem>>, vector<16xf32>,
        %add3A_302 = arith.constant 0 : i32
        %add3A_303 = arith.addi %add3A_302, %scan3A_133 : i32
        %get3A_304 = arith.constant 1 : i32
        %get3A_305 = arith.index_cast %add3A_303 : i32 to index
        %get3A_306 = arith.index_cast %get3A_304 : i32 to index
        %get3A_307 = arith.constant 96 : index
        %get3A_308 = tpu.vector_load %arg6[%get3A_305, %get3A_306, %get3A_307] {strides = array<i32>} : memref<50x8x128xf32, #tpu.memory_space<vmem>>, vector<16xf32>,
        %swap3A_309 = arith.constant 0 : i32
        %swap3A_310 = arith.index_cast %swap3A_309 : i32 to index
        %swap3A_311 = arith.index_cast %add3A_135 : i32 to index
        %swap3A_312 = arith.constant 224 : index
        %swap3A_313 = tpu.vector_load %arg7[%swap3A_310, %swap3A_311, %swap3A_312] {strides = array<i32>} : memref<1x50x1000xf32, #tpu.memory_space<vmem>>, vector<16xf32>,
        tpu.vector_store %arg7[%swap3A_310, %swap3A_311, %swap3A_312], %get3A_308 {strides = array<i32>} : memref<1x50x1000xf32, #tpu.memory_space<vmem>>, vector<16xf32>,
        %add3A_314 = arith.constant 0 : i32
        %add3A_315 = arith.addi %add3A_314, %scan3A_133 : i32
        %get3A_316 = arith.constant 1 : i32
        %get3A_317 = arith.index_cast %add3A_315 : i32 to index
        %get3A_318 = arith.index_cast %get3A_316 : i32 to index
        %get3A_319 = arith.constant 112 : index
        %get3A_320 = tpu.vector_load %arg6[%get3A_317, %get3A_318, %get3A_319] {strides = array<i32>} : memref<50x8x128xf32, #tpu.memory_space<vmem>>, vector<16xf32>,
        %swap3A_321 = arith.constant 0 : i32
        %swap3A_322 = arith.index_cast %swap3A_321 : i32 to index
        %swap3A_323 = arith.index_cast %add3A_135 : i32 to index
        %swap3A_324 = arith.constant 240 : index
        %swap3A_325 = tpu.vector_load %arg7[%swap3A_322, %swap3A_323, %swap3A_324] {strides = array<i32>} : memref<1x50x1000xf32, #tpu.memory_space<vmem>>, vector<16xf32>,
        tpu.vector_store %arg7[%swap3A_322, %swap3A_323, %swap3A_324], %get3A_320 {strides = array<i32>} : memref<1x50x1000xf32, #tpu.memory_space<vmem>>, vector<16xf32>,
        %add3A_326 = arith.constant 0 : i32
        %add3A_327 = arith.addi %add3A_326, %scan3A_133 : i32
        %get3A_328 = arith.constant 2 : i32
        %get3A_329 = arith.index_cast %add3A_327 : i32 to index
        %get3A_330 = arith.index_cast %get3A_328 : i32 to index
        %get3A_331 = arith.constant 0 : index
        %get3A_332 = tpu.vector_load %arg6[%get3A_329, %get3A_330, %get3A_331] {strides = array<i32>} : memref<50x8x128xf32, #tpu.memory_space<vmem>>, vector<16xf32>,
        %swap3A_333 = arith.constant 0 : i32
        %swap3A_334 = arith.index_cast %swap3A_333 : i32 to index
        %swap3A_335 = arith.index_cast %add3A_135 : i32 to index
        %swap3A_336 = arith.constant 256 : index
        %swap3A_337 = tpu.vector_load %arg7[%swap3A_334, %swap3A_335, %swap3A_336] {strides = array<i32>} : memref<1x50x1000xf32, #tpu.memory_space<vmem>>, vector<16xf32>,
        tpu.vector_store %arg7[%swap3A_334, %swap3A_335, %swap3A_336], %get3A_332 {strides = array<i32>} : memref<1x50x1000xf32, #tpu.memory_space<vmem>>, vector<16xf32>,
        %add3A_338 = arith.constant 0 : i32
        %add3A_339 = arith.addi %add3A_338, %scan3A_133 : i32
        %get3A_340 = arith.constant 2 : i32
        %get3A_341 = arith.index_cast %add3A_339 : i32 to index
        %get3A_342 = arith.index_cast %get3A_340 : i32 to index
        %get3A_343 = arith.constant 16 : index
        %get3A_344 = tpu.vector_load %arg6[%get3A_341, %get3A_342, %get3A_343] {strides = array<i32>} : memref<50x8x128xf32, #tpu.memory_space<vmem>>, vector<16xf32>,
        %swap3A_345 = arith.constant 0 : i32
        %swap3A_346 = arith.index_cast %swap3A_345 : i32 to index
        %swap3A_347 = arith.index_cast %add3A_135 : i32 to index
        %swap3A_348 = arith.constant 272 : index
        %swap3A_349 = tpu.vector_load %arg7[%swap3A_346, %swap3A_347, %swap3A_348] {strides = array<i32>} : memref<1x50x1000xf32, #tpu.memory_space<vmem>>, vector<16xf32>,
        tpu.vector_store %arg7[%swap3A_346, %swap3A_347, %swap3A_348], %get3A_344 {strides = array<i32>} : memref<1x50x1000xf32, #tpu.memory_space<vmem>>, vector<16xf32>,
        %add3A_350 = arith.constant 0 : i32
        %add3A_351 = arith.addi %add3A_350, %scan3A_133 : i32
        %get3A_352 = arith.constant 2 : i32
        %get3A_353 = arith.index_cast %add3A_351 : i32 to index
        %get3A_354 = arith.index_cast %get3A_352 : i32 to index
        %get3A_355 = arith.constant 32 : index
        %get3A_356 = tpu.vector_load %arg6[%get3A_353, %get3A_354, %get3A_355] {strides = array<i32>} : memref<50x8x128xf32, #tpu.memory_space<vmem>>, vector<16xf32>,
        %swap3A_357 = arith.constant 0 : i32
        %swap3A_358 = arith.index_cast %swap3A_357 : i32 to index
        %swap3A_359 = arith.index_cast %add3A_135 : i32 to index
        %swap3A_360 = arith.constant 288 : index
        %swap3A_361 = tpu.vector_load %arg7[%swap3A_358, %swap3A_359, %swap3A_360] {strides = array<i32>} : memref<1x50x1000xf32, #tpu.memory_space<vmem>>, vector<16xf32>,
        tpu.vector_store %arg7[%swap3A_358, %swap3A_359, %swap3A_360], %get3A_356 {strides = array<i32>} : memref<1x50x1000xf32, #tpu.memory_space<vmem>>, vector<16xf32>,
        %add3A_362 = arith.constant 0 : i32
        %add3A_363 = arith.addi %add3A_362, %scan3A_133 : i32
        %get3A_364 = arith.constant 2 : i32
        %get3A_365 = arith.index_cast %add3A_363 : i32 to index
        %get3A_366 = arith.index_cast %get3A_364 : i32 to index
        %get3A_367 = arith.constant 48 : index
        %get3A_368 = tpu.vector_load %arg6[%get3A_365, %get3A_366, %get3A_367] {strides = array<i32>} : memref<50x8x128xf32, #tpu.memory_space<vmem>>, vector<16xf32>,
        %swap3A_369 = arith.constant 0 : i32
        %swap3A_370 = arith.index_cast %swap3A_369 : i32 to index
        %swap3A_371 = arith.index_cast %add3A_135 : i32 to index
        %swap3A_372 = arith.constant 304 : index
        %swap3A_373 = tpu.vector_load %arg7[%swap3A_370, %swap3A_371, %swap3A_372] {strides = array<i32>} : memref<1x50x1000xf32, #tpu.memory_space<vmem>>, vector<16xf32>,
        tpu.vector_store %arg7[%swap3A_370, %swap3A_371, %swap3A_372], %get3A_368 {strides = array<i32>} : memref<1x50x1000xf32, #tpu.memory_space<vmem>>, vector<16xf32>,
        %add3A_374 = arith.constant 0 : i32
        %add3A_375 = arith.addi %add3A_374, %scan3A_133 : i32
        %get3A_376 = arith.constant 2 : i32
        %get3A_377 = arith.index_cast %add3A_375 : i32 to index
        %get3A_378 = arith.index_cast %get3A_376 : i32 to index
        %get3A_379 = arith.constant 64 : index
        %get3A_380 = tpu.vector_load %arg6[%get3A_377, %get3A_378, %get3A_379] {strides = array<i32>} : memref<50x8x128xf32, #tpu.memory_space<vmem>>, vector<16xf32>,
        %swap3A_381 = arith.constant 0 : i32
        %swap3A_382 = arith.index_cast %swap3A_381 : i32 to index
        %swap3A_383 = arith.index_cast %add3A_135 : i32 to index
        %swap3A_384 = arith.constant 320 : index
        %swap3A_385 = tpu.vector_load %arg7[%swap3A_382, %swap3A_383, %swap3A_384] {strides = array<i32>} : memref<1x50x1000xf32, #tpu.memory_space<vmem>>, vector<16xf32>,
        tpu.vector_store %arg7[%swap3A_382, %swap3A_383, %swap3A_384], %get3A_380 {strides = array<i32>} : memref<1x50x1000xf32, #tpu.memory_space<vmem>>, vector<16xf32>,
        %add3A_386 = arith.constant 0 : i32
        %add3A_387 = arith.addi %add3A_386, %scan3A_133 : i32
        %get3A_388 = arith.constant 2 : i32
        %get3A_389 = arith.index_cast %add3A_387 : i32 to index
        %get3A_390 = arith.index_cast %get3A_388 : i32 to index
        %get3A_391 = arith.constant 80 : index
        %get3A_392 = tpu.vector_load %arg6[%get3A_389, %get3A_390, %get3A_391] {strides = array<i32>} : memref<50x8x128xf32, #tpu.memory_space<vmem>>, vector<16xf32>,
        %swap3A_393 = arith.constant 0 : i32
        %swap3A_394 = arith.index_cast %swap3A_393 : i32 to index
        %swap3A_395 = arith.index_cast %add3A_135 : i32 to index
        %swap3A_396 = arith.constant 336 : index
        %swap3A_397 = tpu.vector_load %arg7[%swap3A_394, %swap3A_395, %swap3A_396] {strides = array<i32>} : memref<1x50x1000xf32, #tpu.memory_space<vmem>>, vector<16xf32>,
        tpu.vector_store %arg7[%swap3A_394, %swap3A_395, %swap3A_396], %get3A_392 {strides = array<i32>} : memref<1x50x1000xf32, #tpu.memory_space<vmem>>, vector<16xf32>,
        %add3A_398 = arith.constant 0 : i32
        %add3A_399 = arith.addi %add3A_398, %scan3A_133 : i32
        %get3A_400 = arith.constant 2 : i32
        %get3A_401 = arith.index_cast %add3A_399 : i32 to index
        %get3A_402 = arith.index_cast %get3A_400 : i32 to index
        %get3A_403 = arith.constant 96 : index
        %get3A_404 = tpu.vector_load %arg6[%get3A_401, %get3A_402, %get3A_403] {strides = array<i32>} : memref<50x8x128xf32, #tpu.memory_space<vmem>>, vector<16xf32>,
        %swap3A_405 = arith.constant 0 : i32
        %swap3A_406 = arith.index_cast %swap3A_405 : i32 to index
        %swap3A_407 = arith.index_cast %add3A_135 : i32 to index
        %swap3A_408 = arith.constant 352 : index
        %swap3A_409 = tpu.vector_load %arg7[%swap3A_406, %swap3A_407, %swap3A_408] {strides = array<i32>} : memref<1x50x1000xf32, #tpu.memory_space<vmem>>, vector<16xf32>,
        tpu.vector_store %arg7[%swap3A_406, %swap3A_407, %swap3A_408], %get3A_404 {strides = array<i32>} : memref<1x50x1000xf32, #tpu.memory_space<vmem>>, vector<16xf32>,
        %add3A_410 = arith.constant 0 : i32
        %add3A_411 = arith.addi %add3A_410, %scan3A_133 : i32
        %get3A_412 = arith.constant 2 : i32
        %get3A_413 = arith.index_cast %add3A_411 : i32 to index
        %get3A_414 = arith.index_cast %get3A_412 : i32 to index
        %get3A_415 = arith.constant 112 : index
        %get3A_416 = tpu.vector_load %arg6[%get3A_413, %get3A_414, %get3A_415] {strides = array<i32>} : memref<50x8x128xf32, #tpu.memory_space<vmem>>, vector<16xf32>,
        %swap3A_417 = arith.constant 0 : i32
        %swap3A_418 = arith.index_cast %swap3A_417 : i32 to index
        %swap3A_419 = arith.index_cast %add3A_135 : i32 to index
        %swap3A_420 = arith.constant 368 : index
        %swap3A_421 = tpu.vector_load %arg7[%swap3A_418, %swap3A_419, %swap3A_420] {strides = array<i32>} : memref<1x50x1000xf32, #tpu.memory_space<vmem>>, vector<16xf32>,
        tpu.vector_store %arg7[%swap3A_418, %swap3A_419, %swap3A_420], %get3A_416 {strides = array<i32>} : memref<1x50x1000xf32, #tpu.memory_space<vmem>>, vector<16xf32>,
        %add3A_422 = arith.constant 0 : i32
        %add3A_423 = arith.addi %add3A_422, %scan3A_133 : i32
        %get3A_424 = arith.constant 3 : i32
        %get3A_425 = arith.index_cast %add3A_423 : i32 to index
        %get3A_426 = arith.index_cast %get3A_424 : i32 to index
        %get3A_427 = arith.constant 0 : index
        %get3A_428 = tpu.vector_load %arg6[%get3A_425, %get3A_426, %get3A_427] {strides = array<i32>} : memref<50x8x128xf32, #tpu.memory_space<vmem>>, vector<16xf32>,
        %swap3A_429 = arith.constant 0 : i32
        %swap3A_430 = arith.index_cast %swap3A_429 : i32 to index
        %swap3A_431 = arith.index_cast %add3A_135 : i32 to index
        %swap3A_432 = arith.constant 384 : index
        %swap3A_433 = tpu.vector_load %arg7[%swap3A_430, %swap3A_431, %swap3A_432] {strides = array<i32>} : memref<1x50x1000xf32, #tpu.memory_space<vmem>>, vector<16xf32>,
        tpu.vector_store %arg7[%swap3A_430, %swap3A_431, %swap3A_432], %get3A_428 {strides = array<i32>} : memref<1x50x1000xf32, #tpu.memory_space<vmem>>, vector<16xf32>,
        %add3A_434 = arith.constant 0 : i32
        %add3A_435 = arith.addi %add3A_434, %scan3A_133 : i32
        %get3A_436 = arith.constant 3 : i32
        %get3A_437 = arith.index_cast %add3A_435 : i32 to index
        %get3A_438 = arith.index_cast %get3A_436 : i32 to index
        %get3A_439 = arith.constant 16 : index
        %get3A_440 = tpu.vector_load %arg6[%get3A_437, %get3A_438, %get3A_439] {strides = array<i32>} : memref<50x8x128xf32, #tpu.memory_space<vmem>>, vector<16xf32>,
        %swap3A_441 = arith.constant 0 : i32
        %swap3A_442 = arith.index_cast %swap3A_441 : i32 to index
        %swap3A_443 = arith.index_cast %add3A_135 : i32 to index
        %swap3A_444 = arith.constant 400 : index
        %swap3A_445 = tpu.vector_load %arg7[%swap3A_442, %swap3A_443, %swap3A_444] {strides = array<i32>} : memref<1x50x1000xf32, #tpu.memory_space<vmem>>, vector<16xf32>,
        tpu.vector_store %arg7[%swap3A_442, %swap3A_443, %swap3A_444], %get3A_440 {strides = array<i32>} : memref<1x50x1000xf32, #tpu.memory_space<vmem>>, vector<16xf32>,
        %add3A_446 = arith.constant 0 : i32
        %add3A_447 = arith.addi %add3A_446, %scan3A_133 : i32
        %get3A_448 = arith.constant 3 : i32
        %get3A_449 = arith.index_cast %add3A_447 : i32 to index
        %get3A_450 = arith.index_cast %get3A_448 : i32 to index
        %get3A_451 = arith.constant 32 : index
        %get3A_452 = tpu.vector_load %arg6[%get3A_449, %get3A_450, %get3A_451] {strides = array<i32>} : memref<50x8x128xf32, #tpu.memory_space<vmem>>, vector<16xf32>,
        %swap3A_453 = arith.constant 0 : i32
        %swap3A_454 = arith.index_cast %swap3A_453 : i32 to index
        %swap3A_455 = arith.index_cast %add3A_135 : i32 to index
        %swap3A_456 = arith.constant 416 : index
        %swap3A_457 = tpu.vector_load %arg7[%swap3A_454, %swap3A_455, %swap3A_456] {strides = array<i32>} : memref<1x50x1000xf32, #tpu.memory_space<vmem>>, vector<16xf32>,
        tpu.vector_store %arg7[%swap3A_454, %swap3A_455, %swap3A_456], %get3A_452 {strides = array<i32>} : memref<1x50x1000xf32, #tpu.memory_space<vmem>>, vector<16xf32>,
        %add3A_458 = arith.constant 0 : i32
        %add3A_459 = arith.addi %add3A_458, %scan3A_133 : i32
        %get3A_460 = arith.constant 3 : i32
        %get3A_461 = arith.index_cast %add3A_459 : i32 to index
        %get3A_462 = arith.index_cast %get3A_460 : i32 to index
        %get3A_463 = arith.constant 48 : index
        %get3A_464 = tpu.vector_load %arg6[%get3A_461, %get3A_462, %get3A_463] {strides = array<i32>} : memref<50x8x128xf32, #tpu.memory_space<vmem>>, vector<16xf32>,
        %swap3A_465 = arith.constant 0 : i32
        %swap3A_466 = arith.index_cast %swap3A_465 : i32 to index
        %swap3A_467 = arith.index_cast %add3A_135 : i32 to index
        %swap3A_468 = arith.constant 432 : index
        %swap3A_469 = tpu.vector_load %arg7[%swap3A_466, %swap3A_467, %swap3A_468] {strides = array<i32>} : memref<1x50x1000xf32, #tpu.memory_space<vmem>>, vector<16xf32>,
        tpu.vector_store %arg7[%swap3A_466, %swap3A_467, %swap3A_468], %get3A_464 {strides = array<i32>} : memref<1x50x1000xf32, #tpu.memory_space<vmem>>, vector<16xf32>,
        %add3A_470 = arith.constant 0 : i32
        %add3A_471 = arith.addi %add3A_470, %scan3A_133 : i32
        %get3A_472 = arith.constant 3 : i32
        %get3A_473 = arith.index_cast %add3A_471 : i32 to index
        %get3A_474 = arith.index_cast %get3A_472 : i32 to index
        %get3A_475 = arith.constant 64 : index
        %get3A_476 = tpu.vector_load %arg6[%get3A_473, %get3A_474, %get3A_475] {strides = array<i32>} : memref<50x8x128xf32, #tpu.memory_space<vmem>>, vector<16xf32>,
        %swap3A_477 = arith.constant 0 : i32
        %swap3A_478 = arith.index_cast %swap3A_477 : i32 to index
        %swap3A_479 = arith.index_cast %add3A_135 : i32 to index
        %swap3A_480 = arith.constant 448 : index
        %swap3A_481 = tpu.vector_load %arg7[%swap3A_478, %swap3A_479, %swap3A_480] {strides = array<i32>} : memref<1x50x1000xf32, #tpu.memory_space<vmem>>, vector<16xf32>,
        tpu.vector_store %arg7[%swap3A_478, %swap3A_479, %swap3A_480], %get3A_476 {strides = array<i32>} : memref<1x50x1000xf32, #tpu.memory_space<vmem>>, vector<16xf32>,
        %add3A_482 = arith.constant 0 : i32
        %add3A_483 = arith.addi %add3A_482, %scan3A_133 : i32
        %get3A_484 = arith.constant 3 : i32
        %get3A_485 = arith.index_cast %add3A_483 : i32 to index
        %get3A_486 = arith.index_cast %get3A_484 : i32 to index
        %get3A_487 = arith.constant 80 : index
        %get3A_488 = tpu.vector_load %arg6[%get3A_485, %get3A_486, %get3A_487] {strides = array<i32>} : memref<50x8x128xf32, #tpu.memory_space<vmem>>, vector<16xf32>,
        %swap3A_489 = arith.constant 0 : i32
        %swap3A_490 = arith.index_cast %swap3A_489 : i32 to index
        %swap3A_491 = arith.index_cast %add3A_135 : i32 to index
        %swap3A_492 = arith.constant 464 : index
        %swap3A_493 = tpu.vector_load %arg7[%swap3A_490, %swap3A_491, %swap3A_492] {strides = array<i32>} : memref<1x50x1000xf32, #tpu.memory_space<vmem>>, vector<16xf32>,
        tpu.vector_store %arg7[%swap3A_490, %swap3A_491, %swap3A_492], %get3A_488 {strides = array<i32>} : memref<1x50x1000xf32, #tpu.memory_space<vmem>>, vector<16xf32>,
        %add3A_494 = arith.constant 0 : i32
        %add3A_495 = arith.addi %add3A_494, %scan3A_133 : i32
        %get3A_496 = arith.constant 3 : i32
        %get3A_497 = arith.index_cast %add3A_495 : i32 to index
        %get3A_498 = arith.index_cast %get3A_496 : i32 to index
        %get3A_499 = arith.constant 96 : index
        %get3A_500 = tpu.vector_load %arg6[%get3A_497, %get3A_498, %get3A_499] {strides = array<i32>} : memref<50x8x128xf32, #tpu.memory_space<vmem>>, vector<16xf32>,
        %swap3A_501 = arith.constant 0 : i32
        %swap3A_502 = arith.index_cast %swap3A_501 : i32 to index
        %swap3A_503 = arith.index_cast %add3A_135 : i32 to index
        %swap3A_504 = arith.constant 480 : index
        %swap3A_505 = tpu.vector_load %arg7[%swap3A_502, %swap3A_503, %swap3A_504] {strides = array<i32>} : memref<1x50x1000xf32, #tpu.memory_space<vmem>>, vector<16xf32>,
        tpu.vector_store %arg7[%swap3A_502, %swap3A_503, %swap3A_504], %get3A_500 {strides = array<i32>} : memref<1x50x1000xf32, #tpu.memory_space<vmem>>, vector<16xf32>,
        %add3A_506 = arith.constant 0 : i32
        %add3A_507 = arith.addi %add3A_506, %scan3A_133 : i32
        %get3A_508 = arith.constant 3 : i32
        %get3A_509 = arith.index_cast %add3A_507 : i32 to index
        %get3A_510 = arith.index_cast %get3A_508 : i32 to index
        %get3A_511 = arith.constant 112 : index
        %get3A_512 = tpu.vector_load %arg6[%get3A_509, %get3A_510, %get3A_511] {strides = array<i32>} : memref<50x8x128xf32, #tpu.memory_space<vmem>>, vector<16xf32>,
        %swap3A_513 = arith.constant 0 : i32
        %swap3A_514 = arith.index_cast %swap3A_513 : i32 to index
        %swap3A_515 = arith.index_cast %add3A_135 : i32 to index
        %swap3A_516 = arith.constant 496 : index
        %swap3A_517 = tpu.vector_load %arg7[%swap3A_514, %swap3A_515, %swap3A_516] {strides = array<i32>} : memref<1x50x1000xf32, #tpu.memory_space<vmem>>, vector<16xf32>,
        tpu.vector_store %arg7[%swap3A_514, %swap3A_515, %swap3A_516], %get3A_512 {strides = array<i32>} : memref<1x50x1000xf32, #tpu.memory_space<vmem>>, vector<16xf32>,
        %add3A_518 = arith.constant 0 : i32
        %add3A_519 = arith.addi %add3A_518, %scan3A_133 : i32
        %get3A_520 = arith.constant 4 : i32
        %get3A_521 = arith.index_cast %add3A_519 : i32 to index
        %get3A_522 = arith.index_cast %get3A_520 : i32 to index
        %get3A_523 = arith.constant 0 : index
        %get3A_524 = tpu.vector_load %arg6[%get3A_521, %get3A_522, %get3A_523] {strides = array<i32>} : memref<50x8x128xf32, #tpu.memory_space<vmem>>, vector<16xf32>,
        %swap3A_525 = arith.constant 0 : i32
        %swap3A_526 = arith.index_cast %swap3A_525 : i32 to index
        %swap3A_527 = arith.index_cast %add3A_135 : i32 to index
        %swap3A_528 = arith.constant 512 : index
        %swap3A_529 = tpu.vector_load %arg7[%swap3A_526, %swap3A_527, %swap3A_528] {strides = array<i32>} : memref<1x50x1000xf32, #tpu.memory_space<vmem>>, vector<16xf32>,
        tpu.vector_store %arg7[%swap3A_526, %swap3A_527, %swap3A_528], %get3A_524 {strides = array<i32>} : memref<1x50x1000xf32, #tpu.memory_space<vmem>>, vector<16xf32>,
        %add3A_530 = arith.constant 0 : i32
        %add3A_531 = arith.addi %add3A_530, %scan3A_133 : i32
        %get3A_532 = arith.constant 4 : i32
        %get3A_533 = arith.index_cast %add3A_531 : i32 to index
        %get3A_534 = arith.index_cast %get3A_532 : i32 to index
        %get3A_535 = arith.constant 16 : index
        %get3A_536 = tpu.vector_load %arg6[%get3A_533, %get3A_534, %get3A_535] {strides = array<i32>} : memref<50x8x128xf32, #tpu.memory_space<vmem>>, vector<16xf32>,
        %swap3A_537 = arith.constant 0 : i32
        %swap3A_538 = arith.index_cast %swap3A_537 : i32 to index
        %swap3A_539 = arith.index_cast %add3A_135 : i32 to index
        %swap3A_540 = arith.constant 528 : index
        %swap3A_541 = tpu.vector_load %arg7[%swap3A_538, %swap3A_539, %swap3A_540] {strides = array<i32>} : memref<1x50x1000xf32, #tpu.memory_space<vmem>>, vector<16xf32>,
        tpu.vector_store %arg7[%swap3A_538, %swap3A_539, %swap3A_540], %get3A_536 {strides = array<i32>} : memref<1x50x1000xf32, #tpu.memory_space<vmem>>, vector<16xf32>,
        %add3A_542 = arith.constant 0 : i32
        %add3A_543 = arith.addi %add3A_542, %scan3A_133 : i32
        %get3A_544 = arith.constant 4 : i32
        %get3A_545 = arith.index_cast %add3A_543 : i32 to index
        %get3A_546 = arith.index_cast %get3A_544 : i32 to index
        %get3A_547 = arith.constant 32 : index
        %get3A_548 = tpu.vector_load %arg6[%get3A_545, %get3A_546, %get3A_547] {strides = array<i32>} : memref<50x8x128xf32, #tpu.memory_space<vmem>>, vector<16xf32>,
        %swap3A_549 = arith.constant 0 : i32
        %swap3A_550 = arith.index_cast %swap3A_549 : i32 to index
        %swap3A_551 = arith.index_cast %add3A_135 : i32 to index
        %swap3A_552 = arith.constant 544 : index
        %swap3A_553 = tpu.vector_load %arg7[%swap3A_550, %swap3A_551, %swap3A_552] {strides = array<i32>} : memref<1x50x1000xf32, #tpu.memory_space<vmem>>, vector<16xf32>,
        tpu.vector_store %arg7[%swap3A_550, %swap3A_551, %swap3A_552], %get3A_548 {strides = array<i32>} : memref<1x50x1000xf32, #tpu.memory_space<vmem>>, vector<16xf32>,
        %add3A_554 = arith.constant 0 : i32
        %add3A_555 = arith.addi %add3A_554, %scan3A_133 : i32
        %get3A_556 = arith.constant 4 : i32
        %get3A_557 = arith.index_cast %add3A_555 : i32 to index
        %get3A_558 = arith.index_cast %get3A_556 : i32 to index
        %get3A_559 = arith.constant 48 : index
        %get3A_560 = tpu.vector_load %arg6[%get3A_557, %get3A_558, %get3A_559] {strides = array<i32>} : memref<50x8x128xf32, #tpu.memory_space<vmem>>, vector<16xf32>,
        %swap3A_561 = arith.constant 0 : i32
        %swap3A_562 = arith.index_cast %swap3A_561 : i32 to index
        %swap3A_563 = arith.index_cast %add3A_135 : i32 to index
        %swap3A_564 = arith.constant 560 : index
        %swap3A_565 = tpu.vector_load %arg7[%swap3A_562, %swap3A_563, %swap3A_564] {strides = array<i32>} : memref<1x50x1000xf32, #tpu.memory_space<vmem>>, vector<16xf32>,
        tpu.vector_store %arg7[%swap3A_562, %swap3A_563, %swap3A_564], %get3A_560 {strides = array<i32>} : memref<1x50x1000xf32, #tpu.memory_space<vmem>>, vector<16xf32>,
        %add3A_566 = arith.constant 0 : i32
        %add3A_567 = arith.addi %add3A_566, %scan3A_133 : i32
        %get3A_568 = arith.constant 4 : i32
        %get3A_569 = arith.index_cast %add3A_567 : i32 to index
        %get3A_570 = arith.index_cast %get3A_568 : i32 to index
        %get3A_571 = arith.constant 64 : index
        %get3A_572 = tpu.vector_load %arg6[%get3A_569, %get3A_570, %get3A_571] {strides = array<i32>} : memref<50x8x128xf32, #tpu.memory_space<vmem>>, vector<16xf32>,
        %swap3A_573 = arith.constant 0 : i32
        %swap3A_574 = arith.index_cast %swap3A_573 : i32 to index
        %swap3A_575 = arith.index_cast %add3A_135 : i32 to index
        %swap3A_576 = arith.constant 576 : index
        %swap3A_577 = tpu.vector_load %arg7[%swap3A_574, %swap3A_575, %swap3A_576] {strides = array<i32>} : memref<1x50x1000xf32, #tpu.memory_space<vmem>>, vector<16xf32>,
        tpu.vector_store %arg7[%swap3A_574, %swap3A_575, %swap3A_576], %get3A_572 {strides = array<i32>} : memref<1x50x1000xf32, #tpu.memory_space<vmem>>, vector<16xf32>,
        %add3A_578 = arith.constant 0 : i32
        %add3A_579 = arith.addi %add3A_578, %scan3A_133 : i32
        %get3A_580 = arith.constant 4 : i32
        %get3A_581 = arith.index_cast %add3A_579 : i32 to index
        %get3A_582 = arith.index_cast %get3A_580 : i32 to index
        %get3A_583 = arith.constant 80 : index
        %get3A_584 = tpu.vector_load %arg6[%get3A_581, %get3A_582, %get3A_583] {strides = array<i32>} : memref<50x8x128xf32, #tpu.memory_space<vmem>>, vector<16xf32>,
        %swap3A_585 = arith.constant 0 : i32
        %swap3A_586 = arith.index_cast %swap3A_585 : i32 to index
        %swap3A_587 = arith.index_cast %add3A_135 : i32 to index
        %swap3A_588 = arith.constant 592 : index
        %swap3A_589 = tpu.vector_load %arg7[%swap3A_586, %swap3A_587, %swap3A_588] {strides = array<i32>} : memref<1x50x1000xf32, #tpu.memory_space<vmem>>, vector<16xf32>,
        tpu.vector_store %arg7[%swap3A_586, %swap3A_587, %swap3A_588], %get3A_584 {strides = array<i32>} : memref<1x50x1000xf32, #tpu.memory_space<vmem>>, vector<16xf32>,
        %add3A_590 = arith.constant 0 : i32
        %add3A_591 = arith.addi %add3A_590, %scan3A_133 : i32
        %get3A_592 = arith.constant 4 : i32
        %get3A_593 = arith.index_cast %add3A_591 : i32 to index
        %get3A_594 = arith.index_cast %get3A_592 : i32 to index
        %get3A_595 = arith.constant 96 : index
        %get3A_596 = tpu.vector_load %arg6[%get3A_593, %get3A_594, %get3A_595] {strides = array<i32>} : memref<50x8x128xf32, #tpu.memory_space<vmem>>, vector<16xf32>,
        %swap3A_597 = arith.constant 0 : i32
        %swap3A_598 = arith.index_cast %swap3A_597 : i32 to index
        %swap3A_599 = arith.index_cast %add3A_135 : i32 to index
        %swap3A_600 = arith.constant 608 : index
        %swap3A_601 = tpu.vector_load %arg7[%swap3A_598, %swap3A_599, %swap3A_600] {strides = array<i32>} : memref<1x50x1000xf32, #tpu.memory_space<vmem>>, vector<16xf32>,
        tpu.vector_store %arg7[%swap3A_598, %swap3A_599, %swap3A_600], %get3A_596 {strides = array<i32>} : memref<1x50x1000xf32, #tpu.memory_space<vmem>>, vector<16xf32>,
        %add3A_602 = arith.constant 0 : i32
        %add3A_603 = arith.addi %add3A_602, %scan3A_133 : i32
        %get3A_604 = arith.constant 4 : i32
        %get3A_605 = arith.index_cast %add3A_603 : i32 to index
        %get3A_606 = arith.index_cast %get3A_604 : i32 to index
        %get3A_607 = arith.constant 112 : index
        %get3A_608 = tpu.vector_load %arg6[%get3A_605, %get3A_606, %get3A_607] {strides = array<i32>} : memref<50x8x128xf32, #tpu.memory_space<vmem>>, vector<16xf32>,
        %swap3A_609 = arith.constant 0 : i32
        %swap3A_610 = arith.index_cast %swap3A_609 : i32 to index
        %swap3A_611 = arith.index_cast %add3A_135 : i32 to index
        %swap3A_612 = arith.constant 624 : index
        %swap3A_613 = tpu.vector_load %arg7[%swap3A_610, %swap3A_611, %swap3A_612] {strides = array<i32>} : memref<1x50x1000xf32, #tpu.memory_space<vmem>>, vector<16xf32>,
        tpu.vector_store %arg7[%swap3A_610, %swap3A_611, %swap3A_612], %get3A_608 {strides = array<i32>} : memref<1x50x1000xf32, #tpu.memory_space<vmem>>, vector<16xf32>,
        %add3A_614 = arith.constant 0 : i32
        %add3A_615 = arith.addi %add3A_614, %scan3A_133 : i32
        %get3A_616 = arith.constant 5 : i32
        %get3A_617 = arith.index_cast %add3A_615 : i32 to index
        %get3A_618 = arith.index_cast %get3A_616 : i32 to index
        %get3A_619 = arith.constant 0 : index
        %get3A_620 = tpu.vector_load %arg6[%get3A_617, %get3A_618, %get3A_619] {strides = array<i32>} : memref<50x8x128xf32, #tpu.memory_space<vmem>>, vector<16xf32>,
        %swap3A_621 = arith.constant 0 : i32
        %swap3A_622 = arith.index_cast %swap3A_621 : i32 to index
        %swap3A_623 = arith.index_cast %add3A_135 : i32 to index
        %swap3A_624 = arith.constant 640 : index
        %swap3A_625 = tpu.vector_load %arg7[%swap3A_622, %swap3A_623, %swap3A_624] {strides = array<i32>} : memref<1x50x1000xf32, #tpu.memory_space<vmem>>, vector<16xf32>,
        tpu.vector_store %arg7[%swap3A_622, %swap3A_623, %swap3A_624], %get3A_620 {strides = array<i32>} : memref<1x50x1000xf32, #tpu.memory_space<vmem>>, vector<16xf32>,
        %add3A_626 = arith.constant 0 : i32
        %add3A_627 = arith.addi %add3A_626, %scan3A_133 : i32
        %get3A_628 = arith.constant 5 : i32
        %get3A_629 = arith.index_cast %add3A_627 : i32 to index
        %get3A_630 = arith.index_cast %get3A_628 : i32 to index
        %get3A_631 = arith.constant 16 : index
        %get3A_632 = tpu.vector_load %arg6[%get3A_629, %get3A_630, %get3A_631] {strides = array<i32>} : memref<50x8x128xf32, #tpu.memory_space<vmem>>, vector<16xf32>,
        %swap3A_633 = arith.constant 0 : i32
        %swap3A_634 = arith.index_cast %swap3A_633 : i32 to index
        %swap3A_635 = arith.index_cast %add3A_135 : i32 to index
        %swap3A_636 = arith.constant 656 : index
        %swap3A_637 = tpu.vector_load %arg7[%swap3A_634, %swap3A_635, %swap3A_636] {strides = array<i32>} : memref<1x50x1000xf32, #tpu.memory_space<vmem>>, vector<16xf32>,
        tpu.vector_store %arg7[%swap3A_634, %swap3A_635, %swap3A_636], %get3A_632 {strides = array<i32>} : memref<1x50x1000xf32, #tpu.memory_space<vmem>>, vector<16xf32>,
        %add3A_638 = arith.constant 0 : i32
        %add3A_639 = arith.addi %add3A_638, %scan3A_133 : i32
        %get3A_640 = arith.constant 5 : i32
        %get3A_641 = arith.index_cast %add3A_639 : i32 to index
        %get3A_642 = arith.index_cast %get3A_640 : i32 to index
        %get3A_643 = arith.constant 32 : index
        %get3A_644 = tpu.vector_load %arg6[%get3A_641, %get3A_642, %get3A_643] {strides = array<i32>} : memref<50x8x128xf32, #tpu.memory_space<vmem>>, vector<16xf32>,
        %swap3A_645 = arith.constant 0 : i32
        %swap3A_646 = arith.index_cast %swap3A_645 : i32 to index
        %swap3A_647 = arith.index_cast %add3A_135 : i32 to index
        %swap3A_648 = arith.constant 672 : index
        %swap3A_649 = tpu.vector_load %arg7[%swap3A_646, %swap3A_647, %swap3A_648] {strides = array<i32>} : memref<1x50x1000xf32, #tpu.memory_space<vmem>>, vector<16xf32>,
        tpu.vector_store %arg7[%swap3A_646, %swap3A_647, %swap3A_648], %get3A_644 {strides = array<i32>} : memref<1x50x1000xf32, #tpu.memory_space<vmem>>, vector<16xf32>,
        %add3A_650 = arith.constant 0 : i32
        %add3A_651 = arith.addi %add3A_650, %scan3A_133 : i32
        %get3A_652 = arith.constant 5 : i32
        %get3A_653 = arith.index_cast %add3A_651 : i32 to index
        %get3A_654 = arith.index_cast %get3A_652 : i32 to index
        %get3A_655 = arith.constant 48 : index
        %get3A_656 = tpu.vector_load %arg6[%get3A_653, %get3A_654, %get3A_655] {strides = array<i32>} : memref<50x8x128xf32, #tpu.memory_space<vmem>>, vector<16xf32>,
        %swap3A_657 = arith.constant 0 : i32
        %swap3A_658 = arith.index_cast %swap3A_657 : i32 to index
        %swap3A_659 = arith.index_cast %add3A_135 : i32 to index
        %swap3A_660 = arith.constant 688 : index
        %swap3A_661 = tpu.vector_load %arg7[%swap3A_658, %swap3A_659, %swap3A_660] {strides = array<i32>} : memref<1x50x1000xf32, #tpu.memory_space<vmem>>, vector<16xf32>,
        tpu.vector_store %arg7[%swap3A_658, %swap3A_659, %swap3A_660], %get3A_656 {strides = array<i32>} : memref<1x50x1000xf32, #tpu.memory_space<vmem>>, vector<16xf32>,
        %add3A_662 = arith.constant 0 : i32
        %add3A_663 = arith.addi %add3A_662, %scan3A_133 : i32
        %get3A_664 = arith.constant 5 : i32
        %get3A_665 = arith.index_cast %add3A_663 : i32 to index
        %get3A_666 = arith.index_cast %get3A_664 : i32 to index
        %get3A_667 = arith.constant 64 : index
        %get3A_668 = tpu.vector_load %arg6[%get3A_665, %get3A_666, %get3A_667] {strides = array<i32>} : memref<50x8x128xf32, #tpu.memory_space<vmem>>, vector<16xf32>,
        %swap3A_669 = arith.constant 0 : i32
        %swap3A_670 = arith.index_cast %swap3A_669 : i32 to index
        %swap3A_671 = arith.index_cast %add3A_135 : i32 to index
        %swap3A_672 = arith.constant 704 : index
        %swap3A_673 = tpu.vector_load %arg7[%swap3A_670, %swap3A_671, %swap3A_672] {strides = array<i32>} : memref<1x50x1000xf32, #tpu.memory_space<vmem>>, vector<16xf32>,
        tpu.vector_store %arg7[%swap3A_670, %swap3A_671, %swap3A_672], %get3A_668 {strides = array<i32>} : memref<1x50x1000xf32, #tpu.memory_space<vmem>>, vector<16xf32>,
        %add3A_674 = arith.constant 0 : i32
        %add3A_675 = arith.addi %add3A_674, %scan3A_133 : i32
        %get3A_676 = arith.constant 5 : i32
        %get3A_677 = arith.index_cast %add3A_675 : i32 to index
        %get3A_678 = arith.index_cast %get3A_676 : i32 to index
        %get3A_679 = arith.constant 80 : index
        %get3A_680 = tpu.vector_load %arg6[%get3A_677, %get3A_678, %get3A_679] {strides = array<i32>} : memref<50x8x128xf32, #tpu.memory_space<vmem>>, vector<16xf32>,
        %swap3A_681 = arith.constant 0 : i32
        %swap3A_682 = arith.index_cast %swap3A_681 : i32 to index
        %swap3A_683 = arith.index_cast %add3A_135 : i32 to index
        %swap3A_684 = arith.constant 720 : index
        %swap3A_685 = tpu.vector_load %arg7[%swap3A_682, %swap3A_683, %swap3A_684] {strides = array<i32>} : memref<1x50x1000xf32, #tpu.memory_space<vmem>>, vector<16xf32>,
        tpu.vector_store %arg7[%swap3A_682, %swap3A_683, %swap3A_684], %get3A_680 {strides = array<i32>} : memref<1x50x1000xf32, #tpu.memory_space<vmem>>, vector<16xf32>,
        %add3A_686 = arith.constant 0 : i32
        %add3A_687 = arith.addi %add3A_686, %scan3A_133 : i32
        %get3A_688 = arith.constant 5 : i32
        %get3A_689 = arith.index_cast %add3A_687 : i32 to index
        %get3A_690 = arith.index_cast %get3A_688 : i32 to index
        %get3A_691 = arith.constant 96 : index
        %get3A_692 = tpu.vector_load %arg6[%get3A_689, %get3A_690, %get3A_691] {strides = array<i32>} : memref<50x8x128xf32, #tpu.memory_space<vmem>>, vector<16xf32>,
        %swap3A_693 = arith.constant 0 : i32
        %swap3A_694 = arith.index_cast %swap3A_693 : i32 to index
        %swap3A_695 = arith.index_cast %add3A_135 : i32 to index
        %swap3A_696 = arith.constant 736 : index
        %swap3A_697 = tpu.vector_load %arg7[%swap3A_694, %swap3A_695, %swap3A_696] {strides = array<i32>} : memref<1x50x1000xf32, #tpu.memory_space<vmem>>, vector<16xf32>,
        tpu.vector_store %arg7[%swap3A_694, %swap3A_695, %swap3A_696], %get3A_692 {strides = array<i32>} : memref<1x50x1000xf32, #tpu.memory_space<vmem>>, vector<16xf32>,
        %add3A_698 = arith.constant 0 : i32
        %add3A_699 = arith.addi %add3A_698, %scan3A_133 : i32
        %get3A_700 = arith.constant 5 : i32
        %get3A_701 = arith.index_cast %add3A_699 : i32 to index
        %get3A_702 = arith.index_cast %get3A_700 : i32 to index
        %get3A_703 = arith.constant 112 : index
        %get3A_704 = tpu.vector_load %arg6[%get3A_701, %get3A_702, %get3A_703] {strides = array<i32>} : memref<50x8x128xf32, #tpu.memory_space<vmem>>, vector<16xf32>,
        %swap3A_705 = arith.constant 0 : i32
        %swap3A_706 = arith.index_cast %swap3A_705 : i32 to index
        %swap3A_707 = arith.index_cast %add3A_135 : i32 to index
        %swap3A_708 = arith.constant 752 : index
        %swap3A_709 = tpu.vector_load %arg7[%swap3A_706, %swap3A_707, %swap3A_708] {strides = array<i32>} : memref<1x50x1000xf32, #tpu.memory_space<vmem>>, vector<16xf32>,
        tpu.vector_store %arg7[%swap3A_706, %swap3A_707, %swap3A_708], %get3A_704 {strides = array<i32>} : memref<1x50x1000xf32, #tpu.memory_space<vmem>>, vector<16xf32>,
        %add3A_710 = arith.constant 0 : i32
        %add3A_711 = arith.addi %add3A_710, %scan3A_133 : i32
        %get3A_712 = arith.constant 6 : i32
        %get3A_713 = arith.index_cast %add3A_711 : i32 to index
        %get3A_714 = arith.index_cast %get3A_712 : i32 to index
        %get3A_715 = arith.constant 0 : index
        %get3A_716 = tpu.vector_load %arg6[%get3A_713, %get3A_714, %get3A_715] {strides = array<i32>} : memref<50x8x128xf32, #tpu.memory_space<vmem>>, vector<16xf32>,
        %swap3A_717 = arith.constant 0 : i32
        %swap3A_718 = arith.index_cast %swap3A_717 : i32 to index
        %swap3A_719 = arith.index_cast %add3A_135 : i32 to index
        %swap3A_720 = arith.constant 768 : index
        %swap3A_721 = tpu.vector_load %arg7[%swap3A_718, %swap3A_719, %swap3A_720] {strides = array<i32>} : memref<1x50x1000xf32, #tpu.memory_space<vmem>>, vector<16xf32>,
        tpu.vector_store %arg7[%swap3A_718, %swap3A_719, %swap3A_720], %get3A_716 {strides = array<i32>} : memref<1x50x1000xf32, #tpu.memory_space<vmem>>, vector<16xf32>,
        %add3A_722 = arith.constant 0 : i32
        %add3A_723 = arith.addi %add3A_722, %scan3A_133 : i32
        %get3A_724 = arith.constant 6 : i32
        %get3A_725 = arith.index_cast %add3A_723 : i32 to index
        %get3A_726 = arith.index_cast %get3A_724 : i32 to index
        %get3A_727 = arith.constant 16 : index
        %get3A_728 = tpu.vector_load %arg6[%get3A_725, %get3A_726, %get3A_727] {strides = array<i32>} : memref<50x8x128xf32, #tpu.memory_space<vmem>>, vector<16xf32>,
        %swap3A_729 = arith.constant 0 : i32
        %swap3A_730 = arith.index_cast %swap3A_729 : i32 to index
        %swap3A_731 = arith.index_cast %add3A_135 : i32 to index
        %swap3A_732 = arith.constant 784 : index
        %swap3A_733 = tpu.vector_load %arg7[%swap3A_730, %swap3A_731, %swap3A_732] {strides = array<i32>} : memref<1x50x1000xf32, #tpu.memory_space<vmem>>, vector<16xf32>,
        tpu.vector_store %arg7[%swap3A_730, %swap3A_731, %swap3A_732], %get3A_728 {strides = array<i32>} : memref<1x50x1000xf32, #tpu.memory_space<vmem>>, vector<16xf32>,
        %add3A_734 = arith.constant 0 : i32
        %add3A_735 = arith.addi %add3A_734, %scan3A_133 : i32
        %get3A_736 = arith.constant 6 : i32
        %get3A_737 = arith.index_cast %add3A_735 : i32 to index
        %get3A_738 = arith.index_cast %get3A_736 : i32 to index
        %get3A_739 = arith.constant 32 : index
        %get3A_740 = tpu.vector_load %arg6[%get3A_737, %get3A_738, %get3A_739] {strides = array<i32>} : memref<50x8x128xf32, #tpu.memory_space<vmem>>, vector<16xf32>,
        %swap3A_741 = arith.constant 0 : i32
        %swap3A_742 = arith.index_cast %swap3A_741 : i32 to index
        %swap3A_743 = arith.index_cast %add3A_135 : i32 to index
        %swap3A_744 = arith.constant 800 : index
        %swap3A_745 = tpu.vector_load %arg7[%swap3A_742, %swap3A_743, %swap3A_744] {strides = array<i32>} : memref<1x50x1000xf32, #tpu.memory_space<vmem>>, vector<16xf32>,
        tpu.vector_store %arg7[%swap3A_742, %swap3A_743, %swap3A_744], %get3A_740 {strides = array<i32>} : memref<1x50x1000xf32, #tpu.memory_space<vmem>>, vector<16xf32>,
        %add3A_746 = arith.constant 0 : i32
        %add3A_747 = arith.addi %add3A_746, %scan3A_133 : i32
        %get3A_748 = arith.constant 6 : i32
        %get3A_749 = arith.index_cast %add3A_747 : i32 to index
        %get3A_750 = arith.index_cast %get3A_748 : i32 to index
        %get3A_751 = arith.constant 48 : index
        %get3A_752 = tpu.vector_load %arg6[%get3A_749, %get3A_750, %get3A_751] {strides = array<i32>} : memref<50x8x128xf32, #tpu.memory_space<vmem>>, vector<16xf32>,
        %swap3A_753 = arith.constant 0 : i32
        %swap3A_754 = arith.index_cast %swap3A_753 : i32 to index
        %swap3A_755 = arith.index_cast %add3A_135 : i32 to index
        %swap3A_756 = arith.constant 816 : index
        %swap3A_757 = tpu.vector_load %arg7[%swap3A_754, %swap3A_755, %swap3A_756] {strides = array<i32>} : memref<1x50x1000xf32, #tpu.memory_space<vmem>>, vector<16xf32>,
        tpu.vector_store %arg7[%swap3A_754, %swap3A_755, %swap3A_756], %get3A_752 {strides = array<i32>} : memref<1x50x1000xf32, #tpu.memory_space<vmem>>, vector<16xf32>,
        %add3A_758 = arith.constant 0 : i32
        %add3A_759 = arith.addi %add3A_758, %scan3A_133 : i32
        %get3A_760 = arith.constant 6 : i32
        %get3A_761 = arith.index_cast %add3A_759 : i32 to index
        %get3A_762 = arith.index_cast %get3A_760 : i32 to index
        %get3A_763 = arith.constant 64 : index
        %get3A_764 = tpu.vector_load %arg6[%get3A_761, %get3A_762, %get3A_763] {strides = array<i32>} : memref<50x8x128xf32, #tpu.memory_space<vmem>>, vector<16xf32>,
        %swap3A_765 = arith.constant 0 : i32
        %swap3A_766 = arith.index_cast %swap3A_765 : i32 to index
        %swap3A_767 = arith.index_cast %add3A_135 : i32 to index
        %swap3A_768 = arith.constant 832 : index
        %swap3A_769 = tpu.vector_load %arg7[%swap3A_766, %swap3A_767, %swap3A_768] {strides = array<i32>} : memref<1x50x1000xf32, #tpu.memory_space<vmem>>, vector<16xf32>,
        tpu.vector_store %arg7[%swap3A_766, %swap3A_767, %swap3A_768], %get3A_764 {strides = array<i32>} : memref<1x50x1000xf32, #tpu.memory_space<vmem>>, vector<16xf32>,
        %add3A_770 = arith.constant 0 : i32
        %add3A_771 = arith.addi %add3A_770, %scan3A_133 : i32
        %get3A_772 = arith.constant 6 : i32
        %get3A_773 = arith.index_cast %add3A_771 : i32 to index
        %get3A_774 = arith.index_cast %get3A_772 : i32 to index
        %get3A_775 = arith.constant 80 : index
        %get3A_776 = tpu.vector_load %arg6[%get3A_773, %get3A_774, %get3A_775] {strides = array<i32>} : memref<50x8x128xf32, #tpu.memory_space<vmem>>, vector<16xf32>,
        %swap3A_777 = arith.constant 0 : i32
        %swap3A_778 = arith.index_cast %swap3A_777 : i32 to index
        %swap3A_779 = arith.index_cast %add3A_135 : i32 to index
        %swap3A_780 = arith.constant 848 : index
        %swap3A_781 = tpu.vector_load %arg7[%swap3A_778, %swap3A_779, %swap3A_780] {strides = array<i32>} : memref<1x50x1000xf32, #tpu.memory_space<vmem>>, vector<16xf32>,
        tpu.vector_store %arg7[%swap3A_778, %swap3A_779, %swap3A_780], %get3A_776 {strides = array<i32>} : memref<1x50x1000xf32, #tpu.memory_space<vmem>>, vector<16xf32>,
        %add3A_782 = arith.constant 0 : i32
        %add3A_783 = arith.addi %add3A_782, %scan3A_133 : i32
        %get3A_784 = arith.constant 6 : i32
        %get3A_785 = arith.index_cast %add3A_783 : i32 to index
        %get3A_786 = arith.index_cast %get3A_784 : i32 to index
        %get3A_787 = arith.constant 96 : index
        %get3A_788 = tpu.vector_load %arg6[%get3A_785, %get3A_786, %get3A_787] {strides = array<i32>} : memref<50x8x128xf32, #tpu.memory_space<vmem>>, vector<16xf32>,
        %swap3A_789 = arith.constant 0 : i32
        %swap3A_790 = arith.index_cast %swap3A_789 : i32 to index
        %swap3A_791 = arith.index_cast %add3A_135 : i32 to index
        %swap3A_792 = arith.constant 864 : index
        %swap3A_793 = tpu.vector_load %arg7[%swap3A_790, %swap3A_791, %swap3A_792] {strides = array<i32>} : memref<1x50x1000xf32, #tpu.memory_space<vmem>>, vector<16xf32>,
        tpu.vector_store %arg7[%swap3A_790, %swap3A_791, %swap3A_792], %get3A_788 {strides = array<i32>} : memref<1x50x1000xf32, #tpu.memory_space<vmem>>, vector<16xf32>,
        %add3A_794 = arith.constant 0 : i32
        %add3A_795 = arith.addi %add3A_794, %scan3A_133 : i32
        %get3A_796 = arith.constant 6 : i32
        %get3A_797 = arith.index_cast %add3A_795 : i32 to index
        %get3A_798 = arith.index_cast %get3A_796 : i32 to index
        %get3A_799 = arith.constant 112 : index
        %get3A_800 = tpu.vector_load %arg6[%get3A_797, %get3A_798, %get3A_799] {strides = array<i32>} : memref<50x8x128xf32, #tpu.memory_space<vmem>>, vector<16xf32>,
        %swap3A_801 = arith.constant 0 : i32
        %swap3A_802 = arith.index_cast %swap3A_801 : i32 to index
        %swap3A_803 = arith.index_cast %add3A_135 : i32 to index
        %swap3A_804 = arith.constant 880 : index
        %swap3A_805 = tpu.vector_load %arg7[%swap3A_802, %swap3A_803, %swap3A_804] {strides = array<i32>} : memref<1x50x1000xf32, #tpu.memory_space<vmem>>, vector<16xf32>,
        tpu.vector_store %arg7[%swap3A_802, %swap3A_803, %swap3A_804], %get3A_800 {strides = array<i32>} : memref<1x50x1000xf32, #tpu.memory_space<vmem>>, vector<16xf32>,
        %add3A_806 = arith.constant 0 : i32
        %add3A_807 = arith.addi %add3A_806, %scan3A_133 : i32
        %get3A_808 = arith.constant 7 : i32
        %get3A_809 = arith.index_cast %add3A_807 : i32 to index
        %get3A_810 = arith.index_cast %get3A_808 : i32 to index
        %get3A_811 = arith.constant 0 : index
        %get3A_812 = tpu.vector_load %arg6[%get3A_809, %get3A_810, %get3A_811] {strides = array<i32>} : memref<50x8x128xf32, #tpu.memory_space<vmem>>, vector<16xf32>,
        %swap3A_813 = arith.constant 0 : i32
        %swap3A_814 = arith.index_cast %swap3A_813 : i32 to index
        %swap3A_815 = arith.index_cast %add3A_135 : i32 to index
        %swap3A_816 = arith.constant 896 : index
        %swap3A_817 = tpu.vector_load %arg7[%swap3A_814, %swap3A_815, %swap3A_816] {strides = array<i32>} : memref<1x50x1000xf32, #tpu.memory_space<vmem>>, vector<16xf32>,
        tpu.vector_store %arg7[%swap3A_814, %swap3A_815, %swap3A_816], %get3A_812 {strides = array<i32>} : memref<1x50x1000xf32, #tpu.memory_space<vmem>>, vector<16xf32>,
        %add3A_818 = arith.constant 0 : i32
        %add3A_819 = arith.addi %add3A_818, %scan3A_133 : i32
        %get3A_820 = arith.constant 7 : i32
        %get3A_821 = arith.index_cast %add3A_819 : i32 to index
        %get3A_822 = arith.index_cast %get3A_820 : i32 to index
        %get3A_823 = arith.constant 16 : index
        %get3A_824 = tpu.vector_load %arg6[%get3A_821, %get3A_822, %get3A_823] {strides = array<i32>} : memref<50x8x128xf32, #tpu.memory_space<vmem>>, vector<16xf32>,
        %swap3A_825 = arith.constant 0 : i32
        %swap3A_826 = arith.index_cast %swap3A_825 : i32 to index
        %swap3A_827 = arith.index_cast %add3A_135 : i32 to index
        %swap3A_828 = arith.constant 912 : index
        %swap3A_829 = tpu.vector_load %arg7[%swap3A_826, %swap3A_827, %swap3A_828] {strides = array<i32>} : memref<1x50x1000xf32, #tpu.memory_space<vmem>>, vector<16xf32>,
        tpu.vector_store %arg7[%swap3A_826, %swap3A_827, %swap3A_828], %get3A_824 {strides = array<i32>} : memref<1x50x1000xf32, #tpu.memory_space<vmem>>, vector<16xf32>,
        %add3A_830 = arith.constant 0 : i32
        %add3A_831 = arith.addi %add3A_830, %scan3A_133 : i32
        %get3A_832 = arith.constant 7 : i32
        %get3A_833 = arith.index_cast %add3A_831 : i32 to index
        %get3A_834 = arith.index_cast %get3A_832 : i32 to index
        %get3A_835 = arith.constant 32 : index
        %get3A_836 = tpu.vector_load %arg6[%get3A_833, %get3A_834, %get3A_835] {strides = array<i32>} : memref<50x8x128xf32, #tpu.memory_space<vmem>>, vector<16xf32>,
        %swap3A_837 = arith.constant 0 : i32
        %swap3A_838 = arith.index_cast %swap3A_837 : i32 to index
        %swap3A_839 = arith.index_cast %add3A_135 : i32 to index
        %swap3A_840 = arith.constant 928 : index
        %swap3A_841 = tpu.vector_load %arg7[%swap3A_838, %swap3A_839, %swap3A_840] {strides = array<i32>} : memref<1x50x1000xf32, #tpu.memory_space<vmem>>, vector<16xf32>,
        tpu.vector_store %arg7[%swap3A_838, %swap3A_839, %swap3A_840], %get3A_836 {strides = array<i32>} : memref<1x50x1000xf32, #tpu.memory_space<vmem>>, vector<16xf32>,
        %add3A_842 = arith.constant 0 : i32
        %add3A_843 = arith.addi %add3A_842, %scan3A_133 : i32
        %get3A_844 = arith.constant 7 : i32
        %get3A_845 = arith.index_cast %add3A_843 : i32 to index
        %get3A_846 = arith.index_cast %get3A_844 : i32 to index
        %get3A_847 = arith.constant 48 : index
        %get3A_848 = tpu.vector_load %arg6[%get3A_845, %get3A_846, %get3A_847] {strides = array<i32>} : memref<50x8x128xf32, #tpu.memory_space<vmem>>, vector<16xf32>,
        %swap3A_849 = arith.constant 0 : i32
        %swap3A_850 = arith.index_cast %swap3A_849 : i32 to index
        %swap3A_851 = arith.index_cast %add3A_135 : i32 to index
        %swap3A_852 = arith.constant 944 : index
        %swap3A_853 = tpu.vector_load %arg7[%swap3A_850, %swap3A_851, %swap3A_852] {strides = array<i32>} : memref<1x50x1000xf32, #tpu.memory_space<vmem>>, vector<16xf32>,
        tpu.vector_store %arg7[%swap3A_850, %swap3A_851, %swap3A_852], %get3A_848 {strides = array<i32>} : memref<1x50x1000xf32, #tpu.memory_space<vmem>>, vector<16xf32>,
        %add3A_854 = arith.constant 0 : i32
        %add3A_855 = arith.addi %add3A_854, %scan3A_133 : i32
        %get3A_856 = arith.constant 7 : i32
        %get3A_857 = arith.index_cast %add3A_855 : i32 to index
        %get3A_858 = arith.index_cast %get3A_856 : i32 to index
        %get3A_859 = arith.constant 64 : index
        %get3A_860 = tpu.vector_load %arg6[%get3A_857, %get3A_858, %get3A_859] {strides = array<i32>} : memref<50x8x128xf32, #tpu.memory_space<vmem>>, vector<16xf32>,
        %swap3A_861 = arith.constant 0 : i32
        %swap3A_862 = arith.index_cast %swap3A_861 : i32 to index
        %swap3A_863 = arith.index_cast %add3A_135 : i32 to index
        %swap3A_864 = arith.constant 960 : index
        %swap3A_865 = tpu.vector_load %arg7[%swap3A_862, %swap3A_863, %swap3A_864] {strides = array<i32>} : memref<1x50x1000xf32, #tpu.memory_space<vmem>>, vector<16xf32>,
        tpu.vector_store %arg7[%swap3A_862, %swap3A_863, %swap3A_864], %get3A_860 {strides = array<i32>} : memref<1x50x1000xf32, #tpu.memory_space<vmem>>, vector<16xf32>,
        %add3A_866 = arith.constant 0 : i32
        %add3A_867 = arith.addi %add3A_866, %scan3A_133 : i32
        %get3A_868 = arith.constant 7 : i32
        %get3A_869 = arith.index_cast %add3A_867 : i32 to index
        %get3A_870 = arith.index_cast %get3A_868 : i32 to index
        %get3A_871 = arith.constant 80 : index
        %get3A_872 = tpu.vector_load %arg6[%get3A_869, %get3A_870, %get3A_871] {strides = array<i32>} : memref<50x8x128xf32, #tpu.memory_space<vmem>>, vector<16xf32>,
        %swap3A_873 = arith.constant 0 : i32
        %swap3A_874 = arith.index_cast %swap3A_873 : i32 to index
        %swap3A_875 = arith.index_cast %add3A_135 : i32 to index
        %swap3A_876 = arith.constant 976 : index
        %swap3A_877 = tpu.vector_load %arg7[%swap3A_874, %swap3A_875, %swap3A_876] {strides = array<i32>} : memref<1x50x1000xf32, #tpu.memory_space<vmem>>, vector<16xf32>,
        tpu.vector_store %arg7[%swap3A_874, %swap3A_875, %swap3A_876], %get3A_872 {strides = array<i32>} : memref<1x50x1000xf32, #tpu.memory_space<vmem>>, vector<16xf32>,
        %add3A_878 = arith.constant 0 : i32
        %add3A_879 = arith.addi %add3A_878, %scan3A_133 : i32
        %broadcast_in_dim3A = vector.broadcast %add3A_879 : i32 to vector<16xi32>
        %broadcast_in_dim3A_880 = arith.constant 7 : i32
        %broadcast_in_dim3A_881 = vector.broadcast %broadcast_in_dim3A_880 : i32 to vector<16xi32>
        %add3A_882 = arith.constant 88 : i32
        %add3A_883 = vector.broadcast %add3A_882 : i32 to vector<16xi32>
        %add3A_884 = arith.addi %iota3A, %add3A_883 : vector<16xi32>
        %gather3A = tpu.vector_load_idx %arg6[%broadcast_in_dim3A, %broadcast_in_dim3A_881, %add3A_884] : memref<50x8x128xf32, #tpu.memory_space<vmem>>[vector<16xi32>, vector<16xi32>, vector<16xi32>], vector<16xf32>,
        %broadcast_in_dim3A_885 = arith.constant 0 : i32
        %broadcast_in_dim3A_886 = vector.broadcast %broadcast_in_dim3A_885 : i32 to vector<16xi32>
        %broadcast_in_dim3A_887 = vector.broadcast %add3A_135 : i32 to vector<16xi32>
        %add3A_888 = arith.constant 984 : i32
        %add3A_889 = vector.broadcast %add3A_888 : i32 to vector<16xi32>
        %add3A_890 = arith.addi %iota3A, %add3A_889 : vector<16xi32>
        tpu.vector_store_idx %arg7[%broadcast_in_dim3A_886, %broadcast_in_dim3A_887, %add3A_890], %gather3A : memref<1x50x1000xf32, #tpu.memory_space<vmem>>[vector<16xi32>, vector<16xi32>, vector<16xi32>], vector<16xf32>,
      }
      %scan3A_70 = arith.constant 16 : i32
      %add3A_71 = arith.constant 1 : i32
      %add3A_72 = arith.addi %scan3A_36, %add3A_71 : i32
      %lt3A = arith.constant 32 : i32
      %lt3A_73 = arith.cmpi slt, %add3A_72, %lt3A : i32
      %convert_element_type3A_74 = arith.extui %lt3A_73 : i1 to i32
      %cond3A_75 = arith.constant 0 : i32
      %cond3A_76 = arith.cmpi ne, %convert_element_type3A_74, %cond3A_75 : i32
      scf.if %cond3A_76 {
        %add3A_133 = arith.constant 1 : i32
        %add3A_134 = arith.addi %scan3A_36, %add3A_133 : i32
        %mul3A_135 = arith.constant 56 : i32
        %mul3A_136 = arith.muli %add3A_134, %mul3A_135 : i32
        %add3A_137 = arith.constant 0 : i32
        %add3A_138 = arith.addi %mul3A_136, %add3A_137 : i32
        %dma_start3A_139 = arith.constant 0 : i32
        %dma_start3A_140 = arith.constant 0 : i32
        %dma_start3A_141 = arith.constant 0 : i32
        %dma_start3A_142 = tpu.memref_slice %arg6[%dma_start3A_139, %dma_start3A_140, %dma_start3A_141] : memref<50x8x128xf32, #tpu.memory_space<vmem>> -> memref<16x8x128xf32, #tpu.memory_space<vmem>>
        %dma_start3A_143 = tpu.memref_slice %arg5[%add3A_138] : memref<1792xi32, #tpu.memory_space<vmem>> -> memref<16xi32, #tpu.memory_space<vmem>>
        %dma_start3A_144 = arith.constant 0 : i32
        %dma_start3A_145 = arith.constant 0 : i32
        %dma_start3A_146 = arith.constant 0 : i32
        %dma_start3A_147 = tpu.memref_slice %arg2[%dma_start3A_144, %dma_start3A_145, %dma_start3A_146] : memref<1000x8x128xf32, #tpu.memory_space<hbm>> -> memref<1000x8x128xf32, #tpu.memory_space<hbm>>
        tpu.enqueue_indirect_dma source(%dma_start3A_147 : memref<1000x8x128xf32, #tpu.memory_space<hbm>>) target(%dma_start3A_142 : memref<16x8x128xf32, #tpu.memory_space<vmem>>) offsets(%dma_start3A_143 : memref<16xi32, #tpu.memory_space<vmem>>) semaphore(%arg8 : memref<!tpu.dma_semaphore, #tpu.memory_space<semaphore_mem>>)
      } else {
      }
      %mul3A_77 = arith.constant 56 : i32
      %mul3A_78 = arith.muli %scan3A_36, %mul3A_77 : i32
      %add3A_79 = arith.constant 16 : i32
      %add3A_80 = arith.addi %mul3A_78, %add3A_79 : i32
      %dma_wait3A_81 = arith.constant 16 : i32
      %dma_wait3A_82 = arith.constant 0 : i32
      %dma_wait3A_83 = arith.constant 0 : i32
      %dma_wait3A_84 = tpu.memref_slice %arg6[%dma_wait3A_81, %dma_wait3A_82, %dma_wait3A_83] : memref<50x8x128xf32, #tpu.memory_space<vmem>> -> memref<16x8x128xf32, #tpu.memory_space<vmem>>
      %dma_wait3A_85 = tpu.memref_slice %arg5[%add3A_80] : memref<1792xi32, #tpu.memory_space<vmem>> -> memref<16xi32, #tpu.memory_space<vmem>>
      %dma_wait3A_86 = arith.constant 0 : i32
      %dma_wait3A_87 = arith.constant 0 : i32
      %dma_wait3A_88 = arith.constant 0 : i32
      %dma_wait3A_89 = tpu.memref_slice %arg2[%dma_wait3A_86, %dma_wait3A_87, %dma_wait3A_88] : memref<1000x8x128xf32, #tpu.memory_space<hbm>> -> memref<1000x8x128xf32, #tpu.memory_space<hbm>>
      tpu.wait_indirect_dma semaphore(%arg9 : memref<!tpu.dma_semaphore, #tpu.memory_space<semaphore_mem>>) src(%dma_wait3A_89 : memref<1000x8x128xf32, #tpu.memory_space<hbm>>) dst(%dma_wait3A_84 : memref<16x8x128xf32, #tpu.memory_space<vmem>>)
      %iota3A_90 = tpu.iota {dimensions = array<i32: 0>} : vector<16xi32>
      %scan3A_91 = arith.constant 0 : i32
      %scan3A_92 = arith.constant 0 : i32
      %scan3A_93 = arith.constant 16 : i32
      %scan3A_94 = arith.addi %scan3A_92, %scan3A_93 : i32
      %scan3A_95 = arith.constant 1 : i32
      scf.for %scan3A_133 = %scan3A_92 to %scan3A_94 step %scan3A_95  : i32 {
        %add3A_134 = arith.constant 16 : i32
        %add3A_135 = arith.addi %add3A_134, %scan3A_133 : i32
        %add3A_136 = arith.constant 16 : i32
        %add3A_137 = arith.addi %add3A_136, %scan3A_133 : i32
        %get3A = arith.constant 0 : i32
        %get3A_138 = arith.index_cast %add3A_137 : i32 to index
        %get3A_139 = arith.index_cast %get3A : i32 to index
        %get3A_140 = arith.constant 0 : index
        %get3A_141 = tpu.vector_load %arg6[%get3A_138, %get3A_139, %get3A_140] {strides = array<i32>} : memref<50x8x128xf32, #tpu.memory_space<vmem>>, vector<16xf32>,
        %swap3A = arith.constant 0 : i32
        %swap3A_142 = arith.index_cast %swap3A : i32 to index
        %swap3A_143 = arith.index_cast %add3A_135 : i32 to index
        %swap3A_144 = arith.constant 0 : index
        %swap3A_145 = tpu.vector_load %arg7[%swap3A_142, %swap3A_143, %swap3A_144] {strides = array<i32>} : memref<1x50x1000xf32, #tpu.memory_space<vmem>>, vector<16xf32>,
        tpu.vector_store %arg7[%swap3A_142, %swap3A_143, %swap3A_144], %get3A_141 {strides = array<i32>} : memref<1x50x1000xf32, #tpu.memory_space<vmem>>, vector<16xf32>,
        %add3A_146 = arith.constant 16 : i32
        %add3A_147 = arith.addi %add3A_146, %scan3A_133 : i32
        %get3A_148 = arith.constant 0 : i32
        %get3A_149 = arith.index_cast %add3A_147 : i32 to index
        %get3A_150 = arith.index_cast %get3A_148 : i32 to index
        %get3A_151 = arith.constant 16 : index
        %get3A_152 = tpu.vector_load %arg6[%get3A_149, %get3A_150, %get3A_151] {strides = array<i32>} : memref<50x8x128xf32, #tpu.memory_space<vmem>>, vector<16xf32>,
        %swap3A_153 = arith.constant 0 : i32
        %swap3A_154 = arith.index_cast %swap3A_153 : i32 to index
        %swap3A_155 = arith.index_cast %add3A_135 : i32 to index
        %swap3A_156 = arith.constant 16 : index
        %swap3A_157 = tpu.vector_load %arg7[%swap3A_154, %swap3A_155, %swap3A_156] {strides = array<i32>} : memref<1x50x1000xf32, #tpu.memory_space<vmem>>, vector<16xf32>,
        tpu.vector_store %arg7[%swap3A_154, %swap3A_155, %swap3A_156], %get3A_152 {strides = array<i32>} : memref<1x50x1000xf32, #tpu.memory_space<vmem>>, vector<16xf32>,
        %add3A_158 = arith.constant 16 : i32
        %add3A_159 = arith.addi %add3A_158, %scan3A_133 : i32
        %get3A_160 = arith.constant 0 : i32
        %get3A_161 = arith.index_cast %add3A_159 : i32 to index
        %get3A_162 = arith.index_cast %get3A_160 : i32 to index
        %get3A_163 = arith.constant 32 : index
        %get3A_164 = tpu.vector_load %arg6[%get3A_161, %get3A_162, %get3A_163] {strides = array<i32>} : memref<50x8x128xf32, #tpu.memory_space<vmem>>, vector<16xf32>,
        %swap3A_165 = arith.constant 0 : i32
        %swap3A_166 = arith.index_cast %swap3A_165 : i32 to index
        %swap3A_167 = arith.index_cast %add3A_135 : i32 to index
        %swap3A_168 = arith.constant 32 : index
        %swap3A_169 = tpu.vector_load %arg7[%swap3A_166, %swap3A_167, %swap3A_168] {strides = array<i32>} : memref<1x50x1000xf32, #tpu.memory_space<vmem>>, vector<16xf32>,
        tpu.vector_store %arg7[%swap3A_166, %swap3A_167, %swap3A_168], %get3A_164 {strides = array<i32>} : memref<1x50x1000xf32, #tpu.memory_space<vmem>>, vector<16xf32>,
        %add3A_170 = arith.constant 16 : i32
        %add3A_171 = arith.addi %add3A_170, %scan3A_133 : i32
        %get3A_172 = arith.constant 0 : i32
        %get3A_173 = arith.index_cast %add3A_171 : i32 to index
        %get3A_174 = arith.index_cast %get3A_172 : i32 to index
        %get3A_175 = arith.constant 48 : index
        %get3A_176 = tpu.vector_load %arg6[%get3A_173, %get3A_174, %get3A_175] {strides = array<i32>} : memref<50x8x128xf32, #tpu.memory_space<vmem>>, vector<16xf32>,
        %swap3A_177 = arith.constant 0 : i32
        %swap3A_178 = arith.index_cast %swap3A_177 : i32 to index
        %swap3A_179 = arith.index_cast %add3A_135 : i32 to index
        %swap3A_180 = arith.constant 48 : index
        %swap3A_181 = tpu.vector_load %arg7[%swap3A_178, %swap3A_179, %swap3A_180] {strides = array<i32>} : memref<1x50x1000xf32, #tpu.memory_space<vmem>>, vector<16xf32>,
        tpu.vector_store %arg7[%swap3A_178, %swap3A_179, %swap3A_180], %get3A_176 {strides = array<i32>} : memref<1x50x1000xf32, #tpu.memory_space<vmem>>, vector<16xf32>,
        %add3A_182 = arith.constant 16 : i32
        %add3A_183 = arith.addi %add3A_182, %scan3A_133 : i32
        %get3A_184 = arith.constant 0 : i32
        %get3A_185 = arith.index_cast %add3A_183 : i32 to index
        %get3A_186 = arith.index_cast %get3A_184 : i32 to index
        %get3A_187 = arith.constant 64 : index
        %get3A_188 = tpu.vector_load %arg6[%get3A_185, %get3A_186, %get3A_187] {strides = array<i32>} : memref<50x8x128xf32, #tpu.memory_space<vmem>>, vector<16xf32>,
        %swap3A_189 = arith.constant 0 : i32
        %swap3A_190 = arith.index_cast %swap3A_189 : i32 to index
        %swap3A_191 = arith.index_cast %add3A_135 : i32 to index
        %swap3A_192 = arith.constant 64 : index
        %swap3A_193 = tpu.vector_load %arg7[%swap3A_190, %swap3A_191, %swap3A_192] {strides = array<i32>} : memref<1x50x1000xf32, #tpu.memory_space<vmem>>, vector<16xf32>,
        tpu.vector_store %arg7[%swap3A_190, %swap3A_191, %swap3A_192], %get3A_188 {strides = array<i32>} : memref<1x50x1000xf32, #tpu.memory_space<vmem>>, vector<16xf32>,
        %add3A_194 = arith.constant 16 : i32
        %add3A_195 = arith.addi %add3A_194, %scan3A_133 : i32
        %get3A_196 = arith.constant 0 : i32
        %get3A_197 = arith.index_cast %add3A_195 : i32 to index
        %get3A_198 = arith.index_cast %get3A_196 : i32 to index
        %get3A_199 = arith.constant 80 : index
        %get3A_200 = tpu.vector_load %arg6[%get3A_197, %get3A_198, %get3A_199] {strides = array<i32>} : memref<50x8x128xf32, #tpu.memory_space<vmem>>, vector<16xf32>,
        %swap3A_201 = arith.constant 0 : i32
        %swap3A_202 = arith.index_cast %swap3A_201 : i32 to index
        %swap3A_203 = arith.index_cast %add3A_135 : i32 to index
        %swap3A_204 = arith.constant 80 : index
        %swap3A_205 = tpu.vector_load %arg7[%swap3A_202, %swap3A_203, %swap3A_204] {strides = array<i32>} : memref<1x50x1000xf32, #tpu.memory_space<vmem>>, vector<16xf32>,
        tpu.vector_store %arg7[%swap3A_202, %swap3A_203, %swap3A_204], %get3A_200 {strides = array<i32>} : memref<1x50x1000xf32, #tpu.memory_space<vmem>>, vector<16xf32>,
        %add3A_206 = arith.constant 16 : i32
        %add3A_207 = arith.addi %add3A_206, %scan3A_133 : i32
        %get3A_208 = arith.constant 0 : i32
        %get3A_209 = arith.index_cast %add3A_207 : i32 to index
        %get3A_210 = arith.index_cast %get3A_208 : i32 to index
        %get3A_211 = arith.constant 96 : index
        %get3A_212 = tpu.vector_load %arg6[%get3A_209, %get3A_210, %get3A_211] {strides = array<i32>} : memref<50x8x128xf32, #tpu.memory_space<vmem>>, vector<16xf32>,
        %swap3A_213 = arith.constant 0 : i32
        %swap3A_214 = arith.index_cast %swap3A_213 : i32 to index
        %swap3A_215 = arith.index_cast %add3A_135 : i32 to index
        %swap3A_216 = arith.constant 96 : index
        %swap3A_217 = tpu.vector_load %arg7[%swap3A_214, %swap3A_215, %swap3A_216] {strides = array<i32>} : memref<1x50x1000xf32, #tpu.memory_space<vmem>>, vector<16xf32>,
        tpu.vector_store %arg7[%swap3A_214, %swap3A_215, %swap3A_216], %get3A_212 {strides = array<i32>} : memref<1x50x1000xf32, #tpu.memory_space<vmem>>, vector<16xf32>,
        %add3A_218 = arith.constant 16 : i32
        %add3A_219 = arith.addi %add3A_218, %scan3A_133 : i32
        %get3A_220 = arith.constant 0 : i32
        %get3A_221 = arith.index_cast %add3A_219 : i32 to index
        %get3A_222 = arith.index_cast %get3A_220 : i32 to index
        %get3A_223 = arith.constant 112 : index
        %get3A_224 = tpu.vector_load %arg6[%get3A_221, %get3A_222, %get3A_223] {strides = array<i32>} : memref<50x8x128xf32, #tpu.memory_space<vmem>>, vector<16xf32>,
        %swap3A_225 = arith.constant 0 : i32
        %swap3A_226 = arith.index_cast %swap3A_225 : i32 to index
        %swap3A_227 = arith.index_cast %add3A_135 : i32 to index
        %swap3A_228 = arith.constant 112 : index
        %swap3A_229 = tpu.vector_load %arg7[%swap3A_226, %swap3A_227, %swap3A_228] {strides = array<i32>} : memref<1x50x1000xf32, #tpu.memory_space<vmem>>, vector<16xf32>,
        tpu.vector_store %arg7[%swap3A_226, %swap3A_227, %swap3A_228], %get3A_224 {strides = array<i32>} : memref<1x50x1000xf32, #tpu.memory_space<vmem>>, vector<16xf32>,
        %add3A_230 = arith.constant 16 : i32
        %add3A_231 = arith.addi %add3A_230, %scan3A_133 : i32
        %get3A_232 = arith.constant 1 : i32
        %get3A_233 = arith.index_cast %add3A_231 : i32 to index
        %get3A_234 = arith.index_cast %get3A_232 : i32 to index
        %get3A_235 = arith.constant 0 : index
        %get3A_236 = tpu.vector_load %arg6[%get3A_233, %get3A_234, %get3A_235] {strides = array<i32>} : memref<50x8x128xf32, #tpu.memory_space<vmem>>, vector<16xf32>,
        %swap3A_237 = arith.constant 0 : i32
        %swap3A_238 = arith.index_cast %swap3A_237 : i32 to index
        %swap3A_239 = arith.index_cast %add3A_135 : i32 to index
        %swap3A_240 = arith.constant 128 : index
        %swap3A_241 = tpu.vector_load %arg7[%swap3A_238, %swap3A_239, %swap3A_240] {strides = array<i32>} : memref<1x50x1000xf32, #tpu.memory_space<vmem>>, vector<16xf32>,
        tpu.vector_store %arg7[%swap3A_238, %swap3A_239, %swap3A_240], %get3A_236 {strides = array<i32>} : memref<1x50x1000xf32, #tpu.memory_space<vmem>>, vector<16xf32>,
        %add3A_242 = arith.constant 16 : i32
        %add3A_243 = arith.addi %add3A_242, %scan3A_133 : i32
        %get3A_244 = arith.constant 1 : i32
        %get3A_245 = arith.index_cast %add3A_243 : i32 to index
        %get3A_246 = arith.index_cast %get3A_244 : i32 to index
        %get3A_247 = arith.constant 16 : index
        %get3A_248 = tpu.vector_load %arg6[%get3A_245, %get3A_246, %get3A_247] {strides = array<i32>} : memref<50x8x128xf32, #tpu.memory_space<vmem>>, vector<16xf32>,
        %swap3A_249 = arith.constant 0 : i32
        %swap3A_250 = arith.index_cast %swap3A_249 : i32 to index
        %swap3A_251 = arith.index_cast %add3A_135 : i32 to index
        %swap3A_252 = arith.constant 144 : index
        %swap3A_253 = tpu.vector_load %arg7[%swap3A_250, %swap3A_251, %swap3A_252] {strides = array<i32>} : memref<1x50x1000xf32, #tpu.memory_space<vmem>>, vector<16xf32>,
        tpu.vector_store %arg7[%swap3A_250, %swap3A_251, %swap3A_252], %get3A_248 {strides = array<i32>} : memref<1x50x1000xf32, #tpu.memory_space<vmem>>, vector<16xf32>,
        %add3A_254 = arith.constant 16 : i32
        %add3A_255 = arith.addi %add3A_254, %scan3A_133 : i32
        %get3A_256 = arith.constant 1 : i32
        %get3A_257 = arith.index_cast %add3A_255 : i32 to index
        %get3A_258 = arith.index_cast %get3A_256 : i32 to index
        %get3A_259 = arith.constant 32 : index
        %get3A_260 = tpu.vector_load %arg6[%get3A_257, %get3A_258, %get3A_259] {strides = array<i32>} : memref<50x8x128xf32, #tpu.memory_space<vmem>>, vector<16xf32>,
        %swap3A_261 = arith.constant 0 : i32
        %swap3A_262 = arith.index_cast %swap3A_261 : i32 to index
        %swap3A_263 = arith.index_cast %add3A_135 : i32 to index
        %swap3A_264 = arith.constant 160 : index
        %swap3A_265 = tpu.vector_load %arg7[%swap3A_262, %swap3A_263, %swap3A_264] {strides = array<i32>} : memref<1x50x1000xf32, #tpu.memory_space<vmem>>, vector<16xf32>,
        tpu.vector_store %arg7[%swap3A_262, %swap3A_263, %swap3A_264], %get3A_260 {strides = array<i32>} : memref<1x50x1000xf32, #tpu.memory_space<vmem>>, vector<16xf32>,
        %add3A_266 = arith.constant 16 : i32
        %add3A_267 = arith.addi %add3A_266, %scan3A_133 : i32
        %get3A_268 = arith.constant 1 : i32
        %get3A_269 = arith.index_cast %add3A_267 : i32 to index
        %get3A_270 = arith.index_cast %get3A_268 : i32 to index
        %get3A_271 = arith.constant 48 : index
        %get3A_272 = tpu.vector_load %arg6[%get3A_269, %get3A_270, %get3A_271] {strides = array<i32>} : memref<50x8x128xf32, #tpu.memory_space<vmem>>, vector<16xf32>,
        %swap3A_273 = arith.constant 0 : i32
        %swap3A_274 = arith.index_cast %swap3A_273 : i32 to index
        %swap3A_275 = arith.index_cast %add3A_135 : i32 to index
        %swap3A_276 = arith.constant 176 : index
        %swap3A_277 = tpu.vector_load %arg7[%swap3A_274, %swap3A_275, %swap3A_276] {strides = array<i32>} : memref<1x50x1000xf32, #tpu.memory_space<vmem>>, vector<16xf32>,
        tpu.vector_store %arg7[%swap3A_274, %swap3A_275, %swap3A_276], %get3A_272 {strides = array<i32>} : memref<1x50x1000xf32, #tpu.memory_space<vmem>>, vector<16xf32>,
        %add3A_278 = arith.constant 16 : i32
        %add3A_279 = arith.addi %add3A_278, %scan3A_133 : i32
        %get3A_280 = arith.constant 1 : i32
        %get3A_281 = arith.index_cast %add3A_279 : i32 to index
        %get3A_282 = arith.index_cast %get3A_280 : i32 to index
        %get3A_283 = arith.constant 64 : index
        %get3A_284 = tpu.vector_load %arg6[%get3A_281, %get3A_282, %get3A_283] {strides = array<i32>} : memref<50x8x128xf32, #tpu.memory_space<vmem>>, vector<16xf32>,
        %swap3A_285 = arith.constant 0 : i32
        %swap3A_286 = arith.index_cast %swap3A_285 : i32 to index
        %swap3A_287 = arith.index_cast %add3A_135 : i32 to index
        %swap3A_288 = arith.constant 192 : index
        %swap3A_289 = tpu.vector_load %arg7[%swap3A_286, %swap3A_287, %swap3A_288] {strides = array<i32>} : memref<1x50x1000xf32, #tpu.memory_space<vmem>>, vector<16xf32>,
        tpu.vector_store %arg7[%swap3A_286, %swap3A_287, %swap3A_288], %get3A_284 {strides = array<i32>} : memref<1x50x1000xf32, #tpu.memory_space<vmem>>, vector<16xf32>,
        %add3A_290 = arith.constant 16 : i32
        %add3A_291 = arith.addi %add3A_290, %scan3A_133 : i32
        %get3A_292 = arith.constant 1 : i32
        %get3A_293 = arith.index_cast %add3A_291 : i32 to index
        %get3A_294 = arith.index_cast %get3A_292 : i32 to index
        %get3A_295 = arith.constant 80 : index
        %get3A_296 = tpu.vector_load %arg6[%get3A_293, %get3A_294, %get3A_295] {strides = array<i32>} : memref<50x8x128xf32, #tpu.memory_space<vmem>>, vector<16xf32>,
        %swap3A_297 = arith.constant 0 : i32
        %swap3A_298 = arith.index_cast %swap3A_297 : i32 to index
        %swap3A_299 = arith.index_cast %add3A_135 : i32 to index
        %swap3A_300 = arith.constant 208 : index
        %swap3A_301 = tpu.vector_load %arg7[%swap3A_298, %swap3A_299, %swap3A_300] {strides = array<i32>} : memref<1x50x1000xf32, #tpu.memory_space<vmem>>, vector<16xf32>,
        tpu.vector_store %arg7[%swap3A_298, %swap3A_299, %swap3A_300], %get3A_296 {strides = array<i32>} : memref<1x50x1000xf32, #tpu.memory_space<vmem>>, vector<16xf32>,
        %add3A_302 = arith.constant 16 : i32
        %add3A_303 = arith.addi %add3A_302, %scan3A_133 : i32
        %get3A_304 = arith.constant 1 : i32
        %get3A_305 = arith.index_cast %add3A_303 : i32 to index
        %get3A_306 = arith.index_cast %get3A_304 : i32 to index
        %get3A_307 = arith.constant 96 : index
        %get3A_308 = tpu.vector_load %arg6[%get3A_305, %get3A_306, %get3A_307] {strides = array<i32>} : memref<50x8x128xf32, #tpu.memory_space<vmem>>, vector<16xf32>,
        %swap3A_309 = arith.constant 0 : i32
        %swap3A_310 = arith.index_cast %swap3A_309 : i32 to index
        %swap3A_311 = arith.index_cast %add3A_135 : i32 to index
        %swap3A_312 = arith.constant 224 : index
        %swap3A_313 = tpu.vector_load %arg7[%swap3A_310, %swap3A_311, %swap3A_312] {strides = array<i32>} : memref<1x50x1000xf32, #tpu.memory_space<vmem>>, vector<16xf32>,
        tpu.vector_store %arg7[%swap3A_310, %swap3A_311, %swap3A_312], %get3A_308 {strides = array<i32>} : memref<1x50x1000xf32, #tpu.memory_space<vmem>>, vector<16xf32>,
        %add3A_314 = arith.constant 16 : i32
        %add3A_315 = arith.addi %add3A_314, %scan3A_133 : i32
        %get3A_316 = arith.constant 1 : i32
        %get3A_317 = arith.index_cast %add3A_315 : i32 to index
        %get3A_318 = arith.index_cast %get3A_316 : i32 to index
        %get3A_319 = arith.constant 112 : index
        %get3A_320 = tpu.vector_load %arg6[%get3A_317, %get3A_318, %get3A_319] {strides = array<i32>} : memref<50x8x128xf32, #tpu.memory_space<vmem>>, vector<16xf32>,
        %swap3A_321 = arith.constant 0 : i32
        %swap3A_322 = arith.index_cast %swap3A_321 : i32 to index
        %swap3A_323 = arith.index_cast %add3A_135 : i32 to index
        %swap3A_324 = arith.constant 240 : index
        %swap3A_325 = tpu.vector_load %arg7[%swap3A_322, %swap3A_323, %swap3A_324] {strides = array<i32>} : memref<1x50x1000xf32, #tpu.memory_space<vmem>>, vector<16xf32>,
        tpu.vector_store %arg7[%swap3A_322, %swap3A_323, %swap3A_324], %get3A_320 {strides = array<i32>} : memref<1x50x1000xf32, #tpu.memory_space<vmem>>, vector<16xf32>,
        %add3A_326 = arith.constant 16 : i32
        %add3A_327 = arith.addi %add3A_326, %scan3A_133 : i32
        %get3A_328 = arith.constant 2 : i32
        %get3A_329 = arith.index_cast %add3A_327 : i32 to index
        %get3A_330 = arith.index_cast %get3A_328 : i32 to index
        %get3A_331 = arith.constant 0 : index
        %get3A_332 = tpu.vector_load %arg6[%get3A_329, %get3A_330, %get3A_331] {strides = array<i32>} : memref<50x8x128xf32, #tpu.memory_space<vmem>>, vector<16xf32>,
        %swap3A_333 = arith.constant 0 : i32
        %swap3A_334 = arith.index_cast %swap3A_333 : i32 to index
        %swap3A_335 = arith.index_cast %add3A_135 : i32 to index
        %swap3A_336 = arith.constant 256 : index
        %swap3A_337 = tpu.vector_load %arg7[%swap3A_334, %swap3A_335, %swap3A_336] {strides = array<i32>} : memref<1x50x1000xf32, #tpu.memory_space<vmem>>, vector<16xf32>,
        tpu.vector_store %arg7[%swap3A_334, %swap3A_335, %swap3A_336], %get3A_332 {strides = array<i32>} : memref<1x50x1000xf32, #tpu.memory_space<vmem>>, vector<16xf32>,
        %add3A_338 = arith.constant 16 : i32
        %add3A_339 = arith.addi %add3A_338, %scan3A_133 : i32
        %get3A_340 = arith.constant 2 : i32
        %get3A_341 = arith.index_cast %add3A_339 : i32 to index
        %get3A_342 = arith.index_cast %get3A_340 : i32 to index
        %get3A_343 = arith.constant 16 : index
        %get3A_344 = tpu.vector_load %arg6[%get3A_341, %get3A_342, %get3A_343] {strides = array<i32>} : memref<50x8x128xf32, #tpu.memory_space<vmem>>, vector<16xf32>,
        %swap3A_345 = arith.constant 0 : i32
        %swap3A_346 = arith.index_cast %swap3A_345 : i32 to index
        %swap3A_347 = arith.index_cast %add3A_135 : i32 to index
        %swap3A_348 = arith.constant 272 : index
        %swap3A_349 = tpu.vector_load %arg7[%swap3A_346, %swap3A_347, %swap3A_348] {strides = array<i32>} : memref<1x50x1000xf32, #tpu.memory_space<vmem>>, vector<16xf32>,
        tpu.vector_store %arg7[%swap3A_346, %swap3A_347, %swap3A_348], %get3A_344 {strides = array<i32>} : memref<1x50x1000xf32, #tpu.memory_space<vmem>>, vector<16xf32>,
        %add3A_350 = arith.constant 16 : i32
        %add3A_351 = arith.addi %add3A_350, %scan3A_133 : i32
        %get3A_352 = arith.constant 2 : i32
        %get3A_353 = arith.index_cast %add3A_351 : i32 to index
        %get3A_354 = arith.index_cast %get3A_352 : i32 to index
        %get3A_355 = arith.constant 32 : index
        %get3A_356 = tpu.vector_load %arg6[%get3A_353, %get3A_354, %get3A_355] {strides = array<i32>} : memref<50x8x128xf32, #tpu.memory_space<vmem>>, vector<16xf32>,
        %swap3A_357 = arith.constant 0 : i32
        %swap3A_358 = arith.index_cast %swap3A_357 : i32 to index
        %swap3A_359 = arith.index_cast %add3A_135 : i32 to index
        %swap3A_360 = arith.constant 288 : index
        %swap3A_361 = tpu.vector_load %arg7[%swap3A_358, %swap3A_359, %swap3A_360] {strides = array<i32>} : memref<1x50x1000xf32, #tpu.memory_space<vmem>>, vector<16xf32>,
        tpu.vector_store %arg7[%swap3A_358, %swap3A_359, %swap3A_360], %get3A_356 {strides = array<i32>} : memref<1x50x1000xf32, #tpu.memory_space<vmem>>, vector<16xf32>,
        %add3A_362 = arith.constant 16 : i32
        %add3A_363 = arith.addi %add3A_362, %scan3A_133 : i32
        %get3A_364 = arith.constant 2 : i32
        %get3A_365 = arith.index_cast %add3A_363 : i32 to index
        %get3A_366 = arith.index_cast %get3A_364 : i32 to index
        %get3A_367 = arith.constant 48 : index
        %get3A_368 = tpu.vector_load %arg6[%get3A_365, %get3A_366, %get3A_367] {strides = array<i32>} : memref<50x8x128xf32, #tpu.memory_space<vmem>>, vector<16xf32>,
        %swap3A_369 = arith.constant 0 : i32
        %swap3A_370 = arith.index_cast %swap3A_369 : i32 to index
        %swap3A_371 = arith.index_cast %add3A_135 : i32 to index
        %swap3A_372 = arith.constant 304 : index
        %swap3A_373 = tpu.vector_load %arg7[%swap3A_370, %swap3A_371, %swap3A_372] {strides = array<i32>} : memref<1x50x1000xf32, #tpu.memory_space<vmem>>, vector<16xf32>,
        tpu.vector_store %arg7[%swap3A_370, %swap3A_371, %swap3A_372], %get3A_368 {strides = array<i32>} : memref<1x50x1000xf32, #tpu.memory_space<vmem>>, vector<16xf32>,
        %add3A_374 = arith.constant 16 : i32
        %add3A_375 = arith.addi %add3A_374, %scan3A_133 : i32
        %get3A_376 = arith.constant 2 : i32
        %get3A_377 = arith.index_cast %add3A_375 : i32 to index
        %get3A_378 = arith.index_cast %get3A_376 : i32 to index
        %get3A_379 = arith.constant 64 : index
        %get3A_380 = tpu.vector_load %arg6[%get3A_377, %get3A_378, %get3A_379] {strides = array<i32>} : memref<50x8x128xf32, #tpu.memory_space<vmem>>, vector<16xf32>,
        %swap3A_381 = arith.constant 0 : i32
        %swap3A_382 = arith.index_cast %swap3A_381 : i32 to index
        %swap3A_383 = arith.index_cast %add3A_135 : i32 to index
        %swap3A_384 = arith.constant 320 : index
        %swap3A_385 = tpu.vector_load %arg7[%swap3A_382, %swap3A_383, %swap3A_384] {strides = array<i32>} : memref<1x50x1000xf32, #tpu.memory_space<vmem>>, vector<16xf32>,
        tpu.vector_store %arg7[%swap3A_382, %swap3A_383, %swap3A_384], %get3A_380 {strides = array<i32>} : memref<1x50x1000xf32, #tpu.memory_space<vmem>>, vector<16xf32>,
        %add3A_386 = arith.constant 16 : i32
        %add3A_387 = arith.addi %add3A_386, %scan3A_133 : i32
        %get3A_388 = arith.constant 2 : i32
        %get3A_389 = arith.index_cast %add3A_387 : i32 to index
        %get3A_390 = arith.index_cast %get3A_388 : i32 to index
        %get3A_391 = arith.constant 80 : index
        %get3A_392 = tpu.vector_load %arg6[%get3A_389, %get3A_390, %get3A_391] {strides = array<i32>} : memref<50x8x128xf32, #tpu.memory_space<vmem>>, vector<16xf32>,
        %swap3A_393 = arith.constant 0 : i32
        %swap3A_394 = arith.index_cast %swap3A_393 : i32 to index
        %swap3A_395 = arith.index_cast %add3A_135 : i32 to index
        %swap3A_396 = arith.constant 336 : index
        %swap3A_397 = tpu.vector_load %arg7[%swap3A_394, %swap3A_395, %swap3A_396] {strides = array<i32>} : memref<1x50x1000xf32, #tpu.memory_space<vmem>>, vector<16xf32>,
        tpu.vector_store %arg7[%swap3A_394, %swap3A_395, %swap3A_396], %get3A_392 {strides = array<i32>} : memref<1x50x1000xf32, #tpu.memory_space<vmem>>, vector<16xf32>,
        %add3A_398 = arith.constant 16 : i32
        %add3A_399 = arith.addi %add3A_398, %scan3A_133 : i32
        %get3A_400 = arith.constant 2 : i32
        %get3A_401 = arith.index_cast %add3A_399 : i32 to index
        %get3A_402 = arith.index_cast %get3A_400 : i32 to index
        %get3A_403 = arith.constant 96 : index
        %get3A_404 = tpu.vector_load %arg6[%get3A_401, %get3A_402, %get3A_403] {strides = array<i32>} : memref<50x8x128xf32, #tpu.memory_space<vmem>>, vector<16xf32>,
        %swap3A_405 = arith.constant 0 : i32
        %swap3A_406 = arith.index_cast %swap3A_405 : i32 to index
        %swap3A_407 = arith.index_cast %add3A_135 : i32 to index
        %swap3A_408 = arith.constant 352 : index
        %swap3A_409 = tpu.vector_load %arg7[%swap3A_406, %swap3A_407, %swap3A_408] {strides = array<i32>} : memref<1x50x1000xf32, #tpu.memory_space<vmem>>, vector<16xf32>,
        tpu.vector_store %arg7[%swap3A_406, %swap3A_407, %swap3A_408], %get3A_404 {strides = array<i32>} : memref<1x50x1000xf32, #tpu.memory_space<vmem>>, vector<16xf32>,
        %add3A_410 = arith.constant 16 : i32
        %add3A_411 = arith.addi %add3A_410, %scan3A_133 : i32
        %get3A_412 = arith.constant 2 : i32
        %get3A_413 = arith.index_cast %add3A_411 : i32 to index
        %get3A_414 = arith.index_cast %get3A_412 : i32 to index
        %get3A_415 = arith.constant 112 : index
        %get3A_416 = tpu.vector_load %arg6[%get3A_413, %get3A_414, %get3A_415] {strides = array<i32>} : memref<50x8x128xf32, #tpu.memory_space<vmem>>, vector<16xf32>,
        %swap3A_417 = arith.constant 0 : i32
        %swap3A_418 = arith.index_cast %swap3A_417 : i32 to index
        %swap3A_419 = arith.index_cast %add3A_135 : i32 to index
        %swap3A_420 = arith.constant 368 : index
        %swap3A_421 = tpu.vector_load %arg7[%swap3A_418, %swap3A_419, %swap3A_420] {strides = array<i32>} : memref<1x50x1000xf32, #tpu.memory_space<vmem>>, vector<16xf32>,
        tpu.vector_store %arg7[%swap3A_418, %swap3A_419, %swap3A_420], %get3A_416 {strides = array<i32>} : memref<1x50x1000xf32, #tpu.memory_space<vmem>>, vector<16xf32>,
        %add3A_422 = arith.constant 16 : i32
        %add3A_423 = arith.addi %add3A_422, %scan3A_133 : i32
        %get3A_424 = arith.constant 3 : i32
        %get3A_425 = arith.index_cast %add3A_423 : i32 to index
        %get3A_426 = arith.index_cast %get3A_424 : i32 to index
        %get3A_427 = arith.constant 0 : index
        %get3A_428 = tpu.vector_load %arg6[%get3A_425, %get3A_426, %get3A_427] {strides = array<i32>} : memref<50x8x128xf32, #tpu.memory_space<vmem>>, vector<16xf32>,
        %swap3A_429 = arith.constant 0 : i32
        %swap3A_430 = arith.index_cast %swap3A_429 : i32 to index
        %swap3A_431 = arith.index_cast %add3A_135 : i32 to index
        %swap3A_432 = arith.constant 384 : index
        %swap3A_433 = tpu.vector_load %arg7[%swap3A_430, %swap3A_431, %swap3A_432] {strides = array<i32>} : memref<1x50x1000xf32, #tpu.memory_space<vmem>>, vector<16xf32>,
        tpu.vector_store %arg7[%swap3A_430, %swap3A_431, %swap3A_432], %get3A_428 {strides = array<i32>} : memref<1x50x1000xf32, #tpu.memory_space<vmem>>, vector<16xf32>,
        %add3A_434 = arith.constant 16 : i32
        %add3A_435 = arith.addi %add3A_434, %scan3A_133 : i32
        %get3A_436 = arith.constant 3 : i32
        %get3A_437 = arith.index_cast %add3A_435 : i32 to index
        %get3A_438 = arith.index_cast %get3A_436 : i32 to index
        %get3A_439 = arith.constant 16 : index
        %get3A_440 = tpu.vector_load %arg6[%get3A_437, %get3A_438, %get3A_439] {strides = array<i32>} : memref<50x8x128xf32, #tpu.memory_space<vmem>>, vector<16xf32>,
        %swap3A_441 = arith.constant 0 : i32
        %swap3A_442 = arith.index_cast %swap3A_441 : i32 to index
        %swap3A_443 = arith.index_cast %add3A_135 : i32 to index
        %swap3A_444 = arith.constant 400 : index
        %swap3A_445 = tpu.vector_load %arg7[%swap3A_442, %swap3A_443, %swap3A_444] {strides = array<i32>} : memref<1x50x1000xf32, #tpu.memory_space<vmem>>, vector<16xf32>,
        tpu.vector_store %arg7[%swap3A_442, %swap3A_443, %swap3A_444], %get3A_440 {strides = array<i32>} : memref<1x50x1000xf32, #tpu.memory_space<vmem>>, vector<16xf32>,
        %add3A_446 = arith.constant 16 : i32
        %add3A_447 = arith.addi %add3A_446, %scan3A_133 : i32
        %get3A_448 = arith.constant 3 : i32
        %get3A_449 = arith.index_cast %add3A_447 : i32 to index
        %get3A_450 = arith.index_cast %get3A_448 : i32 to index
        %get3A_451 = arith.constant 32 : index
        %get3A_452 = tpu.vector_load %arg6[%get3A_449, %get3A_450, %get3A_451] {strides = array<i32>} : memref<50x8x128xf32, #tpu.memory_space<vmem>>, vector<16xf32>,
        %swap3A_453 = arith.constant 0 : i32
        %swap3A_454 = arith.index_cast %swap3A_453 : i32 to index
        %swap3A_455 = arith.index_cast %add3A_135 : i32 to index
        %swap3A_456 = arith.constant 416 : index
        %swap3A_457 = tpu.vector_load %arg7[%swap3A_454, %swap3A_455, %swap3A_456] {strides = array<i32>} : memref<1x50x1000xf32, #tpu.memory_space<vmem>>, vector<16xf32>,
        tpu.vector_store %arg7[%swap3A_454, %swap3A_455, %swap3A_456], %get3A_452 {strides = array<i32>} : memref<1x50x1000xf32, #tpu.memory_space<vmem>>, vector<16xf32>,
        %add3A_458 = arith.constant 16 : i32
        %add3A_459 = arith.addi %add3A_458, %scan3A_133 : i32
        %get3A_460 = arith.constant 3 : i32
        %get3A_461 = arith.index_cast %add3A_459 : i32 to index
        %get3A_462 = arith.index_cast %get3A_460 : i32 to index
        %get3A_463 = arith.constant 48 : index
        %get3A_464 = tpu.vector_load %arg6[%get3A_461, %get3A_462, %get3A_463] {strides = array<i32>} : memref<50x8x128xf32, #tpu.memory_space<vmem>>, vector<16xf32>,
        %swap3A_465 = arith.constant 0 : i32
        %swap3A_466 = arith.index_cast %swap3A_465 : i32 to index
        %swap3A_467 = arith.index_cast %add3A_135 : i32 to index
        %swap3A_468 = arith.constant 432 : index
        %swap3A_469 = tpu.vector_load %arg7[%swap3A_466, %swap3A_467, %swap3A_468] {strides = array<i32>} : memref<1x50x1000xf32, #tpu.memory_space<vmem>>, vector<16xf32>,
        tpu.vector_store %arg7[%swap3A_466, %swap3A_467, %swap3A_468], %get3A_464 {strides = array<i32>} : memref<1x50x1000xf32, #tpu.memory_space<vmem>>, vector<16xf32>,
        %add3A_470 = arith.constant 16 : i32
        %add3A_471 = arith.addi %add3A_470, %scan3A_133 : i32
        %get3A_472 = arith.constant 3 : i32
        %get3A_473 = arith.index_cast %add3A_471 : i32 to index
        %get3A_474 = arith.index_cast %get3A_472 : i32 to index
        %get3A_475 = arith.constant 64 : index
        %get3A_476 = tpu.vector_load %arg6[%get3A_473, %get3A_474, %get3A_475] {strides = array<i32>} : memref<50x8x128xf32, #tpu.memory_space<vmem>>, vector<16xf32>,
        %swap3A_477 = arith.constant 0 : i32
        %swap3A_478 = arith.index_cast %swap3A_477 : i32 to index
        %swap3A_479 = arith.index_cast %add3A_135 : i32 to index
        %swap3A_480 = arith.constant 448 : index
        %swap3A_481 = tpu.vector_load %arg7[%swap3A_478, %swap3A_479, %swap3A_480] {strides = array<i32>} : memref<1x50x1000xf32, #tpu.memory_space<vmem>>, vector<16xf32>,
        tpu.vector_store %arg7[%swap3A_478, %swap3A_479, %swap3A_480], %get3A_476 {strides = array<i32>} : memref<1x50x1000xf32, #tpu.memory_space<vmem>>, vector<16xf32>,
        %add3A_482 = arith.constant 16 : i32
        %add3A_483 = arith.addi %add3A_482, %scan3A_133 : i32
        %get3A_484 = arith.constant 3 : i32
        %get3A_485 = arith.index_cast %add3A_483 : i32 to index
        %get3A_486 = arith.index_cast %get3A_484 : i32 to index
        %get3A_487 = arith.constant 80 : index
        %get3A_488 = tpu.vector_load %arg6[%get3A_485, %get3A_486, %get3A_487] {strides = array<i32>} : memref<50x8x128xf32, #tpu.memory_space<vmem>>, vector<16xf32>,
        %swap3A_489 = arith.constant 0 : i32
        %swap3A_490 = arith.index_cast %swap3A_489 : i32 to index
        %swap3A_491 = arith.index_cast %add3A_135 : i32 to index
        %swap3A_492 = arith.constant 464 : index
        %swap3A_493 = tpu.vector_load %arg7[%swap3A_490, %swap3A_491, %swap3A_492] {strides = array<i32>} : memref<1x50x1000xf32, #tpu.memory_space<vmem>>, vector<16xf32>,
        tpu.vector_store %arg7[%swap3A_490, %swap3A_491, %swap3A_492], %get3A_488 {strides = array<i32>} : memref<1x50x1000xf32, #tpu.memory_space<vmem>>, vector<16xf32>,
        %add3A_494 = arith.constant 16 : i32
        %add3A_495 = arith.addi %add3A_494, %scan3A_133 : i32
        %get3A_496 = arith.constant 3 : i32
        %get3A_497 = arith.index_cast %add3A_495 : i32 to index
        %get3A_498 = arith.index_cast %get3A_496 : i32 to index
        %get3A_499 = arith.constant 96 : index
        %get3A_500 = tpu.vector_load %arg6[%get3A_497, %get3A_498, %get3A_499] {strides = array<i32>} : memref<50x8x128xf32, #tpu.memory_space<vmem>>, vector<16xf32>,
        %swap3A_501 = arith.constant 0 : i32
        %swap3A_502 = arith.index_cast %swap3A_501 : i32 to index
        %swap3A_503 = arith.index_cast %add3A_135 : i32 to index
        %swap3A_504 = arith.constant 480 : index
        %swap3A_505 = tpu.vector_load %arg7[%swap3A_502, %swap3A_503, %swap3A_504] {strides = array<i32>} : memref<1x50x1000xf32, #tpu.memory_space<vmem>>, vector<16xf32>,
        tpu.vector_store %arg7[%swap3A_502, %swap3A_503, %swap3A_504], %get3A_500 {strides = array<i32>} : memref<1x50x1000xf32, #tpu.memory_space<vmem>>, vector<16xf32>,
        %add3A_506 = arith.constant 16 : i32
        %add3A_507 = arith.addi %add3A_506, %scan3A_133 : i32
        %get3A_508 = arith.constant 3 : i32
        %get3A_509 = arith.index_cast %add3A_507 : i32 to index
        %get3A_510 = arith.index_cast %get3A_508 : i32 to index
        %get3A_511 = arith.constant 112 : index
        %get3A_512 = tpu.vector_load %arg6[%get3A_509, %get3A_510, %get3A_511] {strides = array<i32>} : memref<50x8x128xf32, #tpu.memory_space<vmem>>, vector<16xf32>,
        %swap3A_513 = arith.constant 0 : i32
        %swap3A_514 = arith.index_cast %swap3A_513 : i32 to index
        %swap3A_515 = arith.index_cast %add3A_135 : i32 to index
        %swap3A_516 = arith.constant 496 : index
        %swap3A_517 = tpu.vector_load %arg7[%swap3A_514, %swap3A_515, %swap3A_516] {strides = array<i32>} : memref<1x50x1000xf32, #tpu.memory_space<vmem>>, vector<16xf32>,
        tpu.vector_store %arg7[%swap3A_514, %swap3A_515, %swap3A_516], %get3A_512 {strides = array<i32>} : memref<1x50x1000xf32, #tpu.memory_space<vmem>>, vector<16xf32>,
        %add3A_518 = arith.constant 16 : i32
        %add3A_519 = arith.addi %add3A_518, %scan3A_133 : i32
        %get3A_520 = arith.constant 4 : i32
        %get3A_521 = arith.index_cast %add3A_519 : i32 to index
        %get3A_522 = arith.index_cast %get3A_520 : i32 to index
        %get3A_523 = arith.constant 0 : index
        %get3A_524 = tpu.vector_load %arg6[%get3A_521, %get3A_522, %get3A_523] {strides = array<i32>} : memref<50x8x128xf32, #tpu.memory_space<vmem>>, vector<16xf32>,
        %swap3A_525 = arith.constant 0 : i32
        %swap3A_526 = arith.index_cast %swap3A_525 : i32 to index
        %swap3A_527 = arith.index_cast %add3A_135 : i32 to index
        %swap3A_528 = arith.constant 512 : index
        %swap3A_529 = tpu.vector_load %arg7[%swap3A_526, %swap3A_527, %swap3A_528] {strides = array<i32>} : memref<1x50x1000xf32, #tpu.memory_space<vmem>>, vector<16xf32>,
        tpu.vector_store %arg7[%swap3A_526, %swap3A_527, %swap3A_528], %get3A_524 {strides = array<i32>} : memref<1x50x1000xf32, #tpu.memory_space<vmem>>, vector<16xf32>,
        %add3A_530 = arith.constant 16 : i32
        %add3A_531 = arith.addi %add3A_530, %scan3A_133 : i32
        %get3A_532 = arith.constant 4 : i32
        %get3A_533 = arith.index_cast %add3A_531 : i32 to index
        %get3A_534 = arith.index_cast %get3A_532 : i32 to index
        %get3A_535 = arith.constant 16 : index
        %get3A_536 = tpu.vector_load %arg6[%get3A_533, %get3A_534, %get3A_535] {strides = array<i32>} : memref<50x8x128xf32, #tpu.memory_space<vmem>>, vector<16xf32>,
        %swap3A_537 = arith.constant 0 : i32
        %swap3A_538 = arith.index_cast %swap3A_537 : i32 to index
        %swap3A_539 = arith.index_cast %add3A_135 : i32 to index
        %swap3A_540 = arith.constant 528 : index
        %swap3A_541 = tpu.vector_load %arg7[%swap3A_538, %swap3A_539, %swap3A_540] {strides = array<i32>} : memref<1x50x1000xf32, #tpu.memory_space<vmem>>, vector<16xf32>,
        tpu.vector_store %arg7[%swap3A_538, %swap3A_539, %swap3A_540], %get3A_536 {strides = array<i32>} : memref<1x50x1000xf32, #tpu.memory_space<vmem>>, vector<16xf32>,
        %add3A_542 = arith.constant 16 : i32
        %add3A_543 = arith.addi %add3A_542, %scan3A_133 : i32
        %get3A_544 = arith.constant 4 : i32
        %get3A_545 = arith.index_cast %add3A_543 : i32 to index
        %get3A_546 = arith.index_cast %get3A_544 : i32 to index
        %get3A_547 = arith.constant 32 : index
        %get3A_548 = tpu.vector_load %arg6[%get3A_545, %get3A_546, %get3A_547] {strides = array<i32>} : memref<50x8x128xf32, #tpu.memory_space<vmem>>, vector<16xf32>,
        %swap3A_549 = arith.constant 0 : i32
        %swap3A_550 = arith.index_cast %swap3A_549 : i32 to index
        %swap3A_551 = arith.index_cast %add3A_135 : i32 to index
        %swap3A_552 = arith.constant 544 : index
        %swap3A_553 = tpu.vector_load %arg7[%swap3A_550, %swap3A_551, %swap3A_552] {strides = array<i32>} : memref<1x50x1000xf32, #tpu.memory_space<vmem>>, vector<16xf32>,
        tpu.vector_store %arg7[%swap3A_550, %swap3A_551, %swap3A_552], %get3A_548 {strides = array<i32>} : memref<1x50x1000xf32, #tpu.memory_space<vmem>>, vector<16xf32>,
        %add3A_554 = arith.constant 16 : i32
        %add3A_555 = arith.addi %add3A_554, %scan3A_133 : i32
        %get3A_556 = arith.constant 4 : i32
        %get3A_557 = arith.index_cast %add3A_555 : i32 to index
        %get3A_558 = arith.index_cast %get3A_556 : i32 to index
        %get3A_559 = arith.constant 48 : index
        %get3A_560 = tpu.vector_load %arg6[%get3A_557, %get3A_558, %get3A_559] {strides = array<i32>} : memref<50x8x128xf32, #tpu.memory_space<vmem>>, vector<16xf32>,
        %swap3A_561 = arith.constant 0 : i32
        %swap3A_562 = arith.index_cast %swap3A_561 : i32 to index
        %swap3A_563 = arith.index_cast %add3A_135 : i32 to index
        %swap3A_564 = arith.constant 560 : index
        %swap3A_565 = tpu.vector_load %arg7[%swap3A_562, %swap3A_563, %swap3A_564] {strides = array<i32>} : memref<1x50x1000xf32, #tpu.memory_space<vmem>>, vector<16xf32>,
        tpu.vector_store %arg7[%swap3A_562, %swap3A_563, %swap3A_564], %get3A_560 {strides = array<i32>} : memref<1x50x1000xf32, #tpu.memory_space<vmem>>, vector<16xf32>,
        %add3A_566 = arith.constant 16 : i32
        %add3A_567 = arith.addi %add3A_566, %scan3A_133 : i32
        %get3A_568 = arith.constant 4 : i32
        %get3A_569 = arith.index_cast %add3A_567 : i32 to index
        %get3A_570 = arith.index_cast %get3A_568 : i32 to index
        %get3A_571 = arith.constant 64 : index
        %get3A_572 = tpu.vector_load %arg6[%get3A_569, %get3A_570, %get3A_571] {strides = array<i32>} : memref<50x8x128xf32, #tpu.memory_space<vmem>>, vector<16xf32>,
        %swap3A_573 = arith.constant 0 : i32
        %swap3A_574 = arith.index_cast %swap3A_573 : i32 to index
        %swap3A_575 = arith.index_cast %add3A_135 : i32 to index
        %swap3A_576 = arith.constant 576 : index
        %swap3A_577 = tpu.vector_load %arg7[%swap3A_574, %swap3A_575, %swap3A_576] {strides = array<i32>} : memref<1x50x1000xf32, #tpu.memory_space<vmem>>, vector<16xf32>,
        tpu.vector_store %arg7[%swap3A_574, %swap3A_575, %swap3A_576], %get3A_572 {strides = array<i32>} : memref<1x50x1000xf32, #tpu.memory_space<vmem>>, vector<16xf32>,
        %add3A_578 = arith.constant 16 : i32
        %add3A_579 = arith.addi %add3A_578, %scan3A_133 : i32
        %get3A_580 = arith.constant 4 : i32
        %get3A_581 = arith.index_cast %add3A_579 : i32 to index
        %get3A_582 = arith.index_cast %get3A_580 : i32 to index
        %get3A_583 = arith.constant 80 : index
        %get3A_584 = tpu.vector_load %arg6[%get3A_581, %get3A_582, %get3A_583] {strides = array<i32>} : memref<50x8x128xf32, #tpu.memory_space<vmem>>, vector<16xf32>,
        %swap3A_585 = arith.constant 0 : i32
        %swap3A_586 = arith.index_cast %swap3A_585 : i32 to index
        %swap3A_587 = arith.index_cast %add3A_135 : i32 to index
        %swap3A_588 = arith.constant 592 : index
        %swap3A_589 = tpu.vector_load %arg7[%swap3A_586, %swap3A_587, %swap3A_588] {strides = array<i32>} : memref<1x50x1000xf32, #tpu.memory_space<vmem>>, vector<16xf32>,
        tpu.vector_store %arg7[%swap3A_586, %swap3A_587, %swap3A_588], %get3A_584 {strides = array<i32>} : memref<1x50x1000xf32, #tpu.memory_space<vmem>>, vector<16xf32>,
        %add3A_590 = arith.constant 16 : i32
        %add3A_591 = arith.addi %add3A_590, %scan3A_133 : i32
        %get3A_592 = arith.constant 4 : i32
        %get3A_593 = arith.index_cast %add3A_591 : i32 to index
        %get3A_594 = arith.index_cast %get3A_592 : i32 to index
        %get3A_595 = arith.constant 96 : index
        %get3A_596 = tpu.vector_load %arg6[%get3A_593, %get3A_594, %get3A_595] {strides = array<i32>} : memref<50x8x128xf32, #tpu.memory_space<vmem>>, vector<16xf32>,
        %swap3A_597 = arith.constant 0 : i32
        %swap3A_598 = arith.index_cast %swap3A_597 : i32 to index
        %swap3A_599 = arith.index_cast %add3A_135 : i32 to index
        %swap3A_600 = arith.constant 608 : index
        %swap3A_601 = tpu.vector_load %arg7[%swap3A_598, %swap3A_599, %swap3A_600] {strides = array<i32>} : memref<1x50x1000xf32, #tpu.memory_space<vmem>>, vector<16xf32>,
        tpu.vector_store %arg7[%swap3A_598, %swap3A_599, %swap3A_600], %get3A_596 {strides = array<i32>} : memref<1x50x1000xf32, #tpu.memory_space<vmem>>, vector<16xf32>,
        %add3A_602 = arith.constant 16 : i32
        %add3A_603 = arith.addi %add3A_602, %scan3A_133 : i32
        %get3A_604 = arith.constant 4 : i32
        %get3A_605 = arith.index_cast %add3A_603 : i32 to index
        %get3A_606 = arith.index_cast %get3A_604 : i32 to index
        %get3A_607 = arith.constant 112 : index
        %get3A_608 = tpu.vector_load %arg6[%get3A_605, %get3A_606, %get3A_607] {strides = array<i32>} : memref<50x8x128xf32, #tpu.memory_space<vmem>>, vector<16xf32>,
        %swap3A_609 = arith.constant 0 : i32
        %swap3A_610 = arith.index_cast %swap3A_609 : i32 to index
        %swap3A_611 = arith.index_cast %add3A_135 : i32 to index
        %swap3A_612 = arith.constant 624 : index
        %swap3A_613 = tpu.vector_load %arg7[%swap3A_610, %swap3A_611, %swap3A_612] {strides = array<i32>} : memref<1x50x1000xf32, #tpu.memory_space<vmem>>, vector<16xf32>,
        tpu.vector_store %arg7[%swap3A_610, %swap3A_611, %swap3A_612], %get3A_608 {strides = array<i32>} : memref<1x50x1000xf32, #tpu.memory_space<vmem>>, vector<16xf32>,
        %add3A_614 = arith.constant 16 : i32
        %add3A_615 = arith.addi %add3A_614, %scan3A_133 : i32
        %get3A_616 = arith.constant 5 : i32
        %get3A_617 = arith.index_cast %add3A_615 : i32 to index
        %get3A_618 = arith.index_cast %get3A_616 : i32 to index
        %get3A_619 = arith.constant 0 : index
        %get3A_620 = tpu.vector_load %arg6[%get3A_617, %get3A_618, %get3A_619] {strides = array<i32>} : memref<50x8x128xf32, #tpu.memory_space<vmem>>, vector<16xf32>,
        %swap3A_621 = arith.constant 0 : i32
        %swap3A_622 = arith.index_cast %swap3A_621 : i32 to index
        %swap3A_623 = arith.index_cast %add3A_135 : i32 to index
        %swap3A_624 = arith.constant 640 : index
        %swap3A_625 = tpu.vector_load %arg7[%swap3A_622, %swap3A_623, %swap3A_624] {strides = array<i32>} : memref<1x50x1000xf32, #tpu.memory_space<vmem>>, vector<16xf32>,
        tpu.vector_store %arg7[%swap3A_622, %swap3A_623, %swap3A_624], %get3A_620 {strides = array<i32>} : memref<1x50x1000xf32, #tpu.memory_space<vmem>>, vector<16xf32>,
        %add3A_626 = arith.constant 16 : i32
        %add3A_627 = arith.addi %add3A_626, %scan3A_133 : i32
        %get3A_628 = arith.constant 5 : i32
        %get3A_629 = arith.index_cast %add3A_627 : i32 to index
        %get3A_630 = arith.index_cast %get3A_628 : i32 to index
        %get3A_631 = arith.constant 16 : index
        %get3A_632 = tpu.vector_load %arg6[%get3A_629, %get3A_630, %get3A_631] {strides = array<i32>} : memref<50x8x128xf32, #tpu.memory_space<vmem>>, vector<16xf32>,
        %swap3A_633 = arith.constant 0 : i32
        %swap3A_634 = arith.index_cast %swap3A_633 : i32 to index
        %swap3A_635 = arith.index_cast %add3A_135 : i32 to index
        %swap3A_636 = arith.constant 656 : index
        %swap3A_637 = tpu.vector_load %arg7[%swap3A_634, %swap3A_635, %swap3A_636] {strides = array<i32>} : memref<1x50x1000xf32, #tpu.memory_space<vmem>>, vector<16xf32>,
        tpu.vector_store %arg7[%swap3A_634, %swap3A_635, %swap3A_636], %get3A_632 {strides = array<i32>} : memref<1x50x1000xf32, #tpu.memory_space<vmem>>, vector<16xf32>,
        %add3A_638 = arith.constant 16 : i32
        %add3A_639 = arith.addi %add3A_638, %scan3A_133 : i32
        %get3A_640 = arith.constant 5 : i32
        %get3A_641 = arith.index_cast %add3A_639 : i32 to index
        %get3A_642 = arith.index_cast %get3A_640 : i32 to index
        %get3A_643 = arith.constant 32 : index
        %get3A_644 = tpu.vector_load %arg6[%get3A_641, %get3A_642, %get3A_643] {strides = array<i32>} : memref<50x8x128xf32, #tpu.memory_space<vmem>>, vector<16xf32>,
        %swap3A_645 = arith.constant 0 : i32
        %swap3A_646 = arith.index_cast %swap3A_645 : i32 to index
        %swap3A_647 = arith.index_cast %add3A_135 : i32 to index
        %swap3A_648 = arith.constant 672 : index
        %swap3A_649 = tpu.vector_load %arg7[%swap3A_646, %swap3A_647, %swap3A_648] {strides = array<i32>} : memref<1x50x1000xf32, #tpu.memory_space<vmem>>, vector<16xf32>,
        tpu.vector_store %arg7[%swap3A_646, %swap3A_647, %swap3A_648], %get3A_644 {strides = array<i32>} : memref<1x50x1000xf32, #tpu.memory_space<vmem>>, vector<16xf32>,
        %add3A_650 = arith.constant 16 : i32
        %add3A_651 = arith.addi %add3A_650, %scan3A_133 : i32
        %get3A_652 = arith.constant 5 : i32
        %get3A_653 = arith.index_cast %add3A_651 : i32 to index
        %get3A_654 = arith.index_cast %get3A_652 : i32 to index
        %get3A_655 = arith.constant 48 : index
        %get3A_656 = tpu.vector_load %arg6[%get3A_653, %get3A_654, %get3A_655] {strides = array<i32>} : memref<50x8x128xf32, #tpu.memory_space<vmem>>, vector<16xf32>,
        %swap3A_657 = arith.constant 0 : i32
        %swap3A_658 = arith.index_cast %swap3A_657 : i32 to index
        %swap3A_659 = arith.index_cast %add3A_135 : i32 to index
        %swap3A_660 = arith.constant 688 : index
        %swap3A_661 = tpu.vector_load %arg7[%swap3A_658, %swap3A_659, %swap3A_660] {strides = array<i32>} : memref<1x50x1000xf32, #tpu.memory_space<vmem>>, vector<16xf32>,
        tpu.vector_store %arg7[%swap3A_658, %swap3A_659, %swap3A_660], %get3A_656 {strides = array<i32>} : memref<1x50x1000xf32, #tpu.memory_space<vmem>>, vector<16xf32>,
        %add3A_662 = arith.constant 16 : i32
        %add3A_663 = arith.addi %add3A_662, %scan3A_133 : i32
        %get3A_664 = arith.constant 5 : i32
        %get3A_665 = arith.index_cast %add3A_663 : i32 to index
        %get3A_666 = arith.index_cast %get3A_664 : i32 to index
        %get3A_667 = arith.constant 64 : index
        %get3A_668 = tpu.vector_load %arg6[%get3A_665, %get3A_666, %get3A_667] {strides = array<i32>} : memref<50x8x128xf32, #tpu.memory_space<vmem>>, vector<16xf32>,
        %swap3A_669 = arith.constant 0 : i32
        %swap3A_670 = arith.index_cast %swap3A_669 : i32 to index
        %swap3A_671 = arith.index_cast %add3A_135 : i32 to index
        %swap3A_672 = arith.constant 704 : index
        %swap3A_673 = tpu.vector_load %arg7[%swap3A_670, %swap3A_671, %swap3A_672] {strides = array<i32>} : memref<1x50x1000xf32, #tpu.memory_space<vmem>>, vector<16xf32>,
        tpu.vector_store %arg7[%swap3A_670, %swap3A_671, %swap3A_672], %get3A_668 {strides = array<i32>} : memref<1x50x1000xf32, #tpu.memory_space<vmem>>, vector<16xf32>,
        %add3A_674 = arith.constant 16 : i32
        %add3A_675 = arith.addi %add3A_674, %scan3A_133 : i32
        %get3A_676 = arith.constant 5 : i32
        %get3A_677 = arith.index_cast %add3A_675 : i32 to index
        %get3A_678 = arith.index_cast %get3A_676 : i32 to index
        %get3A_679 = arith.constant 80 : index
        %get3A_680 = tpu.vector_load %arg6[%get3A_677, %get3A_678, %get3A_679] {strides = array<i32>} : memref<50x8x128xf32, #tpu.memory_space<vmem>>, vector<16xf32>,
        %swap3A_681 = arith.constant 0 : i32
        %swap3A_682 = arith.index_cast %swap3A_681 : i32 to index
        %swap3A_683 = arith.index_cast %add3A_135 : i32 to index
        %swap3A_684 = arith.constant 720 : index
        %swap3A_685 = tpu.vector_load %arg7[%swap3A_682, %swap3A_683, %swap3A_684] {strides = array<i32>} : memref<1x50x1000xf32, #tpu.memory_space<vmem>>, vector<16xf32>,
        tpu.vector_store %arg7[%swap3A_682, %swap3A_683, %swap3A_684], %get3A_680 {strides = array<i32>} : memref<1x50x1000xf32, #tpu.memory_space<vmem>>, vector<16xf32>,
        %add3A_686 = arith.constant 16 : i32
        %add3A_687 = arith.addi %add3A_686, %scan3A_133 : i32
        %get3A_688 = arith.constant 5 : i32
        %get3A_689 = arith.index_cast %add3A_687 : i32 to index
        %get3A_690 = arith.index_cast %get3A_688 : i32 to index
        %get3A_691 = arith.constant 96 : index
        %get3A_692 = tpu.vector_load %arg6[%get3A_689, %get3A_690, %get3A_691] {strides = array<i32>} : memref<50x8x128xf32, #tpu.memory_space<vmem>>, vector<16xf32>,
        %swap3A_693 = arith.constant 0 : i32
        %swap3A_694 = arith.index_cast %swap3A_693 : i32 to index
        %swap3A_695 = arith.index_cast %add3A_135 : i32 to index
        %swap3A_696 = arith.constant 736 : index
        %swap3A_697 = tpu.vector_load %arg7[%swap3A_694, %swap3A_695, %swap3A_696] {strides = array<i32>} : memref<1x50x1000xf32, #tpu.memory_space<vmem>>, vector<16xf32>,
        tpu.vector_store %arg7[%swap3A_694, %swap3A_695, %swap3A_696], %get3A_692 {strides = array<i32>} : memref<1x50x1000xf32, #tpu.memory_space<vmem>>, vector<16xf32>,
        %add3A_698 = arith.constant 16 : i32
        %add3A_699 = arith.addi %add3A_698, %scan3A_133 : i32
        %get3A_700 = arith.constant 5 : i32
        %get3A_701 = arith.index_cast %add3A_699 : i32 to index
        %get3A_702 = arith.index_cast %get3A_700 : i32 to index
        %get3A_703 = arith.constant 112 : index
        %get3A_704 = tpu.vector_load %arg6[%get3A_701, %get3A_702, %get3A_703] {strides = array<i32>} : memref<50x8x128xf32, #tpu.memory_space<vmem>>, vector<16xf32>,
        %swap3A_705 = arith.constant 0 : i32
        %swap3A_706 = arith.index_cast %swap3A_705 : i32 to index
        %swap3A_707 = arith.index_cast %add3A_135 : i32 to index
        %swap3A_708 = arith.constant 752 : index
        %swap3A_709 = tpu.vector_load %arg7[%swap3A_706, %swap3A_707, %swap3A_708] {strides = array<i32>} : memref<1x50x1000xf32, #tpu.memory_space<vmem>>, vector<16xf32>,
        tpu.vector_store %arg7[%swap3A_706, %swap3A_707, %swap3A_708], %get3A_704 {strides = array<i32>} : memref<1x50x1000xf32, #tpu.memory_space<vmem>>, vector<16xf32>,
        %add3A_710 = arith.constant 16 : i32
        %add3A_711 = arith.addi %add3A_710, %scan3A_133 : i32
        %get3A_712 = arith.constant 6 : i32
        %get3A_713 = arith.index_cast %add3A_711 : i32 to index
        %get3A_714 = arith.index_cast %get3A_712 : i32 to index
        %get3A_715 = arith.constant 0 : index
        %get3A_716 = tpu.vector_load %arg6[%get3A_713, %get3A_714, %get3A_715] {strides = array<i32>} : memref<50x8x128xf32, #tpu.memory_space<vmem>>, vector<16xf32>,
        %swap3A_717 = arith.constant 0 : i32
        %swap3A_718 = arith.index_cast %swap3A_717 : i32 to index
        %swap3A_719 = arith.index_cast %add3A_135 : i32 to index
        %swap3A_720 = arith.constant 768 : index
        %swap3A_721 = tpu.vector_load %arg7[%swap3A_718, %swap3A_719, %swap3A_720] {strides = array<i32>} : memref<1x50x1000xf32, #tpu.memory_space<vmem>>, vector<16xf32>,
        tpu.vector_store %arg7[%swap3A_718, %swap3A_719, %swap3A_720], %get3A_716 {strides = array<i32>} : memref<1x50x1000xf32, #tpu.memory_space<vmem>>, vector<16xf32>,
        %add3A_722 = arith.constant 16 : i32
        %add3A_723 = arith.addi %add3A_722, %scan3A_133 : i32
        %get3A_724 = arith.constant 6 : i32
        %get3A_725 = arith.index_cast %add3A_723 : i32 to index
        %get3A_726 = arith.index_cast %get3A_724 : i32 to index
        %get3A_727 = arith.constant 16 : index
        %get3A_728 = tpu.vector_load %arg6[%get3A_725, %get3A_726, %get3A_727] {strides = array<i32>} : memref<50x8x128xf32, #tpu.memory_space<vmem>>, vector<16xf32>,
        %swap3A_729 = arith.constant 0 : i32
        %swap3A_730 = arith.index_cast %swap3A_729 : i32 to index
        %swap3A_731 = arith.index_cast %add3A_135 : i32 to index
        %swap3A_732 = arith.constant 784 : index
        %swap3A_733 = tpu.vector_load %arg7[%swap3A_730, %swap3A_731, %swap3A_732] {strides = array<i32>} : memref<1x50x1000xf32, #tpu.memory_space<vmem>>, vector<16xf32>,
        tpu.vector_store %arg7[%swap3A_730, %swap3A_731, %swap3A_732], %get3A_728 {strides = array<i32>} : memref<1x50x1000xf32, #tpu.memory_space<vmem>>, vector<16xf32>,
        %add3A_734 = arith.constant 16 : i32
        %add3A_735 = arith.addi %add3A_734, %scan3A_133 : i32
        %get3A_736 = arith.constant 6 : i32
        %get3A_737 = arith.index_cast %add3A_735 : i32 to index
        %get3A_738 = arith.index_cast %get3A_736 : i32 to index
        %get3A_739 = arith.constant 32 : index
        %get3A_740 = tpu.vector_load %arg6[%get3A_737, %get3A_738, %get3A_739] {strides = array<i32>} : memref<50x8x128xf32, #tpu.memory_space<vmem>>, vector<16xf32>,
        %swap3A_741 = arith.constant 0 : i32
        %swap3A_742 = arith.index_cast %swap3A_741 : i32 to index
        %swap3A_743 = arith.index_cast %add3A_135 : i32 to index
        %swap3A_744 = arith.constant 800 : index
        %swap3A_745 = tpu.vector_load %arg7[%swap3A_742, %swap3A_743, %swap3A_744] {strides = array<i32>} : memref<1x50x1000xf32, #tpu.memory_space<vmem>>, vector<16xf32>,
        tpu.vector_store %arg7[%swap3A_742, %swap3A_743, %swap3A_744], %get3A_740 {strides = array<i32>} : memref<1x50x1000xf32, #tpu.memory_space<vmem>>, vector<16xf32>,
        %add3A_746 = arith.constant 16 : i32
        %add3A_747 = arith.addi %add3A_746, %scan3A_133 : i32
        %get3A_748 = arith.constant 6 : i32
        %get3A_749 = arith.index_cast %add3A_747 : i32 to index
        %get3A_750 = arith.index_cast %get3A_748 : i32 to index
        %get3A_751 = arith.constant 48 : index
        %get3A_752 = tpu.vector_load %arg6[%get3A_749, %get3A_750, %get3A_751] {strides = array<i32>} : memref<50x8x128xf32, #tpu.memory_space<vmem>>, vector<16xf32>,
        %swap3A_753 = arith.constant 0 : i32
        %swap3A_754 = arith.index_cast %swap3A_753 : i32 to index
        %swap3A_755 = arith.index_cast %add3A_135 : i32 to index
        %swap3A_756 = arith.constant 816 : index
        %swap3A_757 = tpu.vector_load %arg7[%swap3A_754, %swap3A_755, %swap3A_756] {strides = array<i32>} : memref<1x50x1000xf32, #tpu.memory_space<vmem>>, vector<16xf32>,
        tpu.vector_store %arg7[%swap3A_754, %swap3A_755, %swap3A_756], %get3A_752 {strides = array<i32>} : memref<1x50x1000xf32, #tpu.memory_space<vmem>>, vector<16xf32>,
        %add3A_758 = arith.constant 16 : i32
        %add3A_759 = arith.addi %add3A_758, %scan3A_133 : i32
        %get3A_760 = arith.constant 6 : i32
        %get3A_761 = arith.index_cast %add3A_759 : i32 to index
        %get3A_762 = arith.index_cast %get3A_760 : i32 to index
        %get3A_763 = arith.constant 64 : index
        %get3A_764 = tpu.vector_load %arg6[%get3A_761, %get3A_762, %get3A_763] {strides = array<i32>} : memref<50x8x128xf32, #tpu.memory_space<vmem>>, vector<16xf32>,
        %swap3A_765 = arith.constant 0 : i32
        %swap3A_766 = arith.index_cast %swap3A_765 : i32 to index
        %swap3A_767 = arith.index_cast %add3A_135 : i32 to index
        %swap3A_768 = arith.constant 832 : index
        %swap3A_769 = tpu.vector_load %arg7[%swap3A_766, %swap3A_767, %swap3A_768] {strides = array<i32>} : memref<1x50x1000xf32, #tpu.memory_space<vmem>>, vector<16xf32>,
        tpu.vector_store %arg7[%swap3A_766, %swap3A_767, %swap3A_768], %get3A_764 {strides = array<i32>} : memref<1x50x1000xf32, #tpu.memory_space<vmem>>, vector<16xf32>,
        %add3A_770 = arith.constant 16 : i32
        %add3A_771 = arith.addi %add3A_770, %scan3A_133 : i32
        %get3A_772 = arith.constant 6 : i32
        %get3A_773 = arith.index_cast %add3A_771 : i32 to index
        %get3A_774 = arith.index_cast %get3A_772 : i32 to index
        %get3A_775 = arith.constant 80 : index
        %get3A_776 = tpu.vector_load %arg6[%get3A_773, %get3A_774, %get3A_775] {strides = array<i32>} : memref<50x8x128xf32, #tpu.memory_space<vmem>>, vector<16xf32>,
        %swap3A_777 = arith.constant 0 : i32
        %swap3A_778 = arith.index_cast %swap3A_777 : i32 to index
        %swap3A_779 = arith.index_cast %add3A_135 : i32 to index
        %swap3A_780 = arith.constant 848 : index
        %swap3A_781 = tpu.vector_load %arg7[%swap3A_778, %swap3A_779, %swap3A_780] {strides = array<i32>} : memref<1x50x1000xf32, #tpu.memory_space<vmem>>, vector<16xf32>,
        tpu.vector_store %arg7[%swap3A_778, %swap3A_779, %swap3A_780], %get3A_776 {strides = array<i32>} : memref<1x50x1000xf32, #tpu.memory_space<vmem>>, vector<16xf32>,
        %add3A_782 = arith.constant 16 : i32
        %add3A_783 = arith.addi %add3A_782, %scan3A_133 : i32
        %get3A_784 = arith.constant 6 : i32
        %get3A_785 = arith.index_cast %add3A_783 : i32 to index
        %get3A_786 = arith.index_cast %get3A_784 : i32 to index
        %get3A_787 = arith.constant 96 : index
        %get3A_788 = tpu.vector_load %arg6[%get3A_785, %get3A_786, %get3A_787] {strides = array<i32>} : memref<50x8x128xf32, #tpu.memory_space<vmem>>, vector<16xf32>,
        %swap3A_789 = arith.constant 0 : i32
        %swap3A_790 = arith.index_cast %swap3A_789 : i32 to index
        %swap3A_791 = arith.index_cast %add3A_135 : i32 to index
        %swap3A_792 = arith.constant 864 : index
        %swap3A_793 = tpu.vector_load %arg7[%swap3A_790, %swap3A_791, %swap3A_792] {strides = array<i32>} : memref<1x50x1000xf32, #tpu.memory_space<vmem>>, vector<16xf32>,
        tpu.vector_store %arg7[%swap3A_790, %swap3A_791, %swap3A_792], %get3A_788 {strides = array<i32>} : memref<1x50x1000xf32, #tpu.memory_space<vmem>>, vector<16xf32>,
        %add3A_794 = arith.constant 16 : i32
        %add3A_795 = arith.addi %add3A_794, %scan3A_133 : i32
        %get3A_796 = arith.constant 6 : i32
        %get3A_797 = arith.index_cast %add3A_795 : i32 to index
        %get3A_798 = arith.index_cast %get3A_796 : i32 to index
        %get3A_799 = arith.constant 112 : index
        %get3A_800 = tpu.vector_load %arg6[%get3A_797, %get3A_798, %get3A_799] {strides = array<i32>} : memref<50x8x128xf32, #tpu.memory_space<vmem>>, vector<16xf32>,
        %swap3A_801 = arith.constant 0 : i32
        %swap3A_802 = arith.index_cast %swap3A_801 : i32 to index
        %swap3A_803 = arith.index_cast %add3A_135 : i32 to index
        %swap3A_804 = arith.constant 880 : index
        %swap3A_805 = tpu.vector_load %arg7[%swap3A_802, %swap3A_803, %swap3A_804] {strides = array<i32>} : memref<1x50x1000xf32, #tpu.memory_space<vmem>>, vector<16xf32>,
        tpu.vector_store %arg7[%swap3A_802, %swap3A_803, %swap3A_804], %get3A_800 {strides = array<i32>} : memref<1x50x1000xf32, #tpu.memory_space<vmem>>, vector<16xf32>,
        %add3A_806 = arith.constant 16 : i32
        %add3A_807 = arith.addi %add3A_806, %scan3A_133 : i32
        %get3A_808 = arith.constant 7 : i32
        %get3A_809 = arith.index_cast %add3A_807 : i32 to index
        %get3A_810 = arith.index_cast %get3A_808 : i32 to index
        %get3A_811 = arith.constant 0 : index
        %get3A_812 = tpu.vector_load %arg6[%get3A_809, %get3A_810, %get3A_811] {strides = array<i32>} : memref<50x8x128xf32, #tpu.memory_space<vmem>>, vector<16xf32>,
        %swap3A_813 = arith.constant 0 : i32
        %swap3A_814 = arith.index_cast %swap3A_813 : i32 to index
        %swap3A_815 = arith.index_cast %add3A_135 : i32 to index
        %swap3A_816 = arith.constant 896 : index
        %swap3A_817 = tpu.vector_load %arg7[%swap3A_814, %swap3A_815, %swap3A_816] {strides = array<i32>} : memref<1x50x1000xf32, #tpu.memory_space<vmem>>, vector<16xf32>,
        tpu.vector_store %arg7[%swap3A_814, %swap3A_815, %swap3A_816], %get3A_812 {strides = array<i32>} : memref<1x50x1000xf32, #tpu.memory_space<vmem>>, vector<16xf32>,
        %add3A_818 = arith.constant 16 : i32
        %add3A_819 = arith.addi %add3A_818, %scan3A_133 : i32
        %get3A_820 = arith.constant 7 : i32
        %get3A_821 = arith.index_cast %add3A_819 : i32 to index
        %get3A_822 = arith.index_cast %get3A_820 : i32 to index
        %get3A_823 = arith.constant 16 : index
        %get3A_824 = tpu.vector_load %arg6[%get3A_821, %get3A_822, %get3A_823] {strides = array<i32>} : memref<50x8x128xf32, #tpu.memory_space<vmem>>, vector<16xf32>,
        %swap3A_825 = arith.constant 0 : i32
        %swap3A_826 = arith.index_cast %swap3A_825 : i32 to index
        %swap3A_827 = arith.index_cast %add3A_135 : i32 to index
        %swap3A_828 = arith.constant 912 : index
        %swap3A_829 = tpu.vector_load %arg7[%swap3A_826, %swap3A_827, %swap3A_828] {strides = array<i32>} : memref<1x50x1000xf32, #tpu.memory_space<vmem>>, vector<16xf32>,
        tpu.vector_store %arg7[%swap3A_826, %swap3A_827, %swap3A_828], %get3A_824 {strides = array<i32>} : memref<1x50x1000xf32, #tpu.memory_space<vmem>>, vector<16xf32>,
        %add3A_830 = arith.constant 16 : i32
        %add3A_831 = arith.addi %add3A_830, %scan3A_133 : i32
        %get3A_832 = arith.constant 7 : i32
        %get3A_833 = arith.index_cast %add3A_831 : i32 to index
        %get3A_834 = arith.index_cast %get3A_832 : i32 to index
        %get3A_835 = arith.constant 32 : index
        %get3A_836 = tpu.vector_load %arg6[%get3A_833, %get3A_834, %get3A_835] {strides = array<i32>} : memref<50x8x128xf32, #tpu.memory_space<vmem>>, vector<16xf32>,
        %swap3A_837 = arith.constant 0 : i32
        %swap3A_838 = arith.index_cast %swap3A_837 : i32 to index
        %swap3A_839 = arith.index_cast %add3A_135 : i32 to index
        %swap3A_840 = arith.constant 928 : index
        %swap3A_841 = tpu.vector_load %arg7[%swap3A_838, %swap3A_839, %swap3A_840] {strides = array<i32>} : memref<1x50x1000xf32, #tpu.memory_space<vmem>>, vector<16xf32>,
        tpu.vector_store %arg7[%swap3A_838, %swap3A_839, %swap3A_840], %get3A_836 {strides = array<i32>} : memref<1x50x1000xf32, #tpu.memory_space<vmem>>, vector<16xf32>,
        %add3A_842 = arith.constant 16 : i32
        %add3A_843 = arith.addi %add3A_842, %scan3A_133 : i32
        %get3A_844 = arith.constant 7 : i32
        %get3A_845 = arith.index_cast %add3A_843 : i32 to index
        %get3A_846 = arith.index_cast %get3A_844 : i32 to index
        %get3A_847 = arith.constant 48 : index
        %get3A_848 = tpu.vector_load %arg6[%get3A_845, %get3A_846, %get3A_847] {strides = array<i32>} : memref<50x8x128xf32, #tpu.memory_space<vmem>>, vector<16xf32>,
        %swap3A_849 = arith.constant 0 : i32
        %swap3A_850 = arith.index_cast %swap3A_849 : i32 to index
        %swap3A_851 = arith.index_cast %add3A_135 : i32 to index
        %swap3A_852 = arith.constant 944 : index
        %swap3A_853 = tpu.vector_load %arg7[%swap3A_850, %swap3A_851, %swap3A_852] {strides = array<i32>} : memref<1x50x1000xf32, #tpu.memory_space<vmem>>, vector<16xf32>,
        tpu.vector_store %arg7[%swap3A_850, %swap3A_851, %swap3A_852], %get3A_848 {strides = array<i32>} : memref<1x50x1000xf32, #tpu.memory_space<vmem>>, vector<16xf32>,
        %add3A_854 = arith.constant 16 : i32
        %add3A_855 = arith.addi %add3A_854, %scan3A_133 : i32
        %get3A_856 = arith.constant 7 : i32
        %get3A_857 = arith.index_cast %add3A_855 : i32 to index
        %get3A_858 = arith.index_cast %get3A_856 : i32 to index
        %get3A_859 = arith.constant 64 : index
        %get3A_860 = tpu.vector_load %arg6[%get3A_857, %get3A_858, %get3A_859] {strides = array<i32>} : memref<50x8x128xf32, #tpu.memory_space<vmem>>, vector<16xf32>,
        %swap3A_861 = arith.constant 0 : i32
        %swap3A_862 = arith.index_cast %swap3A_861 : i32 to index
        %swap3A_863 = arith.index_cast %add3A_135 : i32 to index
        %swap3A_864 = arith.constant 960 : index
        %swap3A_865 = tpu.vector_load %arg7[%swap3A_862, %swap3A_863, %swap3A_864] {strides = array<i32>} : memref<1x50x1000xf32, #tpu.memory_space<vmem>>, vector<16xf32>,
        tpu.vector_store %arg7[%swap3A_862, %swap3A_863, %swap3A_864], %get3A_860 {strides = array<i32>} : memref<1x50x1000xf32, #tpu.memory_space<vmem>>, vector<16xf32>,
        %add3A_866 = arith.constant 16 : i32
        %add3A_867 = arith.addi %add3A_866, %scan3A_133 : i32
        %get3A_868 = arith.constant 7 : i32
        %get3A_869 = arith.index_cast %add3A_867 : i32 to index
        %get3A_870 = arith.index_cast %get3A_868 : i32 to index
        %get3A_871 = arith.constant 80 : index
        %get3A_872 = tpu.vector_load %arg6[%get3A_869, %get3A_870, %get3A_871] {strides = array<i32>} : memref<50x8x128xf32, #tpu.memory_space<vmem>>, vector<16xf32>,
        %swap3A_873 = arith.constant 0 : i32
        %swap3A_874 = arith.index_cast %swap3A_873 : i32 to index
        %swap3A_875 = arith.index_cast %add3A_135 : i32 to index
        %swap3A_876 = arith.constant 976 : index
        %swap3A_877 = tpu.vector_load %arg7[%swap3A_874, %swap3A_875, %swap3A_876] {strides = array<i32>} : memref<1x50x1000xf32, #tpu.memory_space<vmem>>, vector<16xf32>,
        tpu.vector_store %arg7[%swap3A_874, %swap3A_875, %swap3A_876], %get3A_872 {strides = array<i32>} : memref<1x50x1000xf32, #tpu.memory_space<vmem>>, vector<16xf32>,
        %add3A_878 = arith.constant 16 : i32
        %add3A_879 = arith.addi %add3A_878, %scan3A_133 : i32
        %broadcast_in_dim3A = vector.broadcast %add3A_879 : i32 to vector<16xi32>
        %broadcast_in_dim3A_880 = arith.constant 7 : i32
        %broadcast_in_dim3A_881 = vector.broadcast %broadcast_in_dim3A_880 : i32 to vector<16xi32>
        %add3A_882 = arith.constant 88 : i32
        %add3A_883 = vector.broadcast %add3A_882 : i32 to vector<16xi32>
        %add3A_884 = arith.addi %iota3A_90, %add3A_883 : vector<16xi32>
        %gather3A = tpu.vector_load_idx %arg6[%broadcast_in_dim3A, %broadcast_in_dim3A_881, %add3A_884] : memref<50x8x128xf32, #tpu.memory_space<vmem>>[vector<16xi32>, vector<16xi32>, vector<16xi32>], vector<16xf32>,
        %broadcast_in_dim3A_885 = arith.constant 0 : i32
        %broadcast_in_dim3A_886 = vector.broadcast %broadcast_in_dim3A_885 : i32 to vector<16xi32>
        %broadcast_in_dim3A_887 = vector.broadcast %add3A_135 : i32 to vector<16xi32>
        %add3A_888 = arith.constant 984 : i32
        %add3A_889 = vector.broadcast %add3A_888 : i32 to vector<16xi32>
        %add3A_890 = arith.addi %iota3A_90, %add3A_889 : vector<16xi32>
        tpu.vector_store_idx %arg7[%broadcast_in_dim3A_886, %broadcast_in_dim3A_887, %add3A_890], %gather3A : memref<1x50x1000xf32, #tpu.memory_space<vmem>>[vector<16xi32>, vector<16xi32>, vector<16xi32>], vector<16xf32>,
      }
      %scan3A_96 = arith.constant 16 : i32
      %add3A_97 = arith.constant 1 : i32
      %add3A_98 = arith.addi %scan3A_36, %add3A_97 : i32
      %lt3A_99 = arith.constant 32 : i32
      %lt3A_100 = arith.cmpi slt, %add3A_98, %lt3A_99 : i32
      %convert_element_type3A_101 = arith.extui %lt3A_100 : i1 to i32
      %cond3A_102 = arith.constant 0 : i32
      %cond3A_103 = arith.cmpi ne, %convert_element_type3A_101, %cond3A_102 : i32
      scf.if %cond3A_103 {
        %add3A_133 = arith.constant 1 : i32
        %add3A_134 = arith.addi %scan3A_36, %add3A_133 : i32
        %mul3A_135 = arith.constant 56 : i32
        %mul3A_136 = arith.muli %add3A_134, %mul3A_135 : i32
        %add3A_137 = arith.constant 16 : i32
        %add3A_138 = arith.addi %mul3A_136, %add3A_137 : i32
        %dma_start3A_139 = arith.constant 16 : i32
        %dma_start3A_140 = arith.constant 0 : i32
        %dma_start3A_141 = arith.constant 0 : i32
        %dma_start3A_142 = tpu.memref_slice %arg6[%dma_start3A_139, %dma_start3A_140, %dma_start3A_141] : memref<50x8x128xf32, #tpu.memory_space<vmem>> -> memref<16x8x128xf32, #tpu.memory_space<vmem>>
        %dma_start3A_143 = tpu.memref_slice %arg5[%add3A_138] : memref<1792xi32, #tpu.memory_space<vmem>> -> memref<16xi32, #tpu.memory_space<vmem>>
        %dma_start3A_144 = arith.constant 0 : i32
        %dma_start3A_145 = arith.constant 0 : i32
        %dma_start3A_146 = arith.constant 0 : i32
        %dma_start3A_147 = tpu.memref_slice %arg2[%dma_start3A_144, %dma_start3A_145, %dma_start3A_146] : memref<1000x8x128xf32, #tpu.memory_space<hbm>> -> memref<1000x8x128xf32, #tpu.memory_space<hbm>>
        tpu.enqueue_indirect_dma source(%dma_start3A_147 : memref<1000x8x128xf32, #tpu.memory_space<hbm>>) target(%dma_start3A_142 : memref<16x8x128xf32, #tpu.memory_space<vmem>>) offsets(%dma_start3A_143 : memref<16xi32, #tpu.memory_space<vmem>>) semaphore(%arg9 : memref<!tpu.dma_semaphore, #tpu.memory_space<semaphore_mem>>)
      } else {
      }
      %mul3A_104 = arith.constant 56 : i32
      %mul3A_105 = arith.muli %scan3A_36, %mul3A_104 : i32
      %add3A_106 = arith.constant 32 : i32
      %add3A_107 = arith.addi %mul3A_105, %add3A_106 : i32
      %dma_wait3A_108 = arith.constant 32 : i32
      %dma_wait3A_109 = arith.constant 0 : i32
      %dma_wait3A_110 = arith.constant 0 : i32
      %dma_wait3A_111 = tpu.memref_slice %arg6[%dma_wait3A_108, %dma_wait3A_109, %dma_wait3A_110] : memref<50x8x128xf32, #tpu.memory_space<vmem>> -> memref<18x8x128xf32, #tpu.memory_space<vmem>>
      %dma_wait3A_112 = tpu.memref_slice %arg5[%add3A_107] : memref<1792xi32, #tpu.memory_space<vmem>> -> memref<18xi32, #tpu.memory_space<vmem>>
      %dma_wait3A_113 = arith.constant 0 : i32
      %dma_wait3A_114 = arith.constant 0 : i32
      %dma_wait3A_115 = arith.constant 0 : i32
      %dma_wait3A_116 = tpu.memref_slice %arg2[%dma_wait3A_113, %dma_wait3A_114, %dma_wait3A_115] : memref<1000x8x128xf32, #tpu.memory_space<hbm>> -> memref<1000x8x128xf32, #tpu.memory_space<hbm>>
      tpu.wait_indirect_dma semaphore(%arg10 : memref<!tpu.dma_semaphore, #tpu.memory_space<semaphore_mem>>) src(%dma_wait3A_116 : memref<1000x8x128xf32, #tpu.memory_space<hbm>>) dst(%dma_wait3A_111 : memref<18x8x128xf32, #tpu.memory_space<vmem>>)
      %iota3A_117 = tpu.iota {dimensions = array<i32: 0>} : vector<16xi32>
      %scan3A_118 = arith.constant 0 : i32
      %scan3A_119 = arith.constant 0 : i32
      %scan3A_120 = arith.constant 18 : i32
      %scan3A_121 = arith.addi %scan3A_119, %scan3A_120 : i32
      %scan3A_122 = arith.constant 1 : i32
      scf.for %scan3A_133 = %scan3A_119 to %scan3A_121 step %scan3A_122  : i32 {
        %add3A_134 = arith.constant 32 : i32
        %add3A_135 = arith.addi %add3A_134, %scan3A_133 : i32
        %add3A_136 = arith.constant 32 : i32
        %add3A_137 = arith.addi %add3A_136, %scan3A_133 : i32
        %get3A = arith.constant 0 : i32
        %get3A_138 = arith.index_cast %add3A_137 : i32 to index
        %get3A_139 = arith.index_cast %get3A : i32 to index
        %get3A_140 = arith.constant 0 : index
        %get3A_141 = tpu.vector_load %arg6[%get3A_138, %get3A_139, %get3A_140] {strides = array<i32>} : memref<50x8x128xf32, #tpu.memory_space<vmem>>, vector<16xf32>,
        %swap3A = arith.constant 0 : i32
        %swap3A_142 = arith.index_cast %swap3A : i32 to index
        %swap3A_143 = arith.index_cast %add3A_135 : i32 to index
        %swap3A_144 = arith.constant 0 : index
        %swap3A_145 = tpu.vector_load %arg7[%swap3A_142, %swap3A_143, %swap3A_144] {strides = array<i32>} : memref<1x50x1000xf32, #tpu.memory_space<vmem>>, vector<16xf32>,
        tpu.vector_store %arg7[%swap3A_142, %swap3A_143, %swap3A_144], %get3A_141 {strides = array<i32>} : memref<1x50x1000xf32, #tpu.memory_space<vmem>>, vector<16xf32>,
        %add3A_146 = arith.constant 32 : i32
        %add3A_147 = arith.addi %add3A_146, %scan3A_133 : i32
        %get3A_148 = arith.constant 0 : i32
        %get3A_149 = arith.index_cast %add3A_147 : i32 to index
        %get3A_150 = arith.index_cast %get3A_148 : i32 to index
        %get3A_151 = arith.constant 16 : index
        %get3A_152 = tpu.vector_load %arg6[%get3A_149, %get3A_150, %get3A_151] {strides = array<i32>} : memref<50x8x128xf32, #tpu.memory_space<vmem>>, vector<16xf32>,
        %swap3A_153 = arith.constant 0 : i32
        %swap3A_154 = arith.index_cast %swap3A_153 : i32 to index
        %swap3A_155 = arith.index_cast %add3A_135 : i32 to index
        %swap3A_156 = arith.constant 16 : index
        %swap3A_157 = tpu.vector_load %arg7[%swap3A_154, %swap3A_155, %swap3A_156] {strides = array<i32>} : memref<1x50x1000xf32, #tpu.memory_space<vmem>>, vector<16xf32>,
        tpu.vector_store %arg7[%swap3A_154, %swap3A_155, %swap3A_156], %get3A_152 {strides = array<i32>} : memref<1x50x1000xf32, #tpu.memory_space<vmem>>, vector<16xf32>,
        %add3A_158 = arith.constant 32 : i32
        %add3A_159 = arith.addi %add3A_158, %scan3A_133 : i32
        %get3A_160 = arith.constant 0 : i32
        %get3A_161 = arith.index_cast %add3A_159 : i32 to index
        %get3A_162 = arith.index_cast %get3A_160 : i32 to index
        %get3A_163 = arith.constant 32 : index
        %get3A_164 = tpu.vector_load %arg6[%get3A_161, %get3A_162, %get3A_163] {strides = array<i32>} : memref<50x8x128xf32, #tpu.memory_space<vmem>>, vector<16xf32>,
        %swap3A_165 = arith.constant 0 : i32
        %swap3A_166 = arith.index_cast %swap3A_165 : i32 to index
        %swap3A_167 = arith.index_cast %add3A_135 : i32 to index
        %swap3A_168 = arith.constant 32 : index
        %swap3A_169 = tpu.vector_load %arg7[%swap3A_166, %swap3A_167, %swap3A_168] {strides = array<i32>} : memref<1x50x1000xf32, #tpu.memory_space<vmem>>, vector<16xf32>,
        tpu.vector_store %arg7[%swap3A_166, %swap3A_167, %swap3A_168], %get3A_164 {strides = array<i32>} : memref<1x50x1000xf32, #tpu.memory_space<vmem>>, vector<16xf32>,
        %add3A_170 = arith.constant 32 : i32
        %add3A_171 = arith.addi %add3A_170, %scan3A_133 : i32
        %get3A_172 = arith.constant 0 : i32
        %get3A_173 = arith.index_cast %add3A_171 : i32 to index
        %get3A_174 = arith.index_cast %get3A_172 : i32 to index
        %get3A_175 = arith.constant 48 : index
        %get3A_176 = tpu.vector_load %arg6[%get3A_173, %get3A_174, %get3A_175] {strides = array<i32>} : memref<50x8x128xf32, #tpu.memory_space<vmem>>, vector<16xf32>,
        %swap3A_177 = arith.constant 0 : i32
        %swap3A_178 = arith.index_cast %swap3A_177 : i32 to index
        %swap3A_179 = arith.index_cast %add3A_135 : i32 to index
        %swap3A_180 = arith.constant 48 : index
        %swap3A_181 = tpu.vector_load %arg7[%swap3A_178, %swap3A_179, %swap3A_180] {strides = array<i32>} : memref<1x50x1000xf32, #tpu.memory_space<vmem>>, vector<16xf32>,
        tpu.vector_store %arg7[%swap3A_178, %swap3A_179, %swap3A_180], %get3A_176 {strides = array<i32>} : memref<1x50x1000xf32, #tpu.memory_space<vmem>>, vector<16xf32>,
        %add3A_182 = arith.constant 32 : i32
        %add3A_183 = arith.addi %add3A_182, %scan3A_133 : i32
        %get3A_184 = arith.constant 0 : i32
        %get3A_185 = arith.index_cast %add3A_183 : i32 to index
        %get3A_186 = arith.index_cast %get3A_184 : i32 to index
        %get3A_187 = arith.constant 64 : index
        %get3A_188 = tpu.vector_load %arg6[%get3A_185, %get3A_186, %get3A_187] {strides = array<i32>} : memref<50x8x128xf32, #tpu.memory_space<vmem>>, vector<16xf32>,
        %swap3A_189 = arith.constant 0 : i32
        %swap3A_190 = arith.index_cast %swap3A_189 : i32 to index
        %swap3A_191 = arith.index_cast %add3A_135 : i32 to index
        %swap3A_192 = arith.constant 64 : index
        %swap3A_193 = tpu.vector_load %arg7[%swap3A_190, %swap3A_191, %swap3A_192] {strides = array<i32>} : memref<1x50x1000xf32, #tpu.memory_space<vmem>>, vector<16xf32>,
        tpu.vector_store %arg7[%swap3A_190, %swap3A_191, %swap3A_192], %get3A_188 {strides = array<i32>} : memref<1x50x1000xf32, #tpu.memory_space<vmem>>, vector<16xf32>,
        %add3A_194 = arith.constant 32 : i32
        %add3A_195 = arith.addi %add3A_194, %scan3A_133 : i32
        %get3A_196 = arith.constant 0 : i32
        %get3A_197 = arith.index_cast %add3A_195 : i32 to index
        %get3A_198 = arith.index_cast %get3A_196 : i32 to index
        %get3A_199 = arith.constant 80 : index
        %get3A_200 = tpu.vector_load %arg6[%get3A_197, %get3A_198, %get3A_199] {strides = array<i32>} : memref<50x8x128xf32, #tpu.memory_space<vmem>>, vector<16xf32>,
        %swap3A_201 = arith.constant 0 : i32
        %swap3A_202 = arith.index_cast %swap3A_201 : i32 to index
        %swap3A_203 = arith.index_cast %add3A_135 : i32 to index
        %swap3A_204 = arith.constant 80 : index
        %swap3A_205 = tpu.vector_load %arg7[%swap3A_202, %swap3A_203, %swap3A_204] {strides = array<i32>} : memref<1x50x1000xf32, #tpu.memory_space<vmem>>, vector<16xf32>,
        tpu.vector_store %arg7[%swap3A_202, %swap3A_203, %swap3A_204], %get3A_200 {strides = array<i32>} : memref<1x50x1000xf32, #tpu.memory_space<vmem>>, vector<16xf32>,
        %add3A_206 = arith.constant 32 : i32
        %add3A_207 = arith.addi %add3A_206, %scan3A_133 : i32
        %get3A_208 = arith.constant 0 : i32
        %get3A_209 = arith.index_cast %add3A_207 : i32 to index
        %get3A_210 = arith.index_cast %get3A_208 : i32 to index
        %get3A_211 = arith.constant 96 : index
        %get3A_212 = tpu.vector_load %arg6[%get3A_209, %get3A_210, %get3A_211] {strides = array<i32>} : memref<50x8x128xf32, #tpu.memory_space<vmem>>, vector<16xf32>,
        %swap3A_213 = arith.constant 0 : i32
        %swap3A_214 = arith.index_cast %swap3A_213 : i32 to index
        %swap3A_215 = arith.index_cast %add3A_135 : i32 to index
        %swap3A_216 = arith.constant 96 : index
        %swap3A_217 = tpu.vector_load %arg7[%swap3A_214, %swap3A_215, %swap3A_216] {strides = array<i32>} : memref<1x50x1000xf32, #tpu.memory_space<vmem>>, vector<16xf32>,
        tpu.vector_store %arg7[%swap3A_214, %swap3A_215, %swap3A_216], %get3A_212 {strides = array<i32>} : memref<1x50x1000xf32, #tpu.memory_space<vmem>>, vector<16xf32>,
        %add3A_218 = arith.constant 32 : i32
        %add3A_219 = arith.addi %add3A_218, %scan3A_133 : i32
        %get3A_220 = arith.constant 0 : i32
        %get3A_221 = arith.index_cast %add3A_219 : i32 to index
        %get3A_222 = arith.index_cast %get3A_220 : i32 to index
        %get3A_223 = arith.constant 112 : index
        %get3A_224 = tpu.vector_load %arg6[%get3A_221, %get3A_222, %get3A_223] {strides = array<i32>} : memref<50x8x128xf32, #tpu.memory_space<vmem>>, vector<16xf32>,
        %swap3A_225 = arith.constant 0 : i32
        %swap3A_226 = arith.index_cast %swap3A_225 : i32 to index
        %swap3A_227 = arith.index_cast %add3A_135 : i32 to index
        %swap3A_228 = arith.constant 112 : index
        %swap3A_229 = tpu.vector_load %arg7[%swap3A_226, %swap3A_227, %swap3A_228] {strides = array<i32>} : memref<1x50x1000xf32, #tpu.memory_space<vmem>>, vector<16xf32>,
        tpu.vector_store %arg7[%swap3A_226, %swap3A_227, %swap3A_228], %get3A_224 {strides = array<i32>} : memref<1x50x1000xf32, #tpu.memory_space<vmem>>, vector<16xf32>,
        %add3A_230 = arith.constant 32 : i32
        %add3A_231 = arith.addi %add3A_230, %scan3A_133 : i32
        %get3A_232 = arith.constant 1 : i32
        %get3A_233 = arith.index_cast %add3A_231 : i32 to index
        %get3A_234 = arith.index_cast %get3A_232 : i32 to index
        %get3A_235 = arith.constant 0 : index
        %get3A_236 = tpu.vector_load %arg6[%get3A_233, %get3A_234, %get3A_235] {strides = array<i32>} : memref<50x8x128xf32, #tpu.memory_space<vmem>>, vector<16xf32>,
        %swap3A_237 = arith.constant 0 : i32
        %swap3A_238 = arith.index_cast %swap3A_237 : i32 to index
        %swap3A_239 = arith.index_cast %add3A_135 : i32 to index
        %swap3A_240 = arith.constant 128 : index
        %swap3A_241 = tpu.vector_load %arg7[%swap3A_238, %swap3A_239, %swap3A_240] {strides = array<i32>} : memref<1x50x1000xf32, #tpu.memory_space<vmem>>, vector<16xf32>,
        tpu.vector_store %arg7[%swap3A_238, %swap3A_239, %swap3A_240], %get3A_236 {strides = array<i32>} : memref<1x50x1000xf32, #tpu.memory_space<vmem>>, vector<16xf32>,
        %add3A_242 = arith.constant 32 : i32
        %add3A_243 = arith.addi %add3A_242, %scan3A_133 : i32
        %get3A_244 = arith.constant 1 : i32
        %get3A_245 = arith.index_cast %add3A_243 : i32 to index
        %get3A_246 = arith.index_cast %get3A_244 : i32 to index
        %get3A_247 = arith.constant 16 : index
        %get3A_248 = tpu.vector_load %arg6[%get3A_245, %get3A_246, %get3A_247] {strides = array<i32>} : memref<50x8x128xf32, #tpu.memory_space<vmem>>, vector<16xf32>,
        %swap3A_249 = arith.constant 0 : i32
        %swap3A_250 = arith.index_cast %swap3A_249 : i32 to index
        %swap3A_251 = arith.index_cast %add3A_135 : i32 to index
        %swap3A_252 = arith.constant 144 : index
        %swap3A_253 = tpu.vector_load %arg7[%swap3A_250, %swap3A_251, %swap3A_252] {strides = array<i32>} : memref<1x50x1000xf32, #tpu.memory_space<vmem>>, vector<16xf32>,
        tpu.vector_store %arg7[%swap3A_250, %swap3A_251, %swap3A_252], %get3A_248 {strides = array<i32>} : memref<1x50x1000xf32, #tpu.memory_space<vmem>>, vector<16xf32>,
        %add3A_254 = arith.constant 32 : i32
        %add3A_255 = arith.addi %add3A_254, %scan3A_133 : i32
        %get3A_256 = arith.constant 1 : i32
        %get3A_257 = arith.index_cast %add3A_255 : i32 to index
        %get3A_258 = arith.index_cast %get3A_256 : i32 to index
        %get3A_259 = arith.constant 32 : index
        %get3A_260 = tpu.vector_load %arg6[%get3A_257, %get3A_258, %get3A_259] {strides = array<i32>} : memref<50x8x128xf32, #tpu.memory_space<vmem>>, vector<16xf32>,
        %swap3A_261 = arith.constant 0 : i32
        %swap3A_262 = arith.index_cast %swap3A_261 : i32 to index
        %swap3A_263 = arith.index_cast %add3A_135 : i32 to index
        %swap3A_264 = arith.constant 160 : index
        %swap3A_265 = tpu.vector_load %arg7[%swap3A_262, %swap3A_263, %swap3A_264] {strides = array<i32>} : memref<1x50x1000xf32, #tpu.memory_space<vmem>>, vector<16xf32>,
        tpu.vector_store %arg7[%swap3A_262, %swap3A_263, %swap3A_264], %get3A_260 {strides = array<i32>} : memref<1x50x1000xf32, #tpu.memory_space<vmem>>, vector<16xf32>,
        %add3A_266 = arith.constant 32 : i32
        %add3A_267 = arith.addi %add3A_266, %scan3A_133 : i32
        %get3A_268 = arith.constant 1 : i32
        %get3A_269 = arith.index_cast %add3A_267 : i32 to index
        %get3A_270 = arith.index_cast %get3A_268 : i32 to index
        %get3A_271 = arith.constant 48 : index
        %get3A_272 = tpu.vector_load %arg6[%get3A_269, %get3A_270, %get3A_271] {strides = array<i32>} : memref<50x8x128xf32, #tpu.memory_space<vmem>>, vector<16xf32>,
        %swap3A_273 = arith.constant 0 : i32
        %swap3A_274 = arith.index_cast %swap3A_273 : i32 to index
        %swap3A_275 = arith.index_cast %add3A_135 : i32 to index
        %swap3A_276 = arith.constant 176 : index
        %swap3A_277 = tpu.vector_load %arg7[%swap3A_274, %swap3A_275, %swap3A_276] {strides = array<i32>} : memref<1x50x1000xf32, #tpu.memory_space<vmem>>, vector<16xf32>,
        tpu.vector_store %arg7[%swap3A_274, %swap3A_275, %swap3A_276], %get3A_272 {strides = array<i32>} : memref<1x50x1000xf32, #tpu.memory_space<vmem>>, vector<16xf32>,
        %add3A_278 = arith.constant 32 : i32
        %add3A_279 = arith.addi %add3A_278, %scan3A_133 : i32
        %get3A_280 = arith.constant 1 : i32
        %get3A_281 = arith.index_cast %add3A_279 : i32 to index
        %get3A_282 = arith.index_cast %get3A_280 : i32 to index
        %get3A_283 = arith.constant 64 : index
        %get3A_284 = tpu.vector_load %arg6[%get3A_281, %get3A_282, %get3A_283] {strides = array<i32>} : memref<50x8x128xf32, #tpu.memory_space<vmem>>, vector<16xf32>,
        %swap3A_285 = arith.constant 0 : i32
        %swap3A_286 = arith.index_cast %swap3A_285 : i32 to index
        %swap3A_287 = arith.index_cast %add3A_135 : i32 to index
        %swap3A_288 = arith.constant 192 : index
        %swap3A_289 = tpu.vector_load %arg7[%swap3A_286, %swap3A_287, %swap3A_288] {strides = array<i32>} : memref<1x50x1000xf32, #tpu.memory_space<vmem>>, vector<16xf32>,
        tpu.vector_store %arg7[%swap3A_286, %swap3A_287, %swap3A_288], %get3A_284 {strides = array<i32>} : memref<1x50x1000xf32, #tpu.memory_space<vmem>>, vector<16xf32>,
        %add3A_290 = arith.constant 32 : i32
        %add3A_291 = arith.addi %add3A_290, %scan3A_133 : i32
        %get3A_292 = arith.constant 1 : i32
        %get3A_293 = arith.index_cast %add3A_291 : i32 to index
        %get3A_294 = arith.index_cast %get3A_292 : i32 to index
        %get3A_295 = arith.constant 80 : index
        %get3A_296 = tpu.vector_load %arg6[%get3A_293, %get3A_294, %get3A_295] {strides = array<i32>} : memref<50x8x128xf32, #tpu.memory_space<vmem>>, vector<16xf32>,
        %swap3A_297 = arith.constant 0 : i32
        %swap3A_298 = arith.index_cast %swap3A_297 : i32 to index
        %swap3A_299 = arith.index_cast %add3A_135 : i32 to index
        %swap3A_300 = arith.constant 208 : index
        %swap3A_301 = tpu.vector_load %arg7[%swap3A_298, %swap3A_299, %swap3A_300] {strides = array<i32>} : memref<1x50x1000xf32, #tpu.memory_space<vmem>>, vector<16xf32>,
        tpu.vector_store %arg7[%swap3A_298, %swap3A_299, %swap3A_300], %get3A_296 {strides = array<i32>} : memref<1x50x1000xf32, #tpu.memory_space<vmem>>, vector<16xf32>,
        %add3A_302 = arith.constant 32 : i32
        %add3A_303 = arith.addi %add3A_302, %scan3A_133 : i32
        %get3A_304 = arith.constant 1 : i32
        %get3A_305 = arith.index_cast %add3A_303 : i32 to index
        %get3A_306 = arith.index_cast %get3A_304 : i32 to index
        %get3A_307 = arith.constant 96 : index
        %get3A_308 = tpu.vector_load %arg6[%get3A_305, %get3A_306, %get3A_307] {strides = array<i32>} : memref<50x8x128xf32, #tpu.memory_space<vmem>>, vector<16xf32>,
        %swap3A_309 = arith.constant 0 : i32
        %swap3A_310 = arith.index_cast %swap3A_309 : i32 to index
        %swap3A_311 = arith.index_cast %add3A_135 : i32 to index
        %swap3A_312 = arith.constant 224 : index
        %swap3A_313 = tpu.vector_load %arg7[%swap3A_310, %swap3A_311, %swap3A_312] {strides = array<i32>} : memref<1x50x1000xf32, #tpu.memory_space<vmem>>, vector<16xf32>,
        tpu.vector_store %arg7[%swap3A_310, %swap3A_311, %swap3A_312], %get3A_308 {strides = array<i32>} : memref<1x50x1000xf32, #tpu.memory_space<vmem>>, vector<16xf32>,
        %add3A_314 = arith.constant 32 : i32
        %add3A_315 = arith.addi %add3A_314, %scan3A_133 : i32
        %get3A_316 = arith.constant 1 : i32
        %get3A_317 = arith.index_cast %add3A_315 : i32 to index
        %get3A_318 = arith.index_cast %get3A_316 : i32 to index
        %get3A_319 = arith.constant 112 : index
        %get3A_320 = tpu.vector_load %arg6[%get3A_317, %get3A_318, %get3A_319] {strides = array<i32>} : memref<50x8x128xf32, #tpu.memory_space<vmem>>, vector<16xf32>,
        %swap3A_321 = arith.constant 0 : i32
        %swap3A_322 = arith.index_cast %swap3A_321 : i32 to index
        %swap3A_323 = arith.index_cast %add3A_135 : i32 to index
        %swap3A_324 = arith.constant 240 : index
        %swap3A_325 = tpu.vector_load %arg7[%swap3A_322, %swap3A_323, %swap3A_324] {strides = array<i32>} : memref<1x50x1000xf32, #tpu.memory_space<vmem>>, vector<16xf32>,
        tpu.vector_store %arg7[%swap3A_322, %swap3A_323, %swap3A_324], %get3A_320 {strides = array<i32>} : memref<1x50x1000xf32, #tpu.memory_space<vmem>>, vector<16xf32>,
        %add3A_326 = arith.constant 32 : i32
        %add3A_327 = arith.addi %add3A_326, %scan3A_133 : i32
        %get3A_328 = arith.constant 2 : i32
        %get3A_329 = arith.index_cast %add3A_327 : i32 to index
        %get3A_330 = arith.index_cast %get3A_328 : i32 to index
        %get3A_331 = arith.constant 0 : index
        %get3A_332 = tpu.vector_load %arg6[%get3A_329, %get3A_330, %get3A_331] {strides = array<i32>} : memref<50x8x128xf32, #tpu.memory_space<vmem>>, vector<16xf32>,
        %swap3A_333 = arith.constant 0 : i32
        %swap3A_334 = arith.index_cast %swap3A_333 : i32 to index
        %swap3A_335 = arith.index_cast %add3A_135 : i32 to index
        %swap3A_336 = arith.constant 256 : index
        %swap3A_337 = tpu.vector_load %arg7[%swap3A_334, %swap3A_335, %swap3A_336] {strides = array<i32>} : memref<1x50x1000xf32, #tpu.memory_space<vmem>>, vector<16xf32>,
        tpu.vector_store %arg7[%swap3A_334, %swap3A_335, %swap3A_336], %get3A_332 {strides = array<i32>} : memref<1x50x1000xf32, #tpu.memory_space<vmem>>, vector<16xf32>,
        %add3A_338 = arith.constant 32 : i32
        %add3A_339 = arith.addi %add3A_338, %scan3A_133 : i32
        %get3A_340 = arith.constant 2 : i32
        %get3A_341 = arith.index_cast %add3A_339 : i32 to index
        %get3A_342 = arith.index_cast %get3A_340 : i32 to index
        %get3A_343 = arith.constant 16 : index
        %get3A_344 = tpu.vector_load %arg6[%get3A_341, %get3A_342, %get3A_343] {strides = array<i32>} : memref<50x8x128xf32, #tpu.memory_space<vmem>>, vector<16xf32>,
        %swap3A_345 = arith.constant 0 : i32
        %swap3A_346 = arith.index_cast %swap3A_345 : i32 to index
        %swap3A_347 = arith.index_cast %add3A_135 : i32 to index
        %swap3A_348 = arith.constant 272 : index
        %swap3A_349 = tpu.vector_load %arg7[%swap3A_346, %swap3A_347, %swap3A_348] {strides = array<i32>} : memref<1x50x1000xf32, #tpu.memory_space<vmem>>, vector<16xf32>,
        tpu.vector_store %arg7[%swap3A_346, %swap3A_347, %swap3A_348], %get3A_344 {strides = array<i32>} : memref<1x50x1000xf32, #tpu.memory_space<vmem>>, vector<16xf32>,
        %add3A_350 = arith.constant 32 : i32
        %add3A_351 = arith.addi %add3A_350, %scan3A_133 : i32
        %get3A_352 = arith.constant 2 : i32
        %get3A_353 = arith.index_cast %add3A_351 : i32 to index
        %get3A_354 = arith.index_cast %get3A_352 : i32 to index
        %get3A_355 = arith.constant 32 : index
        %get3A_356 = tpu.vector_load %arg6[%get3A_353, %get3A_354, %get3A_355] {strides = array<i32>} : memref<50x8x128xf32, #tpu.memory_space<vmem>>, vector<16xf32>,
        %swap3A_357 = arith.constant 0 : i32
        %swap3A_358 = arith.index_cast %swap3A_357 : i32 to index
        %swap3A_359 = arith.index_cast %add3A_135 : i32 to index
        %swap3A_360 = arith.constant 288 : index
        %swap3A_361 = tpu.vector_load %arg7[%swap3A_358, %swap3A_359, %swap3A_360] {strides = array<i32>} : memref<1x50x1000xf32, #tpu.memory_space<vmem>>, vector<16xf32>,
        tpu.vector_store %arg7[%swap3A_358, %swap3A_359, %swap3A_360], %get3A_356 {strides = array<i32>} : memref<1x50x1000xf32, #tpu.memory_space<vmem>>, vector<16xf32>,
        %add3A_362 = arith.constant 32 : i32
        %add3A_363 = arith.addi %add3A_362, %scan3A_133 : i32
        %get3A_364 = arith.constant 2 : i32
        %get3A_365 = arith.index_cast %add3A_363 : i32 to index
        %get3A_366 = arith.index_cast %get3A_364 : i32 to index
        %get3A_367 = arith.constant 48 : index
        %get3A_368 = tpu.vector_load %arg6[%get3A_365, %get3A_366, %get3A_367] {strides = array<i32>} : memref<50x8x128xf32, #tpu.memory_space<vmem>>, vector<16xf32>,
        %swap3A_369 = arith.constant 0 : i32
        %swap3A_370 = arith.index_cast %swap3A_369 : i32 to index
        %swap3A_371 = arith.index_cast %add3A_135 : i32 to index
        %swap3A_372 = arith.constant 304 : index
        %swap3A_373 = tpu.vector_load %arg7[%swap3A_370, %swap3A_371, %swap3A_372] {strides = array<i32>} : memref<1x50x1000xf32, #tpu.memory_space<vmem>>, vector<16xf32>,
        tpu.vector_store %arg7[%swap3A_370, %swap3A_371, %swap3A_372], %get3A_368 {strides = array<i32>} : memref<1x50x1000xf32, #tpu.memory_space<vmem>>, vector<16xf32>,
        %add3A_374 = arith.constant 32 : i32
        %add3A_375 = arith.addi %add3A_374, %scan3A_133 : i32
        %get3A_376 = arith.constant 2 : i32
        %get3A_377 = arith.index_cast %add3A_375 : i32 to index
        %get3A_378 = arith.index_cast %get3A_376 : i32 to index
        %get3A_379 = arith.constant 64 : index
        %get3A_380 = tpu.vector_load %arg6[%get3A_377, %get3A_378, %get3A_379] {strides = array<i32>} : memref<50x8x128xf32, #tpu.memory_space<vmem>>, vector<16xf32>,
        %swap3A_381 = arith.constant 0 : i32
        %swap3A_382 = arith.index_cast %swap3A_381 : i32 to index
        %swap3A_383 = arith.index_cast %add3A_135 : i32 to index
        %swap3A_384 = arith.constant 320 : index
        %swap3A_385 = tpu.vector_load %arg7[%swap3A_382, %swap3A_383, %swap3A_384] {strides = array<i32>} : memref<1x50x1000xf32, #tpu.memory_space<vmem>>, vector<16xf32>,
        tpu.vector_store %arg7[%swap3A_382, %swap3A_383, %swap3A_384], %get3A_380 {strides = array<i32>} : memref<1x50x1000xf32, #tpu.memory_space<vmem>>, vector<16xf32>,
        %add3A_386 = arith.constant 32 : i32
        %add3A_387 = arith.addi %add3A_386, %scan3A_133 : i32
        %get3A_388 = arith.constant 2 : i32
        %get3A_389 = arith.index_cast %add3A_387 : i32 to index
        %get3A_390 = arith.index_cast %get3A_388 : i32 to index
        %get3A_391 = arith.constant 80 : index
        %get3A_392 = tpu.vector_load %arg6[%get3A_389, %get3A_390, %get3A_391] {strides = array<i32>} : memref<50x8x128xf32, #tpu.memory_space<vmem>>, vector<16xf32>,
        %swap3A_393 = arith.constant 0 : i32
        %swap3A_394 = arith.index_cast %swap3A_393 : i32 to index
        %swap3A_395 = arith.index_cast %add3A_135 : i32 to index
        %swap3A_396 = arith.constant 336 : index
        %swap3A_397 = tpu.vector_load %arg7[%swap3A_394, %swap3A_395, %swap3A_396] {strides = array<i32>} : memref<1x50x1000xf32, #tpu.memory_space<vmem>>, vector<16xf32>,
        tpu.vector_store %arg7[%swap3A_394, %swap3A_395, %swap3A_396], %get3A_392 {strides = array<i32>} : memref<1x50x1000xf32, #tpu.memory_space<vmem>>, vector<16xf32>,
        %add3A_398 = arith.constant 32 : i32
        %add3A_399 = arith.addi %add3A_398, %scan3A_133 : i32
        %get3A_400 = arith.constant 2 : i32
        %get3A_401 = arith.index_cast %add3A_399 : i32 to index
        %get3A_402 = arith.index_cast %get3A_400 : i32 to index
        %get3A_403 = arith.constant 96 : index
        %get3A_404 = tpu.vector_load %arg6[%get3A_401, %get3A_402, %get3A_403] {strides = array<i32>} : memref<50x8x128xf32, #tpu.memory_space<vmem>>, vector<16xf32>,
        %swap3A_405 = arith.constant 0 : i32
        %swap3A_406 = arith.index_cast %swap3A_405 : i32 to index
        %swap3A_407 = arith.index_cast %add3A_135 : i32 to index
        %swap3A_408 = arith.constant 352 : index
        %swap3A_409 = tpu.vector_load %arg7[%swap3A_406, %swap3A_407, %swap3A_408] {strides = array<i32>} : memref<1x50x1000xf32, #tpu.memory_space<vmem>>, vector<16xf32>,
        tpu.vector_store %arg7[%swap3A_406, %swap3A_407, %swap3A_408], %get3A_404 {strides = array<i32>} : memref<1x50x1000xf32, #tpu.memory_space<vmem>>, vector<16xf32>,
        %add3A_410 = arith.constant 32 : i32
        %add3A_411 = arith.addi %add3A_410, %scan3A_133 : i32
        %get3A_412 = arith.constant 2 : i32
        %get3A_413 = arith.index_cast %add3A_411 : i32 to index
        %get3A_414 = arith.index_cast %get3A_412 : i32 to index
        %get3A_415 = arith.constant 112 : index
        %get3A_416 = tpu.vector_load %arg6[%get3A_413, %get3A_414, %get3A_415] {strides = array<i32>} : memref<50x8x128xf32, #tpu.memory_space<vmem>>, vector<16xf32>,
        %swap3A_417 = arith.constant 0 : i32
        %swap3A_418 = arith.index_cast %swap3A_417 : i32 to index
        %swap3A_419 = arith.index_cast %add3A_135 : i32 to index
        %swap3A_420 = arith.constant 368 : index
        %swap3A_421 = tpu.vector_load %arg7[%swap3A_418, %swap3A_419, %swap3A_420] {strides = array<i32>} : memref<1x50x1000xf32, #tpu.memory_space<vmem>>, vector<16xf32>,
        tpu.vector_store %arg7[%swap3A_418, %swap3A_419, %swap3A_420], %get3A_416 {strides = array<i32>} : memref<1x50x1000xf32, #tpu.memory_space<vmem>>, vector<16xf32>,
        %add3A_422 = arith.constant 32 : i32
        %add3A_423 = arith.addi %add3A_422, %scan3A_133 : i32
        %get3A_424 = arith.constant 3 : i32
        %get3A_425 = arith.index_cast %add3A_423 : i32 to index
        %get3A_426 = arith.index_cast %get3A_424 : i32 to index
        %get3A_427 = arith.constant 0 : index
        %get3A_428 = tpu.vector_load %arg6[%get3A_425, %get3A_426, %get3A_427] {strides = array<i32>} : memref<50x8x128xf32, #tpu.memory_space<vmem>>, vector<16xf32>,
        %swap3A_429 = arith.constant 0 : i32
        %swap3A_430 = arith.index_cast %swap3A_429 : i32 to index
        %swap3A_431 = arith.index_cast %add3A_135 : i32 to index
        %swap3A_432 = arith.constant 384 : index
        %swap3A_433 = tpu.vector_load %arg7[%swap3A_430, %swap3A_431, %swap3A_432] {strides = array<i32>} : memref<1x50x1000xf32, #tpu.memory_space<vmem>>, vector<16xf32>,
        tpu.vector_store %arg7[%swap3A_430, %swap3A_431, %swap3A_432], %get3A_428 {strides = array<i32>} : memref<1x50x1000xf32, #tpu.memory_space<vmem>>, vector<16xf32>,
        %add3A_434 = arith.constant 32 : i32
        %add3A_435 = arith.addi %add3A_434, %scan3A_133 : i32
        %get3A_436 = arith.constant 3 : i32
        %get3A_437 = arith.index_cast %add3A_435 : i32 to index
        %get3A_438 = arith.index_cast %get3A_436 : i32 to index
        %get3A_439 = arith.constant 16 : index
        %get3A_440 = tpu.vector_load %arg6[%get3A_437, %get3A_438, %get3A_439] {strides = array<i32>} : memref<50x8x128xf32, #tpu.memory_space<vmem>>, vector<16xf32>,
        %swap3A_441 = arith.constant 0 : i32
        %swap3A_442 = arith.index_cast %swap3A_441 : i32 to index
        %swap3A_443 = arith.index_cast %add3A_135 : i32 to index
        %swap3A_444 = arith.constant 400 : index
        %swap3A_445 = tpu.vector_load %arg7[%swap3A_442, %swap3A_443, %swap3A_444] {strides = array<i32>} : memref<1x50x1000xf32, #tpu.memory_space<vmem>>, vector<16xf32>,
        tpu.vector_store %arg7[%swap3A_442, %swap3A_443, %swap3A_444], %get3A_440 {strides = array<i32>} : memref<1x50x1000xf32, #tpu.memory_space<vmem>>, vector<16xf32>,
        %add3A_446 = arith.constant 32 : i32
        %add3A_447 = arith.addi %add3A_446, %scan3A_133 : i32
        %get3A_448 = arith.constant 3 : i32
        %get3A_449 = arith.index_cast %add3A_447 : i32 to index
        %get3A_450 = arith.index_cast %get3A_448 : i32 to index
        %get3A_451 = arith.constant 32 : index
        %get3A_452 = tpu.vector_load %arg6[%get3A_449, %get3A_450, %get3A_451] {strides = array<i32>} : memref<50x8x128xf32, #tpu.memory_space<vmem>>, vector<16xf32>,
        %swap3A_453 = arith.constant 0 : i32
        %swap3A_454 = arith.index_cast %swap3A_453 : i32 to index
        %swap3A_455 = arith.index_cast %add3A_135 : i32 to index
        %swap3A_456 = arith.constant 416 : index
        %swap3A_457 = tpu.vector_load %arg7[%swap3A_454, %swap3A_455, %swap3A_456] {strides = array<i32>} : memref<1x50x1000xf32, #tpu.memory_space<vmem>>, vector<16xf32>,
        tpu.vector_store %arg7[%swap3A_454, %swap3A_455, %swap3A_456], %get3A_452 {strides = array<i32>} : memref<1x50x1000xf32, #tpu.memory_space<vmem>>, vector<16xf32>,
        %add3A_458 = arith.constant 32 : i32
        %add3A_459 = arith.addi %add3A_458, %scan3A_133 : i32
        %get3A_460 = arith.constant 3 : i32
        %get3A_461 = arith.index_cast %add3A_459 : i32 to index
        %get3A_462 = arith.index_cast %get3A_460 : i32 to index
        %get3A_463 = arith.constant 48 : index
        %get3A_464 = tpu.vector_load %arg6[%get3A_461, %get3A_462, %get3A_463] {strides = array<i32>} : memref<50x8x128xf32, #tpu.memory_space<vmem>>, vector<16xf32>,
        %swap3A_465 = arith.constant 0 : i32
        %swap3A_466 = arith.index_cast %swap3A_465 : i32 to index
        %swap3A_467 = arith.index_cast %add3A_135 : i32 to index
        %swap3A_468 = arith.constant 432 : index
        %swap3A_469 = tpu.vector_load %arg7[%swap3A_466, %swap3A_467, %swap3A_468] {strides = array<i32>} : memref<1x50x1000xf32, #tpu.memory_space<vmem>>, vector<16xf32>,
        tpu.vector_store %arg7[%swap3A_466, %swap3A_467, %swap3A_468], %get3A_464 {strides = array<i32>} : memref<1x50x1000xf32, #tpu.memory_space<vmem>>, vector<16xf32>,
        %add3A_470 = arith.constant 32 : i32
        %add3A_471 = arith.addi %add3A_470, %scan3A_133 : i32
        %get3A_472 = arith.constant 3 : i32
        %get3A_473 = arith.index_cast %add3A_471 : i32 to index
        %get3A_474 = arith.index_cast %get3A_472 : i32 to index
        %get3A_475 = arith.constant 64 : index
        %get3A_476 = tpu.vector_load %arg6[%get3A_473, %get3A_474, %get3A_475] {strides = array<i32>} : memref<50x8x128xf32, #tpu.memory_space<vmem>>, vector<16xf32>,
        %swap3A_477 = arith.constant 0 : i32
        %swap3A_478 = arith.index_cast %swap3A_477 : i32 to index
        %swap3A_479 = arith.index_cast %add3A_135 : i32 to index
        %swap3A_480 = arith.constant 448 : index
        %swap3A_481 = tpu.vector_load %arg7[%swap3A_478, %swap3A_479, %swap3A_480] {strides = array<i32>} : memref<1x50x1000xf32, #tpu.memory_space<vmem>>, vector<16xf32>,
        tpu.vector_store %arg7[%swap3A_478, %swap3A_479, %swap3A_480], %get3A_476 {strides = array<i32>} : memref<1x50x1000xf32, #tpu.memory_space<vmem>>, vector<16xf32>,
        %add3A_482 = arith.constant 32 : i32
        %add3A_483 = arith.addi %add3A_482, %scan3A_133 : i32
        %get3A_484 = arith.constant 3 : i32
        %get3A_485 = arith.index_cast %add3A_483 : i32 to index
        %get3A_486 = arith.index_cast %get3A_484 : i32 to index
        %get3A_487 = arith.constant 80 : index
        %get3A_488 = tpu.vector_load %arg6[%get3A_485, %get3A_486, %get3A_487] {strides = array<i32>} : memref<50x8x128xf32, #tpu.memory_space<vmem>>, vector<16xf32>,
        %swap3A_489 = arith.constant 0 : i32
        %swap3A_490 = arith.index_cast %swap3A_489 : i32 to index
        %swap3A_491 = arith.index_cast %add3A_135 : i32 to index
        %swap3A_492 = arith.constant 464 : index
        %swap3A_493 = tpu.vector_load %arg7[%swap3A_490, %swap3A_491, %swap3A_492] {strides = array<i32>} : memref<1x50x1000xf32, #tpu.memory_space<vmem>>, vector<16xf32>,
        tpu.vector_store %arg7[%swap3A_490, %swap3A_491, %swap3A_492], %get3A_488 {strides = array<i32>} : memref<1x50x1000xf32, #tpu.memory_space<vmem>>, vector<16xf32>,
        %add3A_494 = arith.constant 32 : i32
        %add3A_495 = arith.addi %add3A_494, %scan3A_133 : i32
        %get3A_496 = arith.constant 3 : i32
        %get3A_497 = arith.index_cast %add3A_495 : i32 to index
        %get3A_498 = arith.index_cast %get3A_496 : i32 to index
        %get3A_499 = arith.constant 96 : index
        %get3A_500 = tpu.vector_load %arg6[%get3A_497, %get3A_498, %get3A_499] {strides = array<i32>} : memref<50x8x128xf32, #tpu.memory_space<vmem>>, vector<16xf32>,
        %swap3A_501 = arith.constant 0 : i32
        %swap3A_502 = arith.index_cast %swap3A_501 : i32 to index
        %swap3A_503 = arith.index_cast %add3A_135 : i32 to index
        %swap3A_504 = arith.constant 480 : index
        %swap3A_505 = tpu.vector_load %arg7[%swap3A_502, %swap3A_503, %swap3A_504] {strides = array<i32>} : memref<1x50x1000xf32, #tpu.memory_space<vmem>>, vector<16xf32>,
        tpu.vector_store %arg7[%swap3A_502, %swap3A_503, %swap3A_504], %get3A_500 {strides = array<i32>} : memref<1x50x1000xf32, #tpu.memory_space<vmem>>, vector<16xf32>,
        %add3A_506 = arith.constant 32 : i32
        %add3A_507 = arith.addi %add3A_506, %scan3A_133 : i32
        %get3A_508 = arith.constant 3 : i32
        %get3A_509 = arith.index_cast %add3A_507 : i32 to index
        %get3A_510 = arith.index_cast %get3A_508 : i32 to index
        %get3A_511 = arith.constant 112 : index
        %get3A_512 = tpu.vector_load %arg6[%get3A_509, %get3A_510, %get3A_511] {strides = array<i32>} : memref<50x8x128xf32, #tpu.memory_space<vmem>>, vector<16xf32>,
        %swap3A_513 = arith.constant 0 : i32
        %swap3A_514 = arith.index_cast %swap3A_513 : i32 to index
        %swap3A_515 = arith.index_cast %add3A_135 : i32 to index
        %swap3A_516 = arith.constant 496 : index
        %swap3A_517 = tpu.vector_load %arg7[%swap3A_514, %swap3A_515, %swap3A_516] {strides = array<i32>} : memref<1x50x1000xf32, #tpu.memory_space<vmem>>, vector<16xf32>,
        tpu.vector_store %arg7[%swap3A_514, %swap3A_515, %swap3A_516], %get3A_512 {strides = array<i32>} : memref<1x50x1000xf32, #tpu.memory_space<vmem>>, vector<16xf32>,
        %add3A_518 = arith.constant 32 : i32
        %add3A_519 = arith.addi %add3A_518, %scan3A_133 : i32
        %get3A_520 = arith.constant 4 : i32
        %get3A_521 = arith.index_cast %add3A_519 : i32 to index
        %get3A_522 = arith.index_cast %get3A_520 : i32 to index
        %get3A_523 = arith.constant 0 : index
        %get3A_524 = tpu.vector_load %arg6[%get3A_521, %get3A_522, %get3A_523] {strides = array<i32>} : memref<50x8x128xf32, #tpu.memory_space<vmem>>, vector<16xf32>,
        %swap3A_525 = arith.constant 0 : i32
        %swap3A_526 = arith.index_cast %swap3A_525 : i32 to index
        %swap3A_527 = arith.index_cast %add3A_135 : i32 to index
        %swap3A_528 = arith.constant 512 : index
        %swap3A_529 = tpu.vector_load %arg7[%swap3A_526, %swap3A_527, %swap3A_528] {strides = array<i32>} : memref<1x50x1000xf32, #tpu.memory_space<vmem>>, vector<16xf32>,
        tpu.vector_store %arg7[%swap3A_526, %swap3A_527, %swap3A_528], %get3A_524 {strides = array<i32>} : memref<1x50x1000xf32, #tpu.memory_space<vmem>>, vector<16xf32>,
        %add3A_530 = arith.constant 32 : i32
        %add3A_531 = arith.addi %add3A_530, %scan3A_133 : i32
        %get3A_532 = arith.constant 4 : i32
        %get3A_533 = arith.index_cast %add3A_531 : i32 to index
        %get3A_534 = arith.index_cast %get3A_532 : i32 to index
        %get3A_535 = arith.constant 16 : index
        %get3A_536 = tpu.vector_load %arg6[%get3A_533, %get3A_534, %get3A_535] {strides = array<i32>} : memref<50x8x128xf32, #tpu.memory_space<vmem>>, vector<16xf32>,
        %swap3A_537 = arith.constant 0 : i32
        %swap3A_538 = arith.index_cast %swap3A_537 : i32 to index
        %swap3A_539 = arith.index_cast %add3A_135 : i32 to index
        %swap3A_540 = arith.constant 528 : index
        %swap3A_541 = tpu.vector_load %arg7[%swap3A_538, %swap3A_539, %swap3A_540] {strides = array<i32>} : memref<1x50x1000xf32, #tpu.memory_space<vmem>>, vector<16xf32>,
        tpu.vector_store %arg7[%swap3A_538, %swap3A_539, %swap3A_540], %get3A_536 {strides = array<i32>} : memref<1x50x1000xf32, #tpu.memory_space<vmem>>, vector<16xf32>,
        %add3A_542 = arith.constant 32 : i32
        %add3A_543 = arith.addi %add3A_542, %scan3A_133 : i32
        %get3A_544 = arith.constant 4 : i32
        %get3A_545 = arith.index_cast %add3A_543 : i32 to index
        %get3A_546 = arith.index_cast %get3A_544 : i32 to index
        %get3A_547 = arith.constant 32 : index
        %get3A_548 = tpu.vector_load %arg6[%get3A_545, %get3A_546, %get3A_547] {strides = array<i32>} : memref<50x8x128xf32, #tpu.memory_space<vmem>>, vector<16xf32>,
        %swap3A_549 = arith.constant 0 : i32
        %swap3A_550 = arith.index_cast %swap3A_549 : i32 to index
        %swap3A_551 = arith.index_cast %add3A_135 : i32 to index
        %swap3A_552 = arith.constant 544 : index
        %swap3A_553 = tpu.vector_load %arg7[%swap3A_550, %swap3A_551, %swap3A_552] {strides = array<i32>} : memref<1x50x1000xf32, #tpu.memory_space<vmem>>, vector<16xf32>,
        tpu.vector_store %arg7[%swap3A_550, %swap3A_551, %swap3A_552], %get3A_548 {strides = array<i32>} : memref<1x50x1000xf32, #tpu.memory_space<vmem>>, vector<16xf32>,
        %add3A_554 = arith.constant 32 : i32
        %add3A_555 = arith.addi %add3A_554, %scan3A_133 : i32
        %get3A_556 = arith.constant 4 : i32
        %get3A_557 = arith.index_cast %add3A_555 : i32 to index
        %get3A_558 = arith.index_cast %get3A_556 : i32 to index
        %get3A_559 = arith.constant 48 : index
        %get3A_560 = tpu.vector_load %arg6[%get3A_557, %get3A_558, %get3A_559] {strides = array<i32>} : memref<50x8x128xf32, #tpu.memory_space<vmem>>, vector<16xf32>,
        %swap3A_561 = arith.constant 0 : i32
        %swap3A_562 = arith.index_cast %swap3A_561 : i32 to index
        %swap3A_563 = arith.index_cast %add3A_135 : i32 to index
        %swap3A_564 = arith.constant 560 : index
        %swap3A_565 = tpu.vector_load %arg7[%swap3A_562, %swap3A_563, %swap3A_564] {strides = array<i32>} : memref<1x50x1000xf32, #tpu.memory_space<vmem>>, vector<16xf32>,
        tpu.vector_store %arg7[%swap3A_562, %swap3A_563, %swap3A_564], %get3A_560 {strides = array<i32>} : memref<1x50x1000xf32, #tpu.memory_space<vmem>>, vector<16xf32>,
        %add3A_566 = arith.constant 32 : i32
        %add3A_567 = arith.addi %add3A_566, %scan3A_133 : i32
        %get3A_568 = arith.constant 4 : i32
        %get3A_569 = arith.index_cast %add3A_567 : i32 to index
        %get3A_570 = arith.index_cast %get3A_568 : i32 to index
        %get3A_571 = arith.constant 64 : index
        %get3A_572 = tpu.vector_load %arg6[%get3A_569, %get3A_570, %get3A_571] {strides = array<i32>} : memref<50x8x128xf32, #tpu.memory_space<vmem>>, vector<16xf32>,
        %swap3A_573 = arith.constant 0 : i32
        %swap3A_574 = arith.index_cast %swap3A_573 : i32 to index
        %swap3A_575 = arith.index_cast %add3A_135 : i32 to index
        %swap3A_576 = arith.constant 576 : index
        %swap3A_577 = tpu.vector_load %arg7[%swap3A_574, %swap3A_575, %swap3A_576] {strides = array<i32>} : memref<1x50x1000xf32, #tpu.memory_space<vmem>>, vector<16xf32>,
        tpu.vector_store %arg7[%swap3A_574, %swap3A_575, %swap3A_576], %get3A_572 {strides = array<i32>} : memref<1x50x1000xf32, #tpu.memory_space<vmem>>, vector<16xf32>,
        %add3A_578 = arith.constant 32 : i32
        %add3A_579 = arith.addi %add3A_578, %scan3A_133 : i32
        %get3A_580 = arith.constant 4 : i32
        %get3A_581 = arith.index_cast %add3A_579 : i32 to index
        %get3A_582 = arith.index_cast %get3A_580 : i32 to index
        %get3A_583 = arith.constant 80 : index
        %get3A_584 = tpu.vector_load %arg6[%get3A_581, %get3A_582, %get3A_583] {strides = array<i32>} : memref<50x8x128xf32, #tpu.memory_space<vmem>>, vector<16xf32>,
        %swap3A_585 = arith.constant 0 : i32
        %swap3A_586 = arith.index_cast %swap3A_585 : i32 to index
        %swap3A_587 = arith.index_cast %add3A_135 : i32 to index
        %swap3A_588 = arith.constant 592 : index
        %swap3A_589 = tpu.vector_load %arg7[%swap3A_586, %swap3A_587, %swap3A_588] {strides = array<i32>} : memref<1x50x1000xf32, #tpu.memory_space<vmem>>, vector<16xf32>,
        tpu.vector_store %arg7[%swap3A_586, %swap3A_587, %swap3A_588], %get3A_584 {strides = array<i32>} : memref<1x50x1000xf32, #tpu.memory_space<vmem>>, vector<16xf32>,
        %add3A_590 = arith.constant 32 : i32
        %add3A_591 = arith.addi %add3A_590, %scan3A_133 : i32
        %get3A_592 = arith.constant 4 : i32
        %get3A_593 = arith.index_cast %add3A_591 : i32 to index
        %get3A_594 = arith.index_cast %get3A_592 : i32 to index
        %get3A_595 = arith.constant 96 : index
        %get3A_596 = tpu.vector_load %arg6[%get3A_593, %get3A_594, %get3A_595] {strides = array<i32>} : memref<50x8x128xf32, #tpu.memory_space<vmem>>, vector<16xf32>,
        %swap3A_597 = arith.constant 0 : i32
        %swap3A_598 = arith.index_cast %swap3A_597 : i32 to index
        %swap3A_599 = arith.index_cast %add3A_135 : i32 to index
        %swap3A_600 = arith.constant 608 : index
        %swap3A_601 = tpu.vector_load %arg7[%swap3A_598, %swap3A_599, %swap3A_600] {strides = array<i32>} : memref<1x50x1000xf32, #tpu.memory_space<vmem>>, vector<16xf32>,
        tpu.vector_store %arg7[%swap3A_598, %swap3A_599, %swap3A_600], %get3A_596 {strides = array<i32>} : memref<1x50x1000xf32, #tpu.memory_space<vmem>>, vector<16xf32>,
        %add3A_602 = arith.constant 32 : i32
        %add3A_603 = arith.addi %add3A_602, %scan3A_133 : i32
        %get3A_604 = arith.constant 4 : i32
        %get3A_605 = arith.index_cast %add3A_603 : i32 to index
        %get3A_606 = arith.index_cast %get3A_604 : i32 to index
        %get3A_607 = arith.constant 112 : index
        %get3A_608 = tpu.vector_load %arg6[%get3A_605, %get3A_606, %get3A_607] {strides = array<i32>} : memref<50x8x128xf32, #tpu.memory_space<vmem>>, vector<16xf32>,
        %swap3A_609 = arith.constant 0 : i32
        %swap3A_610 = arith.index_cast %swap3A_609 : i32 to index
        %swap3A_611 = arith.index_cast %add3A_135 : i32 to index
        %swap3A_612 = arith.constant 624 : index
        %swap3A_613 = tpu.vector_load %arg7[%swap3A_610, %swap3A_611, %swap3A_612] {strides = array<i32>} : memref<1x50x1000xf32, #tpu.memory_space<vmem>>, vector<16xf32>,
        tpu.vector_store %arg7[%swap3A_610, %swap3A_611, %swap3A_612], %get3A_608 {strides = array<i32>} : memref<1x50x1000xf32, #tpu.memory_space<vmem>>, vector<16xf32>,
        %add3A_614 = arith.constant 32 : i32
        %add3A_615 = arith.addi %add3A_614, %scan3A_133 : i32
        %get3A_616 = arith.constant 5 : i32
        %get3A_617 = arith.index_cast %add3A_615 : i32 to index
        %get3A_618 = arith.index_cast %get3A_616 : i32 to index
        %get3A_619 = arith.constant 0 : index
        %get3A_620 = tpu.vector_load %arg6[%get3A_617, %get3A_618, %get3A_619] {strides = array<i32>} : memref<50x8x128xf32, #tpu.memory_space<vmem>>, vector<16xf32>,
        %swap3A_621 = arith.constant 0 : i32
        %swap3A_622 = arith.index_cast %swap3A_621 : i32 to index
        %swap3A_623 = arith.index_cast %add3A_135 : i32 to index
        %swap3A_624 = arith.constant 640 : index
        %swap3A_625 = tpu.vector_load %arg7[%swap3A_622, %swap3A_623, %swap3A_624] {strides = array<i32>} : memref<1x50x1000xf32, #tpu.memory_space<vmem>>, vector<16xf32>,
        tpu.vector_store %arg7[%swap3A_622, %swap3A_623, %swap3A_624], %get3A_620 {strides = array<i32>} : memref<1x50x1000xf32, #tpu.memory_space<vmem>>, vector<16xf32>,
        %add3A_626 = arith.constant 32 : i32
        %add3A_627 = arith.addi %add3A_626, %scan3A_133 : i32
        %get3A_628 = arith.constant 5 : i32
        %get3A_629 = arith.index_cast %add3A_627 : i32 to index
        %get3A_630 = arith.index_cast %get3A_628 : i32 to index
        %get3A_631 = arith.constant 16 : index
        %get3A_632 = tpu.vector_load %arg6[%get3A_629, %get3A_630, %get3A_631] {strides = array<i32>} : memref<50x8x128xf32, #tpu.memory_space<vmem>>, vector<16xf32>,
        %swap3A_633 = arith.constant 0 : i32
        %swap3A_634 = arith.index_cast %swap3A_633 : i32 to index
        %swap3A_635 = arith.index_cast %add3A_135 : i32 to index
        %swap3A_636 = arith.constant 656 : index
        %swap3A_637 = tpu.vector_load %arg7[%swap3A_634, %swap3A_635, %swap3A_636] {strides = array<i32>} : memref<1x50x1000xf32, #tpu.memory_space<vmem>>, vector<16xf32>,
        tpu.vector_store %arg7[%swap3A_634, %swap3A_635, %swap3A_636], %get3A_632 {strides = array<i32>} : memref<1x50x1000xf32, #tpu.memory_space<vmem>>, vector<16xf32>,
        %add3A_638 = arith.constant 32 : i32
        %add3A_639 = arith.addi %add3A_638, %scan3A_133 : i32
        %get3A_640 = arith.constant 5 : i32
        %get3A_641 = arith.index_cast %add3A_639 : i32 to index
        %get3A_642 = arith.index_cast %get3A_640 : i32 to index
        %get3A_643 = arith.constant 32 : index
        %get3A_644 = tpu.vector_load %arg6[%get3A_641, %get3A_642, %get3A_643] {strides = array<i32>} : memref<50x8x128xf32, #tpu.memory_space<vmem>>, vector<16xf32>,
        %swap3A_645 = arith.constant 0 : i32
        %swap3A_646 = arith.index_cast %swap3A_645 : i32 to index
        %swap3A_647 = arith.index_cast %add3A_135 : i32 to index
        %swap3A_648 = arith.constant 672 : index
        %swap3A_649 = tpu.vector_load %arg7[%swap3A_646, %swap3A_647, %swap3A_648] {strides = array<i32>} : memref<1x50x1000xf32, #tpu.memory_space<vmem>>, vector<16xf32>,
        tpu.vector_store %arg7[%swap3A_646, %swap3A_647, %swap3A_648], %get3A_644 {strides = array<i32>} : memref<1x50x1000xf32, #tpu.memory_space<vmem>>, vector<16xf32>,
        %add3A_650 = arith.constant 32 : i32
        %add3A_651 = arith.addi %add3A_650, %scan3A_133 : i32
        %get3A_652 = arith.constant 5 : i32
        %get3A_653 = arith.index_cast %add3A_651 : i32 to index
        %get3A_654 = arith.index_cast %get3A_652 : i32 to index
        %get3A_655 = arith.constant 48 : index
        %get3A_656 = tpu.vector_load %arg6[%get3A_653, %get3A_654, %get3A_655] {strides = array<i32>} : memref<50x8x128xf32, #tpu.memory_space<vmem>>, vector<16xf32>,
        %swap3A_657 = arith.constant 0 : i32
        %swap3A_658 = arith.index_cast %swap3A_657 : i32 to index
        %swap3A_659 = arith.index_cast %add3A_135 : i32 to index
        %swap3A_660 = arith.constant 688 : index
        %swap3A_661 = tpu.vector_load %arg7[%swap3A_658, %swap3A_659, %swap3A_660] {strides = array<i32>} : memref<1x50x1000xf32, #tpu.memory_space<vmem>>, vector<16xf32>,
        tpu.vector_store %arg7[%swap3A_658, %swap3A_659, %swap3A_660], %get3A_656 {strides = array<i32>} : memref<1x50x1000xf32, #tpu.memory_space<vmem>>, vector<16xf32>,
        %add3A_662 = arith.constant 32 : i32
        %add3A_663 = arith.addi %add3A_662, %scan3A_133 : i32
        %get3A_664 = arith.constant 5 : i32
        %get3A_665 = arith.index_cast %add3A_663 : i32 to index
        %get3A_666 = arith.index_cast %get3A_664 : i32 to index
        %get3A_667 = arith.constant 64 : index
        %get3A_668 = tpu.vector_load %arg6[%get3A_665, %get3A_666, %get3A_667] {strides = array<i32>} : memref<50x8x128xf32, #tpu.memory_space<vmem>>, vector<16xf32>,
        %swap3A_669 = arith.constant 0 : i32
        %swap3A_670 = arith.index_cast %swap3A_669 : i32 to index
        %swap3A_671 = arith.index_cast %add3A_135 : i32 to index
        %swap3A_672 = arith.constant 704 : index
        %swap3A_673 = tpu.vector_load %arg7[%swap3A_670, %swap3A_671, %swap3A_672] {strides = array<i32>} : memref<1x50x1000xf32, #tpu.memory_space<vmem>>, vector<16xf32>,
        tpu.vector_store %arg7[%swap3A_670, %swap3A_671, %swap3A_672], %get3A_668 {strides = array<i32>} : memref<1x50x1000xf32, #tpu.memory_space<vmem>>, vector<16xf32>,
        %add3A_674 = arith.constant 32 : i32
        %add3A_675 = arith.addi %add3A_674, %scan3A_133 : i32
        %get3A_676 = arith.constant 5 : i32
        %get3A_677 = arith.index_cast %add3A_675 : i32 to index
        %get3A_678 = arith.index_cast %get3A_676 : i32 to index
        %get3A_679 = arith.constant 80 : index
        %get3A_680 = tpu.vector_load %arg6[%get3A_677, %get3A_678, %get3A_679] {strides = array<i32>} : memref<50x8x128xf32, #tpu.memory_space<vmem>>, vector<16xf32>,
        %swap3A_681 = arith.constant 0 : i32
        %swap3A_682 = arith.index_cast %swap3A_681 : i32 to index
        %swap3A_683 = arith.index_cast %add3A_135 : i32 to index
        %swap3A_684 = arith.constant 720 : index
        %swap3A_685 = tpu.vector_load %arg7[%swap3A_682, %swap3A_683, %swap3A_684] {strides = array<i32>} : memref<1x50x1000xf32, #tpu.memory_space<vmem>>, vector<16xf32>,
        tpu.vector_store %arg7[%swap3A_682, %swap3A_683, %swap3A_684], %get3A_680 {strides = array<i32>} : memref<1x50x1000xf32, #tpu.memory_space<vmem>>, vector<16xf32>,
        %add3A_686 = arith.constant 32 : i32
        %add3A_687 = arith.addi %add3A_686, %scan3A_133 : i32
        %get3A_688 = arith.constant 5 : i32
        %get3A_689 = arith.index_cast %add3A_687 : i32 to index
        %get3A_690 = arith.index_cast %get3A_688 : i32 to index
        %get3A_691 = arith.constant 96 : index
        %get3A_692 = tpu.vector_load %arg6[%get3A_689, %get3A_690, %get3A_691] {strides = array<i32>} : memref<50x8x128xf32, #tpu.memory_space<vmem>>, vector<16xf32>,
        %swap3A_693 = arith.constant 0 : i32
        %swap3A_694 = arith.index_cast %swap3A_693 : i32 to index
        %swap3A_695 = arith.index_cast %add3A_135 : i32 to index
        %swap3A_696 = arith.constant 736 : index
        %swap3A_697 = tpu.vector_load %arg7[%swap3A_694, %swap3A_695, %swap3A_696] {strides = array<i32>} : memref<1x50x1000xf32, #tpu.memory_space<vmem>>, vector<16xf32>,
        tpu.vector_store %arg7[%swap3A_694, %swap3A_695, %swap3A_696], %get3A_692 {strides = array<i32>} : memref<1x50x1000xf32, #tpu.memory_space<vmem>>, vector<16xf32>,
        %add3A_698 = arith.constant 32 : i32
        %add3A_699 = arith.addi %add3A_698, %scan3A_133 : i32
        %get3A_700 = arith.constant 5 : i32
        %get3A_701 = arith.index_cast %add3A_699 : i32 to index
        %get3A_702 = arith.index_cast %get3A_700 : i32 to index
        %get3A_703 = arith.constant 112 : index
        %get3A_704 = tpu.vector_load %arg6[%get3A_701, %get3A_702, %get3A_703] {strides = array<i32>} : memref<50x8x128xf32, #tpu.memory_space<vmem>>, vector<16xf32>,
        %swap3A_705 = arith.constant 0 : i32
        %swap3A_706 = arith.index_cast %swap3A_705 : i32 to index
        %swap3A_707 = arith.index_cast %add3A_135 : i32 to index
        %swap3A_708 = arith.constant 752 : index
        %swap3A_709 = tpu.vector_load %arg7[%swap3A_706, %swap3A_707, %swap3A_708] {strides = array<i32>} : memref<1x50x1000xf32, #tpu.memory_space<vmem>>, vector<16xf32>,
        tpu.vector_store %arg7[%swap3A_706, %swap3A_707, %swap3A_708], %get3A_704 {strides = array<i32>} : memref<1x50x1000xf32, #tpu.memory_space<vmem>>, vector<16xf32>,
        %add3A_710 = arith.constant 32 : i32
        %add3A_711 = arith.addi %add3A_710, %scan3A_133 : i32
        %get3A_712 = arith.constant 6 : i32
        %get3A_713 = arith.index_cast %add3A_711 : i32 to index
        %get3A_714 = arith.index_cast %get3A_712 : i32 to index
        %get3A_715 = arith.constant 0 : index
        %get3A_716 = tpu.vector_load %arg6[%get3A_713, %get3A_714, %get3A_715] {strides = array<i32>} : memref<50x8x128xf32, #tpu.memory_space<vmem>>, vector<16xf32>,
        %swap3A_717 = arith.constant 0 : i32
        %swap3A_718 = arith.index_cast %swap3A_717 : i32 to index
        %swap3A_719 = arith.index_cast %add3A_135 : i32 to index
        %swap3A_720 = arith.constant 768 : index
        %swap3A_721 = tpu.vector_load %arg7[%swap3A_718, %swap3A_719, %swap3A_720] {strides = array<i32>} : memref<1x50x1000xf32, #tpu.memory_space<vmem>>, vector<16xf32>,
        tpu.vector_store %arg7[%swap3A_718, %swap3A_719, %swap3A_720], %get3A_716 {strides = array<i32>} : memref<1x50x1000xf32, #tpu.memory_space<vmem>>, vector<16xf32>,
        %add3A_722 = arith.constant 32 : i32
        %add3A_723 = arith.addi %add3A_722, %scan3A_133 : i32
        %get3A_724 = arith.constant 6 : i32
        %get3A_725 = arith.index_cast %add3A_723 : i32 to index
        %get3A_726 = arith.index_cast %get3A_724 : i32 to index
        %get3A_727 = arith.constant 16 : index
        %get3A_728 = tpu.vector_load %arg6[%get3A_725, %get3A_726, %get3A_727] {strides = array<i32>} : memref<50x8x128xf32, #tpu.memory_space<vmem>>, vector<16xf32>,
        %swap3A_729 = arith.constant 0 : i32
        %swap3A_730 = arith.index_cast %swap3A_729 : i32 to index
        %swap3A_731 = arith.index_cast %add3A_135 : i32 to index
        %swap3A_732 = arith.constant 784 : index
        %swap3A_733 = tpu.vector_load %arg7[%swap3A_730, %swap3A_731, %swap3A_732] {strides = array<i32>} : memref<1x50x1000xf32, #tpu.memory_space<vmem>>, vector<16xf32>,
        tpu.vector_store %arg7[%swap3A_730, %swap3A_731, %swap3A_732], %get3A_728 {strides = array<i32>} : memref<1x50x1000xf32, #tpu.memory_space<vmem>>, vector<16xf32>,
        %add3A_734 = arith.constant 32 : i32
        %add3A_735 = arith.addi %add3A_734, %scan3A_133 : i32
        %get3A_736 = arith.constant 6 : i32
        %get3A_737 = arith.index_cast %add3A_735 : i32 to index
        %get3A_738 = arith.index_cast %get3A_736 : i32 to index
        %get3A_739 = arith.constant 32 : index
        %get3A_740 = tpu.vector_load %arg6[%get3A_737, %get3A_738, %get3A_739] {strides = array<i32>} : memref<50x8x128xf32, #tpu.memory_space<vmem>>, vector<16xf32>,
        %swap3A_741 = arith.constant 0 : i32
        %swap3A_742 = arith.index_cast %swap3A_741 : i32 to index
        %swap3A_743 = arith.index_cast %add3A_135 : i32 to index
        %swap3A_744 = arith.constant 800 : index
        %swap3A_745 = tpu.vector_load %arg7[%swap3A_742, %swap3A_743, %swap3A_744] {strides = array<i32>} : memref<1x50x1000xf32, #tpu.memory_space<vmem>>, vector<16xf32>,
        tpu.vector_store %arg7[%swap3A_742, %swap3A_743, %swap3A_744], %get3A_740 {strides = array<i32>} : memref<1x50x1000xf32, #tpu.memory_space<vmem>>, vector<16xf32>,
        %add3A_746 = arith.constant 32 : i32
        %add3A_747 = arith.addi %add3A_746, %scan3A_133 : i32
        %get3A_748 = arith.constant 6 : i32
        %get3A_749 = arith.index_cast %add3A_747 : i32 to index
        %get3A_750 = arith.index_cast %get3A_748 : i32 to index
        %get3A_751 = arith.constant 48 : index
        %get3A_752 = tpu.vector_load %arg6[%get3A_749, %get3A_750, %get3A_751] {strides = array<i32>} : memref<50x8x128xf32, #tpu.memory_space<vmem>>, vector<16xf32>,
        %swap3A_753 = arith.constant 0 : i32
        %swap3A_754 = arith.index_cast %swap3A_753 : i32 to index
        %swap3A_755 = arith.index_cast %add3A_135 : i32 to index
        %swap3A_756 = arith.constant 816 : index
        %swap3A_757 = tpu.vector_load %arg7[%swap3A_754, %swap3A_755, %swap3A_756] {strides = array<i32>} : memref<1x50x1000xf32, #tpu.memory_space<vmem>>, vector<16xf32>,
        tpu.vector_store %arg7[%swap3A_754, %swap3A_755, %swap3A_756], %get3A_752 {strides = array<i32>} : memref<1x50x1000xf32, #tpu.memory_space<vmem>>, vector<16xf32>,
        %add3A_758 = arith.constant 32 : i32
        %add3A_759 = arith.addi %add3A_758, %scan3A_133 : i32
        %get3A_760 = arith.constant 6 : i32
        %get3A_761 = arith.index_cast %add3A_759 : i32 to index
        %get3A_762 = arith.index_cast %get3A_760 : i32 to index
        %get3A_763 = arith.constant 64 : index
        %get3A_764 = tpu.vector_load %arg6[%get3A_761, %get3A_762, %get3A_763] {strides = array<i32>} : memref<50x8x128xf32, #tpu.memory_space<vmem>>, vector<16xf32>,
        %swap3A_765 = arith.constant 0 : i32
        %swap3A_766 = arith.index_cast %swap3A_765 : i32 to index
        %swap3A_767 = arith.index_cast %add3A_135 : i32 to index
        %swap3A_768 = arith.constant 832 : index
        %swap3A_769 = tpu.vector_load %arg7[%swap3A_766, %swap3A_767, %swap3A_768] {strides = array<i32>} : memref<1x50x1000xf32, #tpu.memory_space<vmem>>, vector<16xf32>,
        tpu.vector_store %arg7[%swap3A_766, %swap3A_767, %swap3A_768], %get3A_764 {strides = array<i32>} : memref<1x50x1000xf32, #tpu.memory_space<vmem>>, vector<16xf32>,
        %add3A_770 = arith.constant 32 : i32
        %add3A_771 = arith.addi %add3A_770, %scan3A_133 : i32
        %get3A_772 = arith.constant 6 : i32
        %get3A_773 = arith.index_cast %add3A_771 : i32 to index
        %get3A_774 = arith.index_cast %get3A_772 : i32 to index
        %get3A_775 = arith.constant 80 : index
        %get3A_776 = tpu.vector_load %arg6[%get3A_773, %get3A_774, %get3A_775] {strides = array<i32>} : memref<50x8x128xf32, #tpu.memory_space<vmem>>, vector<16xf32>,
        %swap3A_777 = arith.constant 0 : i32
        %swap3A_778 = arith.index_cast %swap3A_777 : i32 to index
        %swap3A_779 = arith.index_cast %add3A_135 : i32 to index
        %swap3A_780 = arith.constant 848 : index
        %swap3A_781 = tpu.vector_load %arg7[%swap3A_778, %swap3A_779, %swap3A_780] {strides = array<i32>} : memref<1x50x1000xf32, #tpu.memory_space<vmem>>, vector<16xf32>,
        tpu.vector_store %arg7[%swap3A_778, %swap3A_779, %swap3A_780], %get3A_776 {strides = array<i32>} : memref<1x50x1000xf32, #tpu.memory_space<vmem>>, vector<16xf32>,
        %add3A_782 = arith.constant 32 : i32
        %add3A_783 = arith.addi %add3A_782, %scan3A_133 : i32
        %get3A_784 = arith.constant 6 : i32
        %get3A_785 = arith.index_cast %add3A_783 : i32 to index
        %get3A_786 = arith.index_cast %get3A_784 : i32 to index
        %get3A_787 = arith.constant 96 : index
        %get3A_788 = tpu.vector_load %arg6[%get3A_785, %get3A_786, %get3A_787] {strides = array<i32>} : memref<50x8x128xf32, #tpu.memory_space<vmem>>, vector<16xf32>,
        %swap3A_789 = arith.constant 0 : i32
        %swap3A_790 = arith.index_cast %swap3A_789 : i32 to index
        %swap3A_791 = arith.index_cast %add3A_135 : i32 to index
        %swap3A_792 = arith.constant 864 : index
        %swap3A_793 = tpu.vector_load %arg7[%swap3A_790, %swap3A_791, %swap3A_792] {strides = array<i32>} : memref<1x50x1000xf32, #tpu.memory_space<vmem>>, vector<16xf32>,
        tpu.vector_store %arg7[%swap3A_790, %swap3A_791, %swap3A_792], %get3A_788 {strides = array<i32>} : memref<1x50x1000xf32, #tpu.memory_space<vmem>>, vector<16xf32>,
        %add3A_794 = arith.constant 32 : i32
        %add3A_795 = arith.addi %add3A_794, %scan3A_133 : i32
        %get3A_796 = arith.constant 6 : i32
        %get3A_797 = arith.index_cast %add3A_795 : i32 to index
        %get3A_798 = arith.index_cast %get3A_796 : i32 to index
        %get3A_799 = arith.constant 112 : index
        %get3A_800 = tpu.vector_load %arg6[%get3A_797, %get3A_798, %get3A_799] {strides = array<i32>} : memref<50x8x128xf32, #tpu.memory_space<vmem>>, vector<16xf32>,
        %swap3A_801 = arith.constant 0 : i32
        %swap3A_802 = arith.index_cast %swap3A_801 : i32 to index
        %swap3A_803 = arith.index_cast %add3A_135 : i32 to index
        %swap3A_804 = arith.constant 880 : index
        %swap3A_805 = tpu.vector_load %arg7[%swap3A_802, %swap3A_803, %swap3A_804] {strides = array<i32>} : memref<1x50x1000xf32, #tpu.memory_space<vmem>>, vector<16xf32>,
        tpu.vector_store %arg7[%swap3A_802, %swap3A_803, %swap3A_804], %get3A_800 {strides = array<i32>} : memref<1x50x1000xf32, #tpu.memory_space<vmem>>, vector<16xf32>,
        %add3A_806 = arith.constant 32 : i32
        %add3A_807 = arith.addi %add3A_806, %scan3A_133 : i32
        %get3A_808 = arith.constant 7 : i32
        %get3A_809 = arith.index_cast %add3A_807 : i32 to index
        %get3A_810 = arith.index_cast %get3A_808 : i32 to index
        %get3A_811 = arith.constant 0 : index
        %get3A_812 = tpu.vector_load %arg6[%get3A_809, %get3A_810, %get3A_811] {strides = array<i32>} : memref<50x8x128xf32, #tpu.memory_space<vmem>>, vector<16xf32>,
        %swap3A_813 = arith.constant 0 : i32
        %swap3A_814 = arith.index_cast %swap3A_813 : i32 to index
        %swap3A_815 = arith.index_cast %add3A_135 : i32 to index
        %swap3A_816 = arith.constant 896 : index
        %swap3A_817 = tpu.vector_load %arg7[%swap3A_814, %swap3A_815, %swap3A_816] {strides = array<i32>} : memref<1x50x1000xf32, #tpu.memory_space<vmem>>, vector<16xf32>,
        tpu.vector_store %arg7[%swap3A_814, %swap3A_815, %swap3A_816], %get3A_812 {strides = array<i32>} : memref<1x50x1000xf32, #tpu.memory_space<vmem>>, vector<16xf32>,
        %add3A_818 = arith.constant 32 : i32
        %add3A_819 = arith.addi %add3A_818, %scan3A_133 : i32
        %get3A_820 = arith.constant 7 : i32
        %get3A_821 = arith.index_cast %add3A_819 : i32 to index
        %get3A_822 = arith.index_cast %get3A_820 : i32 to index
        %get3A_823 = arith.constant 16 : index
        %get3A_824 = tpu.vector_load %arg6[%get3A_821, %get3A_822, %get3A_823] {strides = array<i32>} : memref<50x8x128xf32, #tpu.memory_space<vmem>>, vector<16xf32>,
        %swap3A_825 = arith.constant 0 : i32
        %swap3A_826 = arith.index_cast %swap3A_825 : i32 to index
        %swap3A_827 = arith.index_cast %add3A_135 : i32 to index
        %swap3A_828 = arith.constant 912 : index
        %swap3A_829 = tpu.vector_load %arg7[%swap3A_826, %swap3A_827, %swap3A_828] {strides = array<i32>} : memref<1x50x1000xf32, #tpu.memory_space<vmem>>, vector<16xf32>,
        tpu.vector_store %arg7[%swap3A_826, %swap3A_827, %swap3A_828], %get3A_824 {strides = array<i32>} : memref<1x50x1000xf32, #tpu.memory_space<vmem>>, vector<16xf32>,
        %add3A_830 = arith.constant 32 : i32
        %add3A_831 = arith.addi %add3A_830, %scan3A_133 : i32
        %get3A_832 = arith.constant 7 : i32
        %get3A_833 = arith.index_cast %add3A_831 : i32 to index
        %get3A_834 = arith.index_cast %get3A_832 : i32 to index
        %get3A_835 = arith.constant 32 : index
        %get3A_836 = tpu.vector_load %arg6[%get3A_833, %get3A_834, %get3A_835] {strides = array<i32>} : memref<50x8x128xf32, #tpu.memory_space<vmem>>, vector<16xf32>,
        %swap3A_837 = arith.constant 0 : i32
        %swap3A_838 = arith.index_cast %swap3A_837 : i32 to index
        %swap3A_839 = arith.index_cast %add3A_135 : i32 to index
        %swap3A_840 = arith.constant 928 : index
        %swap3A_841 = tpu.vector_load %arg7[%swap3A_838, %swap3A_839, %swap3A_840] {strides = array<i32>} : memref<1x50x1000xf32, #tpu.memory_space<vmem>>, vector<16xf32>,
        tpu.vector_store %arg7[%swap3A_838, %swap3A_839, %swap3A_840], %get3A_836 {strides = array<i32>} : memref<1x50x1000xf32, #tpu.memory_space<vmem>>, vector<16xf32>,
        %add3A_842 = arith.constant 32 : i32
        %add3A_843 = arith.addi %add3A_842, %scan3A_133 : i32
        %get3A_844 = arith.constant 7 : i32
        %get3A_845 = arith.index_cast %add3A_843 : i32 to index
        %get3A_846 = arith.index_cast %get3A_844 : i32 to index
        %get3A_847 = arith.constant 48 : index
        %get3A_848 = tpu.vector_load %arg6[%get3A_845, %get3A_846, %get3A_847] {strides = array<i32>} : memref<50x8x128xf32, #tpu.memory_space<vmem>>, vector<16xf32>,
        %swap3A_849 = arith.constant 0 : i32
        %swap3A_850 = arith.index_cast %swap3A_849 : i32 to index
        %swap3A_851 = arith.index_cast %add3A_135 : i32 to index
        %swap3A_852 = arith.constant 944 : index
        %swap3A_853 = tpu.vector_load %arg7[%swap3A_850, %swap3A_851, %swap3A_852] {strides = array<i32>} : memref<1x50x1000xf32, #tpu.memory_space<vmem>>, vector<16xf32>,
        tpu.vector_store %arg7[%swap3A_850, %swap3A_851, %swap3A_852], %get3A_848 {strides = array<i32>} : memref<1x50x1000xf32, #tpu.memory_space<vmem>>, vector<16xf32>,
        %add3A_854 = arith.constant 32 : i32
        %add3A_855 = arith.addi %add3A_854, %scan3A_133 : i32
        %get3A_856 = arith.constant 7 : i32
        %get3A_857 = arith.index_cast %add3A_855 : i32 to index
        %get3A_858 = arith.index_cast %get3A_856 : i32 to index
        %get3A_859 = arith.constant 64 : index
        %get3A_860 = tpu.vector_load %arg6[%get3A_857, %get3A_858, %get3A_859] {strides = array<i32>} : memref<50x8x128xf32, #tpu.memory_space<vmem>>, vector<16xf32>,
        %swap3A_861 = arith.constant 0 : i32
        %swap3A_862 = arith.index_cast %swap3A_861 : i32 to index
        %swap3A_863 = arith.index_cast %add3A_135 : i32 to index
        %swap3A_864 = arith.constant 960 : index
        %swap3A_865 = tpu.vector_load %arg7[%swap3A_862, %swap3A_863, %swap3A_864] {strides = array<i32>} : memref<1x50x1000xf32, #tpu.memory_space<vmem>>, vector<16xf32>,
        tpu.vector_store %arg7[%swap3A_862, %swap3A_863, %swap3A_864], %get3A_860 {strides = array<i32>} : memref<1x50x1000xf32, #tpu.memory_space<vmem>>, vector<16xf32>,
        %add3A_866 = arith.constant 32 : i32
        %add3A_867 = arith.addi %add3A_866, %scan3A_133 : i32
        %get3A_868 = arith.constant 7 : i32
        %get3A_869 = arith.index_cast %add3A_867 : i32 to index
        %get3A_870 = arith.index_cast %get3A_868 : i32 to index
        %get3A_871 = arith.constant 80 : index
        %get3A_872 = tpu.vector_load %arg6[%get3A_869, %get3A_870, %get3A_871] {strides = array<i32>} : memref<50x8x128xf32, #tpu.memory_space<vmem>>, vector<16xf32>,
        %swap3A_873 = arith.constant 0 : i32
        %swap3A_874 = arith.index_cast %swap3A_873 : i32 to index
        %swap3A_875 = arith.index_cast %add3A_135 : i32 to index
        %swap3A_876 = arith.constant 976 : index
        %swap3A_877 = tpu.vector_load %arg7[%swap3A_874, %swap3A_875, %swap3A_876] {strides = array<i32>} : memref<1x50x1000xf32, #tpu.memory_space<vmem>>, vector<16xf32>,
        tpu.vector_store %arg7[%swap3A_874, %swap3A_875, %swap3A_876], %get3A_872 {strides = array<i32>} : memref<1x50x1000xf32, #tpu.memory_space<vmem>>, vector<16xf32>,
        %add3A_878 = arith.constant 32 : i32
        %add3A_879 = arith.addi %add3A_878, %scan3A_133 : i32
        %broadcast_in_dim3A = vector.broadcast %add3A_879 : i32 to vector<16xi32>
        %broadcast_in_dim3A_880 = arith.constant 7 : i32
        %broadcast_in_dim3A_881 = vector.broadcast %broadcast_in_dim3A_880 : i32 to vector<16xi32>
        %add3A_882 = arith.constant 88 : i32
        %add3A_883 = vector.broadcast %add3A_882 : i32 to vector<16xi32>
        %add3A_884 = arith.addi %iota3A_117, %add3A_883 : vector<16xi32>
        %gather3A = tpu.vector_load_idx %arg6[%broadcast_in_dim3A, %broadcast_in_dim3A_881, %add3A_884] : memref<50x8x128xf32, #tpu.memory_space<vmem>>[vector<16xi32>, vector<16xi32>, vector<16xi32>], vector<16xf32>,
        %broadcast_in_dim3A_885 = arith.constant 0 : i32
        %broadcast_in_dim3A_886 = vector.broadcast %broadcast_in_dim3A_885 : i32 to vector<16xi32>
        %broadcast_in_dim3A_887 = vector.broadcast %add3A_135 : i32 to vector<16xi32>
        %add3A_888 = arith.constant 984 : i32
        %add3A_889 = vector.broadcast %add3A_888 : i32 to vector<16xi32>
        %add3A_890 = arith.addi %iota3A_117, %add3A_889 : vector<16xi32>
        tpu.vector_store_idx %arg7[%broadcast_in_dim3A_886, %broadcast_in_dim3A_887, %add3A_890], %gather3A : memref<1x50x1000xf32, #tpu.memory_space<vmem>>[vector<16xi32>, vector<16xi32>, vector<16xi32>], vector<16xf32>,
      }
      %scan3A_123 = arith.constant 18 : i32
      %mul3A_124 = arith.constant 32 : i32
      %mul3A_125 = arith.muli %add3A, %mul3A_124 : i32
      %add3A_126 = arith.addi %mul3A_125, %scan3A_36 : i32
      %dma_start3A_127 = arith.constant 0 : i32
      %dma_start3A_128 = arith.constant 0 : i32
      %dma_start3A_129 = tpu.memref_slice %arg4[%add3A_126, %dma_start3A_127, %dma_start3A_128] : memref<1024x50x1000xf32, #tpu.memory_space<hbm>> -> memref<1x50x1000xf32, #tpu.memory_space<hbm>>
      %dma_start3A_130 = arith.constant 0 : i32
      %dma_start3A_131 = arith.constant 0 : i32
      %dma_start3A_132 = tpu.memref_slice %arg4[%add3A_126, %dma_start3A_130, %dma_start3A_131] : memref<1024x50x1000xf32, #tpu.memory_space<hbm>> -> memref<1x50x1000xf32, #tpu.memory_space<hbm>>
      tpu.enqueue_dma source(%arg7 : memref<1x50x1000xf32, #tpu.memory_space<vmem>>) target(%dma_start3A_132 : memref<1x50x1000xf32, #tpu.memory_space<hbm>>) target_semaphore(%arg11 : memref<!tpu.dma_semaphore, #tpu.memory_space<semaphore_mem>>)
    }
    %scan3A_26 = arith.constant 32 : i32
    %mul3A_27 = arith.constant 32 : i32
    %mul3A_28 = arith.muli %add3A, %mul3A_27 : i32
    %add3A_29 = arith.constant 31 : i32
    %add3A_30 = arith.addi %mul3A_28, %add3A_29 : i32
    %dma_wait3A = arith.constant 0 : i32
    %dma_wait3A_31 = arith.constant 0 : i32
    %dma_wait3A_32 = tpu.memref_slice %arg4[%add3A_30, %dma_wait3A, %dma_wait3A_31] : memref<1024x50x1000xf32, #tpu.memory_space<hbm>> -> memref<1x50x1000xf32, #tpu.memory_space<hbm>>
    %dma_wait3A_33 = arith.constant 0 : i32
    %dma_wait3A_34 = arith.constant 0 : i32
    %dma_wait3A_35 = tpu.memref_slice %arg4[%add3A_30, %dma_wait3A_33, %dma_wait3A_34] : memref<1024x50x1000xf32, #tpu.memory_space<hbm>> -> memref<1x50x1000xf32, #tpu.memory_space<hbm>>
    tpu.wait_dma2 semaphore(%arg11 : memref<!tpu.dma_semaphore, #tpu.memory_space<semaphore_mem>>) src(%arg7 : memref<1x50x1000xf32, #tpu.memory_space<vmem>>) dst(%dma_wait3A_35 : memref<1x50x1000xf32, #tpu.memory_space<hbm>>)
    return
  }
}

</mosaic_0001>

<sc_bundles>
// kernel: kernel.3.cloned.1.call-start
scs
__scs_entry_jumppad:
0x0: {  	(pc) =	sbr.rel $0x88, $3  }
0x1: {  	(tag) =	ssettag $0x0;
	lr =	simm.s32 $0x1  }
0x2: {  	[smem:$0x3F9F] =	sst lr;
	_ =	strace $0xD0000000  }
0x3: {  	_ = 	snop  }
0x4: {  	_ = 	snop  }
0x5: {  	_ = 	snop  }
0x6: {  	_ = 	snop  }
0x7: {  	_ = 	snop  }
__scs_overlays_trampoline_lowered:
0x8: {  	[smem:$0x3FAE] =	sst s0  }
0x9: {  	[smem:$0x3FAF] =	sst s1  }
0xa: {  	[smem:$0x3FB0] =	sst s2  }
0xb: {  	[smem:$0x3FB1] =	sst s3  }
0xc: {  	[smem:$0x3FB2] =	sst s4  }
0xd: {  	[smem:$0x3FB3] =	sst s5  }
0xe: {  	[smem:$0x3FB4] =	sst s6  }
0xf: {  	[smem:$0x3FB5] =	sst s7  }
0x10: {  	[smem:$0x3FB6] =	sst s8  }
0x11: {  	[smem:$0x3FB7] =	sst s9;
	s0 =	simm.s32 @!p0 $0x0  }
0x12: {  	s1 =	sld [smem:$0x3F9D];
	s0 =	simm.s32 @p0 $0x1  }
0x13: {  	[smem:$0x3FB8] =	sst s0;
	s0 =	simm.s32 @!p1 $0x0  }
0x14: {  	s2 =	sld [smem:$0x3F9C];
	s0 =	simm.s32 @p1 $0x1  }
0x15: {  	[smem:$0x3FB9] =	sst s0;
	s0 =	simm.s32 @!p2 $0x0  }
0x16: {  	s3 =	sld [smem:$0x3FDB];
	s0 =	simm.s32 @p2 $0x1  }
0x17: {  	s4 =	simm.s32 $0x1BF5;
	[smem:$0x3FBB] =	sst s0  }
0x18: {  	s0 =	sld [smem:$0x3F9E];
	_ =	swait.ge [sflag:s4], $0x0  }
0x19: {  	s7 =	sld [smem:$0x3F9F]  }
0x1a: {  	s8 =	sadd.s32 $0xFFFFE003, lr  }
0x1b: {  	s9 =	sadd.s32 $0xFFFFFEF7, lr;
	s5 =	simm.s32 $0xFFFFFFFF;
	p2 =	slt.u32 s8, $0xFFFFF086  }
0x1c: {  	p1 =	slt.u32 s9, $0xF7A;
	s5 =	simm.s32 @!p2 $0x0  }
0x1d: {  	s5 =	simm.s32 @p1 $0x1;
	p0 =	seq.s32 s7, s2  }
0x1e: {  	s7 =	smul.u32 @!p0 $0xF7A, s2;
	p2 =	seq.s32 @!p0 s5, $0x0  }
0x1f: {  	s9 =	smul.u32 $0xF7A, s1;
	s8 =	simm.s32 @!p0 $0x1BF5;
	p2 =	por !p2, p0  }
0x20: {  	[sflag:s8] =	ssyncset.s32 @!p0 $0xFFFFF086;
	s6 =	sadd.s32 @!p0 s3, s7;
	s7 =	simm.s32 @!p0 $0x108  }
0x21: {  	s3 =	sadd.s32 s3, s9;
	s6 =	sadd.s32 @!p0 $0x88, s6;
	s7 =	simm.s32 @p2 $0x1082  }
0x22: {  	[simem:s7], [sflag:s8] =	dma.local @!p0 [hbm:s6], $0xF7A  }
0x23: {  	s9 =	sor.u32 $0xD0000000, s2;
	s6 =	simm.s32 $0x108;
	_ =	swait.ge @!p0 [sflag:s8], $0x0  }
0x24: {  	s3 =	sadd.s32 $0x88, s3;
	s6 =	simm.s32 @!p1 $0x1082;
	[sflag:s4] =	ssyncset.s32 $0xFFFFF086  }
0x25: {  	[simem:s6], [sflag:s4] =	dma.local [hbm:s3], $0xF7A  }
0x26: {  	[smem:$0x3F9F] =	sst s1;
	(tag) =	ssettag s2;
	_ =	strace s9  }
0x27: {  	s1 =	sld [smem:$0x3FAF]  }
0x28: {  	s2 =	sld [smem:$0x3FB0]  }
0x29: {  	s4 =	sld [smem:$0x3FB2]  }
0x2a: {  	p0 =	seq.s32 s5, $0x0;
	s5 =	sld [smem:$0x3FB3]  }
0x2b: {  	s6 =	sld [smem:$0x3FB4]  }
0x2c: {  	s7 =	sld [smem:$0x3FB5]  }
0x2d: {  	s3 =	simm.s32 $0x108;
	s8 =	sld [smem:$0x3FB6]  }
0x2e: {  	s3 =	simm.s32 @!p0 $0x1082;
	s9 =	sld [smem:$0x3FB7]  }
0x2f: {  	lr =	sadd.s32 s0, s3;
	s0 =	sld [smem:$0x3FAE]  }
0x30: {  	s3 =	sld [smem:$0x3FB1]  }
0x31: {  	[smem:$0x3FBA] =	sst s10  }
0x32: {  	s10 =	sld [smem:$0x3FB8];
	_ =	sdelay $0x3  }
0x33: {  	p0 =	seq.s32 s10, $0x1;
	s10 =	sld [smem:$0x3FBA];
	_ =	sdelay $0x3  }
0x34: {  	[smem:$0x3FBA] =	sst s10  }
0x35: {  	s10 =	sld [smem:$0x3FB9];
	_ =	sdelay $0x3  }
0x36: {  	p1 =	seq.s32 s10, $0x1;
	s10 =	sld [smem:$0x3FBA];
	_ =	sdelay $0x3  }
0x37: {  	[smem:$0x3FBA] =	sst s10  }
0x38: {  	s10 =	sld [smem:$0x3FBB]  }
0x39: {  	_ = 	snop;
	(pc) =	sbr.ind lr, $3  }
0x3a: {  	_ = 	snop  }
0x3b: {  	_ = 	snop  }
0x3c: {  	p2 =	seq.s32 s10, $0x1;
	s10 =	sld [smem:$0x3FBA]  }
0x3d: {  	_ =	shalt  }
0x3e: {  	_ =	shalt  }
0x3f: {  	_ =	shalt  }
0x40: {  	_ =	shalt  }
0x41: {  	_ =	shalt  }
0x42: {  	_ =	shalt  }
0x43: {  	_ =	shalt  }
0x44: {  	_ =	shalt  }
0x45: {  	_ =	shalt  }
0x46: {  	_ =	shalt  }
0x47: {  	_ =	shalt  }
0x48: {  	_ =	shalt  }
0x49: {  	_ =	shalt  }
0x4a: {  	_ =	shalt  }
0x4b: {  	_ =	shalt  }
0x4c: {  	_ =	shalt  }
0x4d: {  	_ =	shalt  }
0x4e: {  	_ =	shalt  }
0x4f: {  	_ =	shalt  }
0x50: {  	_ =	shalt  }
0x51: {  	_ =	shalt  }
0x52: {  	_ =	shalt  }
0x53: {  	_ =	shalt  }
0x54: {  	_ =	shalt  }
0x55: {  	_ =	shalt  }
0x56: {  	_ =	shalt  }
0x57: {  	_ =	shalt  }
0x58: {  	_ =	shalt  }
0x59: {  	_ =	shalt  }
0x5a: {  	_ =	shalt  }
0x5b: {  	_ =	shalt  }
0x5c: {  	_ =	shalt  }
0x5d: {  	_ =	shalt  }
0x5e: {  	_ =	shalt  }
0x5f: {  	_ =	shalt  }
0x60: {  	_ =	shalt  }
0x61: {  	_ =	shalt  }
0x62: {  	_ =	shalt  }
0x63: {  	_ =	shalt  }
0x64: {  	_ =	shalt  }
0x65: {  	_ =	shalt  }
0x66: {  	_ =	shalt  }
0x67: {  	_ =	shalt  }
0x68: {  	_ =	shalt  }
0x69: {  	_ =	shalt  }
0x6a: {  	_ =	shalt  }
0x6b: {  	_ =	shalt  }
0x6c: {  	_ =	shalt  }
0x6d: {  	_ =	shalt  }
0x6e: {  	_ =	shalt  }
0x6f: {  	_ =	shalt  }
0x70: {  	_ =	shalt  }
0x71: {  	_ =	shalt  }
0x72: {  	_ =	shalt  }
0x73: {  	_ =	shalt  }
0x74: {  	_ =	shalt  }
0x75: {  	_ =	shalt  }
0x76: {  	_ =	shalt  }
0x77: {  	_ =	shalt  }
0x78: {  	_ =	shalt  }
0x79: {  	_ =	shalt  }
0x7a: {  	_ =	shalt  }
0x7b: {  	_ =	shalt  }
0x7c: {  	_ =	shalt  }
0x7d: {  	_ =	shalt  }
0x7e: {  	_ =	shalt  }
0x7f: {  	_ =	shalt  }
0x80: {  	_ =	shalt  }
0x81: {  	_ =	shalt  }
0x82: {  	_ =	shalt  }
0x83: {  	_ =	shalt  }
0x84: {  	_ =	shalt  }
0x85: {  	_ =	shalt  }
0x86: {  	_ =	shalt  }
0x87: {  	_ =	shalt  }
.Lfunc_end0:
.L_simem_size_0:
called_computation_lowered:
.L_overlay_start_0:
0x88: {  	s2 =	sld [smem:$0x3FD9]  }
0x89: {  	s3 =	sld [smem:$0x3FFE];
	_ =	sdelay $0x1  }
0x8a: {  	s1 =	srdreg.scid  }
0x8b: {  	s0 =	sand.u32 $0x1, s1  }
0x8c: {  	s17 =	sshll.u32 s0, $0xA;
	s2 =	sadd.s32 s3, s2  }
0x8d: {  	s2 =	sadd.s32 s2, s17  }
0x8e: {  	[smem:$0x3FC6] =	sst s2  }
0x8f: {  	_ = 	snop  }
0x90: {  	s2 =	sld [smem:$0x3FD0];
	(tm) =	ssettm $0x1  }
0x91: {  	s18 =	sld [smem:$0x3FFB];
	_ =	sdelay $0x3  }
0x92: {  	_ =	strace s18  }
0x93: {  	s3 =	sld [smem:$0x3FFC];
	_ =	sdelay $0x3  }
0x94: {  	_ =	strace s3  }
0x95: {  	s3 =	sld [smem:$0x3FFD];
	_ =	sdelay $0x3  }
0x96: {  	_ =	strace s3  }
0x97: {  	_ =	strace $0x8FFFFFFF  }
0x98: {  	s19 =	sld [smem:$0x3FDB];
	_ =	sdelay $0x1  }
0x99: {  	s4 =	simm.s32 $_scs_section_size  }
0x9a: {  	s5 =	simm.s32 $_size__tile_overlayer_lowered;
	s6 =	simm.s32 $_tile_overlayer_lowered  }
0x9b: {  	s22 =	simm.s32 $0x1BFF;
	s21 =	sshll.u32 s6, $0x1;
	s3 =	sadd.s32 s4, s19  }
0x9c: {  	s7 =	simm.s32 $0x0;
	s20 =	sshll.u32 s5, $0x1;
	s5 =	sadd.s32 s21, s3  }
0x9d: {  	[timem:s7], [sflag:s22] =	dma.local [hbm:s5], s20  }
0x9e: {  	_ =	swait.ge [sflag:s22], s20  }
0x9f: {  	s4 =	ssub.s32 $0x0, s20;
	[sflag:s22] =	ssyncset.done $0x0  }
0xa0: {  	[sflag:s22] =	ssyncadd.s32 s4;
	_ =	sdelay $0x1  }
0xa1: {  	s23 =	simm.s32 $0x1B8B  }
0xa2: {  	_ =	swait.ge [sflag:s23], $0x1  }
0xa3: {  	[sflag:s23] =	ssyncset.done $0x0  }
0xa4: {  	s25 =	simm.s32 $0x1B8E;
	s24 =	sld [smem:$0x3FFE];
	[sflag:s23] =	ssyncadd.s32 $0xFFFFFFFF  }
0xa5: {  	s26 =	simm.s32 $execute0_lowered;
	[smem:$0x3FD2] =	sst s25  }
0xa6: {  	s5 =	sshll.u32 s26, $0x1;
	_ =	strace $0x80000046;
	[dreg:$0x1] =	wrdreg $0xFFFFFFFF  }
0xa7: {  	s28 =	simm.s32 $_size_execute0_lowered;
	s3 =	sadd.s32 s3, s5;
	[dreg:$0x0] =	wrdreg $0x0  }
0xa8: {  	s5 =	sshll.u32 s28, $0x1;
	[dreg:$0x2] =	wrdreg s3  }
0xa9: {  	[dreg:$0x3] =	wrdreg s5  }
0xaa: {  	[dreg:$0x4] =	wrdreg $0xC0  }
0xab: {  	_ =	task [dreg:s7], $0x5FFFF  }
0xac: {  	[dreg:$0x1] =	wrdreg $0xFFFFFFFF  }
0xad: {  	[dreg:$0x0] =	wrdreg $0x60  }
0xae: {  	[dreg:$0x2] =	wrdreg s2  }
0xaf: {  	[dreg:$0x3] =	wrdreg s24  }
0xb0: {  	[dreg:$0x4] =	wrdreg $0x9  }
0xb1: {  	_ =	task.clear_ibuf [dreg:s7], $0x5FFFF;
	_ =	strace $0x90000046  }
0xb2: {  	s29 =	simm.s32 $0x9;
	_ =	strace $0x80000048  }
0xb3: {  	_ =	swait.ge [sflag:s29], $0x1  }
0xb4: {  	[sflag:s29] =	ssyncadd.s32 $0xFFFFFFFF  }
0xb5: {  	_ =	strace $0x90000048  }
0xb6: {  	_ =	sfence  }
0xb7: {  	s30 =	sld [smem:$0x0];
	_ =	sdelay $0x2  }
0xb8: {  	s31 =	sshll.u32 s1, $0xD;
	s1 =	sshrl.u32 s1, $0x2  }
0xb9: {  	s3 =	sand.u32 $0x4000, s31;
	s1 =	sadd.s32 s1, s30  }
0xba: {  	s0 =	sor.u32 s3, s0;
	s1 =	sshll.u32 s1, $0x11  }
0xbb: {  	s0 =	sor.u32 s1, s0  }
0xbc: {  	s0 =	sadd.s32 $0x8F2B, s0  }
0xbd: {  	[sflag:s0] =	ssyncadd.remote.s32 $0x1  }
0xbe: {  	_ =	sfence.sel $0xFFFF  }
0xbf: {  	[dreg:$0x0] =	wrdreg $0xFFFFFFFF;
	(pc) =	sbr.abs _section_cstart, $3  }
0xc0: {  	[dreg:$0x1] =	wrdreg $0xFFFFFFFF  }
0xc1: {  	_ =	task.clear_ibuf [dreg:s7], $0x2FFFF;
	_ =	strace $0x9FFFFFFF  }
0xc2: {  	(tm) =	ssettm $0x7FFFFFFF  }
0xc3: {  	_ =	shalt  }
tec
execute0_lowered:
.L_overlay_start_1:
0x0: {  	(tag) =	ssettag $0x1  }
0x1: {  	s2 =	rddreg [dreg:$0x0];
	s1 =	srdreg.scid  }
0x2: {  	s0 =	stileid.u32;
	s4 =	rddreg [dreg:$0x1];
	s3 =	simm.s32 $0x0  }
0x3: {  	s9 =	simm.s32 $0x10;
	s10 =	simm.s32 $0x700;
	s11 =	simm.s32 $0x4700  }
0x4: {  	s12 =	simm.s32 $0x1;
	s13 =	simm.s32 $0x12;
	s14 =	simm.s32 $0x8700  }
0x5: {  	s15 =	simm.s32 $0xCF00;
	s16 =	simm.s32 $0x2;
	s17 =	simm.s32 $0x3  }
0x6: {  	s18 =	simm.s32 $0x4;
	s5 =	sand.u32 $0x1, s1;
	s6 =	sshll.u32 s0, $0x1  }
0x7: {  	s19 =	simm.s32 $0x0;
	s1 =	rddreg [dreg:$0x2];
	s6 =	sor.u32 s5, s6  }
0x8: {  	[smem:$0x7FF] =	sst s3;
	s5 =	ssub.s32 $0x2, s5;
	s7 =	smul.u32 $0xE0, s6  }
0x9: {  	_ =	strace $0x80000047;
	s8 =	sshrl.u32 s5, $0x1;
	s6 =	sshll.u32 s6, $0x5  }
0xa: {  	v1 =	vlaneseq.u32;
	s8 =	ssub.s32 s5, s8;
	s7 =	sadd.s32 s7, s4;
	s4 =	sadd.s32 $0x2000, s4  }
0xb: {  	v0 =	vadd.s32 $0x3D8, v1;
	v1 =	vadd.s32 $0x1C58, v1;
	s5 =	sadd.s32 $0x400, s7;
	s7 =	smax.u32 s8, $0x1;
	s8 =	simm.s32 $0x5  }
.LBB2_1:
0xc: {  	[tilespmem:s3], [sflag:$0x5] =	stream.linear.gather [hbm4b:s5+s3], $0x700, $0x38;
	[tilespmem:$0x1AF00] =	vst v63  }
0xd: {  	_ =	swait.ge [sflag:s8], $0x700  }
0xe: {  	[sflag:s8] =	ssyncset.done $0x0  }
0xf: {  	[sflag:s8] =	ssyncadd.s32 $0xFFFFF900  }
0x10: {  	[tilespmem:s10], [sflag:$0x1] =	stream.indirect.gather [hbm4b:s2+s9], $0x400, s3, s9, $0xb8;
	[tilespmem:$0x1AF00] =	vst v63  }
0x11: {  	s20 =	simm.s32 $0x0  }
0x12: {  	[tilespmem:s11], [sflag:$0x2] =	stream.indirect.gather [hbm4b:s2+s9], $0x400, s9, s9, $0xb8;
	[tilespmem:$0x1AF00] =	vst v63  }
.LBB2_2:
0x13: {  	s21 =	smul.u32 $0xE0, s20  }
0x14: {  	_ =	swait.ge [sflag:s12], $0x4000  }
0x15: {  	[sflag:s12] =	ssyncset.done $0x0;
	s21 =	sshra.s32 s21, $0x2  }
0x16: {  	p0 =	seq.s32 s20, $0x0;
	[sflag:s12] =	ssyncadd.s32 $0xFFFFC000;
	s21 =	sadd.s32 $0x20, s21  }
0x17: {  	[tilespmem:s14], [sflag:$0x3] =	stream.indirect.gather [hbm4b:s2+s13], $0x400, s21, s13, $0xb8;
	[tilespmem:$0x1AF00] =	vst v63  }
0x18: {  	s21 =	simm.s32 @!p0 $0x4  }
0x19: {  	s22 =	simm.s32 $0x8F0;
	_ =	swait.ge @!p0 [sflag:s21], $0xE000  }
0x1a: {  	s23 =	simm.s32 $0x0;
	s24 =	simm.s32 $0x0;
	[sflag:s21] =	ssyncset.done @!p0 $0x0  }
0x1b: {  	s25 =	simm.s32 $0x0;
	[sflag:s21] =	ssyncadd.s32 @!p0 $0xFFFF2000;
	s21 =	simm.s32 $0x0  }
.LBB2_3:
0x1c: {  	v2 =	vld [tilespmem:s22+$0xFFFFFE10];
	_ =	sdelay $0x2  }
0x1d: {  	s26 =	sand.u32 $0x2000, s23;
	s28 =	sand.u32 $0x380, s24  }
0x1e: {  	s26 =	sor.u32 s28, s26  }
0x1f: {  	[tilespmem:s26+$0xCF00] =	vst v2  }
0x20: {  	v2 =	vld [tilespmem:s22+$0xFFFFFE20];
	_ =	sdelay $0x4  }
0x21: {  	[tilespmem:s26+$0xCF10] =	vst v2  }
0x22: {  	v2 =	vld [tilespmem:s22+$0xFFFFFE30];
	_ =	sdelay $0x4  }
0x23: {  	[tilespmem:s26+$0xCF20] =	vst v2  }
0x24: {  	v2 =	vld [tilespmem:s22+$0xFFFFFE40];
	_ =	sdelay $0x4  }
0x25: {  	[tilespmem:s26+$0xCF30] =	vst v2  }
0x26: {  	v2 =	vld [tilespmem:s22+$0xFFFFFE50];
	_ =	sdelay $0x4  }
0x27: {  	[tilespmem:s26+$0xCF40] =	vst v2  }
0x28: {  	v2 =	vld [tilespmem:s22+$0xFFFFFE60];
	_ =	sdelay $0x4  }
0x29: {  	[tilespmem:s26+$0xCF50] =	vst v2  }
0x2a: {  	v2 =	vld [tilespmem:s22+$0xFFFFFE70];
	_ =	sdelay $0x4  }
0x2b: {  	[tilespmem:s26+$0xCF60] =	vst v2  }
0x2c: {  	v2 =	vld [tilespmem:s22+$0xFFFFFE80];
	_ =	sdelay $0x4  }
0x2d: {  	[tilespmem:s26+$0xCF70] =	vst v2  }
0x2e: {  	v2 =	vld [tilespmem:s22+$0xFFFFFE90];
	_ =	sdelay $0x4  }
0x2f: {  	[tilespmem:s26+$0xD300] =	vst v2  }
0x30: {  	v2 =	vld [tilespmem:s22+$0xFFFFFEA0];
	_ =	sdelay $0x4  }
0x31: {  	[tilespmem:s26+$0xD310] =	vst v2  }
0x32: {  	v2 =	vld [tilespmem:s22+$0xFFFFFEB0];
	_ =	sdelay $0x4  }
0x33: {  	[tilespmem:s26+$0xD320] =	vst v2  }
0x34: {  	v2 =	vld [tilespmem:s22+$0xFFFFFEC0];
	_ =	sdelay $0x4  }
0x35: {  	[tilespmem:s26+$0xD330] =	vst v2  }
0x36: {  	v2 =	vld [tilespmem:s22+$0xFFFFFED0];
	_ =	sdelay $0x4  }
0x37: {  	[tilespmem:s26+$0xD340] =	vst v2  }
0x38: {  	v2 =	vld [tilespmem:s22+$0xFFFFFEE0];
	_ =	sdelay $0x4  }
0x39: {  	[tilespmem:s26+$0xD350] =	vst v2  }
0x3a: {  	v2 =	vld [tilespmem:s22+$0xFFFFFEF0];
	_ =	sdelay $0x4  }
0x3b: {  	[tilespmem:s26+$0xD360] =	vst v2  }
0x3c: {  	v2 =	vld [tilespmem:s22+$0xFFFFFF00];
	_ =	sdelay $0x4  }
0x3d: {  	[tilespmem:s26+$0xD370] =	vst v2  }
0x3e: {  	v2 =	vld [tilespmem:s22+$0xFFFFFF10];
	_ =	sdelay $0x4  }
0x3f: {  	[tilespmem:s26+$0xD700] =	vst v2  }
0x40: {  	v2 =	vld [tilespmem:s22+$0xFFFFFF20];
	_ =	sdelay $0x4  }
0x41: {  	[tilespmem:s26+$0xD710] =	vst v2  }
0x42: {  	v2 =	vld [tilespmem:s22+$0xFFFFFF30];
	_ =	sdelay $0x4  }
0x43: {  	[tilespmem:s26+$0xD720] =	vst v2  }
0x44: {  	v2 =	vld [tilespmem:s22+$0xFFFFFF40];
	_ =	sdelay $0x4  }
0x45: {  	[tilespmem:s26+$0xD730] =	vst v2  }
0x46: {  	v2 =	vld [tilespmem:s22+$0xFFFFFF50];
	_ =	sdelay $0x4  }
0x47: {  	[tilespmem:s26+$0xD740] =	vst v2  }
0x48: {  	v2 =	vld [tilespmem:s22+$0xFFFFFF60];
	_ =	sdelay $0x4  }
0x49: {  	[tilespmem:s26+$0xD750] =	vst v2  }
0x4a: {  	v2 =	vld [tilespmem:s22+$0xFFFFFF70];
	_ =	sdelay $0x4  }
0x4b: {  	[tilespmem:s26+$0xD760] =	vst v2  }
0x4c: {  	v2 =	vld [tilespmem:s22+$0xFFFFFF80];
	_ =	sdelay $0x4  }
0x4d: {  	[tilespmem:s26+$0xD770] =	vst v2  }
0x4e: {  	v2 =	vld [tilespmem:s22+$0xFFFFFF90];
	_ =	sdelay $0x4  }
0x4f: {  	[tilespmem:s26+$0xDB00] =	vst v2  }
0x50: {  	v2 =	vld [tilespmem:s22+$0xFFFFFFA0];
	_ =	sdelay $0x4  }
0x51: {  	[tilespmem:s26+$0xDB10] =	vst v2  }
0x52: {  	v2 =	vld [tilespmem:s22+$0xFFFFFFB0];
	_ =	sdelay $0x4  }
0x53: {  	[tilespmem:s26+$0xDB20] =	vst v2  }
0x54: {  	v2 =	vld [tilespmem:s22+$0xFFFFFFC0];
	_ =	sdelay $0x4  }
0x55: {  	[tilespmem:s26+$0xDB30] =	vst v2  }
0x56: {  	v2 =	vld [tilespmem:s22+$0xFFFFFFD0];
	_ =	sdelay $0x4  }
0x57: {  	[tilespmem:s26+$0xDB40] =	vst v2  }
0x58: {  	v2 =	vld [tilespmem:s22+$0xFFFFFFE0];
	_ =	sdelay $0x4  }
0x59: {  	[tilespmem:s26+$0xDB50] =	vst v2  }
0x5a: {  	v2 =	vld [tilespmem:s22+$0xFFFFFFF0];
	_ =	sdelay $0x4  }
0x5b: {  	[tilespmem:s26+$0xDB60] =	vst v2  }
0x5c: {  	v2 =	vld [tilespmem:s22+$0x0];
	_ =	sdelay $0x4  }
0x5d: {  	[tilespmem:s26+$0xDB70] =	vst v2  }
0x5e: {  	v2 =	vld [tilespmem:s22+$0x10];
	_ =	sdelay $0x4  }
0x5f: {  	[tilespmem:s26+$0xDF00] =	vst v2  }
0x60: {  	v2 =	vld [tilespmem:s22+$0x20];
	_ =	sdelay $0x4  }
0x61: {  	[tilespmem:s26+$0xDF10] =	vst v2  }
0x62: {  	v2 =	vld [tilespmem:s22+$0x30];
	_ =	sdelay $0x4  }
0x63: {  	[tilespmem:s26+$0xDF20] =	vst v2  }
0x64: {  	v2 =	vld [tilespmem:s22+$0x40];
	_ =	sdelay $0x4  }
0x65: {  	[tilespmem:s26+$0xDF30] =	vst v2  }
0x66: {  	v2 =	vld [tilespmem:s22+$0x50];
	_ =	sdelay $0x4  }
0x67: {  	[tilespmem:s26+$0xDF40] =	vst v2  }
0x68: {  	v2 =	vld [tilespmem:s22+$0x60];
	_ =	sdelay $0x4  }
0x69: {  	[tilespmem:s26+$0xDF50] =	vst v2  }
0x6a: {  	v2 =	vld [tilespmem:s22+$0x70];
	_ =	sdelay $0x4  }
0x6b: {  	[tilespmem:s26+$0xDF60] =	vst v2  }
0x6c: {  	v2 =	vld [tilespmem:s22+$0x80];
	_ =	sdelay $0x4  }
0x6d: {  	[tilespmem:s26+$0xDF70] =	vst v2  }
0x6e: {  	v2 =	vld [tilespmem:s22+$0x90];
	_ =	sdelay $0x4  }
0x6f: {  	[tilespmem:s26+$0xE300] =	vst v2  }
0x70: {  	v2 =	vld [tilespmem:s22+$0xA0];
	_ =	sdelay $0x4  }
0x71: {  	[tilespmem:s26+$0xE310] =	vst v2  }
0x72: {  	v2 =	vld [tilespmem:s22+$0xB0];
	_ =	sdelay $0x4  }
0x73: {  	[tilespmem:s26+$0xE320] =	vst v2  }
0x74: {  	v2 =	vld [tilespmem:s22+$0xC0];
	_ =	sdelay $0x4  }
0x75: {  	[tilespmem:s26+$0xE330] =	vst v2  }
0x76: {  	v2 =	vld [tilespmem:s22+$0xD0];
	_ =	sdelay $0x4  }
0x77: {  	[tilespmem:s26+$0xE340] =	vst v2  }
0x78: {  	v2 =	vld [tilespmem:s22+$0xE0];
	_ =	sdelay $0x4  }
0x79: {  	[tilespmem:s26+$0xE350] =	vst v2  }
0x7a: {  	v2 =	vld [tilespmem:s22+$0xF0];
	_ =	sdelay $0x4  }
0x7b: {  	[tilespmem:s26+$0xE360] =	vst v2  }
0x7c: {  	v2 =	vld [tilespmem:s22+$0x100];
	_ =	sdelay $0x4  }
0x7d: {  	[tilespmem:s26+$0xE370] =	vst v2  }
0x7e: {  	v2 =	vld [tilespmem:s22+$0x110];
	_ =	sdelay $0x4  }
0x7f: {  	[tilespmem:s26+$0xE700] =	vst v2  }
0x80: {  	v2 =	vld [tilespmem:s22+$0x120];
	_ =	sdelay $0x4  }
0x81: {  	[tilespmem:s26+$0xE710] =	vst v2  }
0x82: {  	v2 =	vld [tilespmem:s22+$0x130];
	_ =	sdelay $0x4  }
0x83: {  	[tilespmem:s26+$0xE720] =	vst v2  }
0x84: {  	v2 =	vld [tilespmem:s22+$0x140];
	_ =	sdelay $0x4  }
0x85: {  	[tilespmem:s26+$0xE730] =	vst v2  }
0x86: {  	v2 =	vld [tilespmem:s22+$0x150];
	_ =	sdelay $0x4  }
0x87: {  	[tilespmem:s26+$0xE740] =	vst v2  }
0x88: {  	v2 =	vld [tilespmem:s22+$0x160];
	_ =	sdelay $0x4  }
0x89: {  	[tilespmem:s26+$0xE750] =	vst v2  }
0x8a: {  	v2 =	vld [tilespmem:s22+$0x170];
	_ =	sdelay $0x4  }
0x8b: {  	[tilespmem:s26+$0xE760] =	vst v2  }
0x8c: {  	v2 =	vld [tilespmem:s22+$0x180];
	_ =	sdelay $0x4  }
0x8d: {  	[tilespmem:s26+$0xE770] =	vst v2  }
0x8e: {  	v2 =	vld [tilespmem:s22+$0x190]  }
0x8f: {  	s29 =	sand.u32 $0x7, s21  }
0x90: {  	s26 =	sshll.u32 s29, $0x7  }
0x91: {  	s26 =	sadd.s32 s26, s23  }
0x92: {  	s30 =	sor.u32 $0x1C00, s26  }
0x93: {  	[tilespmem:s30+$0xCF00] =	vst v2  }
0x94: {  	v2 =	vld [tilespmem:s22+$0x1A0];
	_ =	sdelay $0x3  }
0x95: {  	s31 =	sor.u32 $0x1C10, s26  }
0x96: {  	[tilespmem:s31+$0xCF00] =	vst v2  }
0x97: {  	v2 =	vld [tilespmem:s22+$0x1B0];
	_ =	sdelay $0x3  }
0x98: {  	s29 =	sor.u32 $0x1C20, s26  }
0x99: {  	[tilespmem:s29+$0xCF00] =	vst v2  }
0x9a: {  	v2 =	vld [tilespmem:s22+$0x1C0];
	_ =	sdelay $0x3  }
0x9b: {  	s30 =	sor.u32 $0x1C30, s26  }
0x9c: {  	[tilespmem:s30+$0xCF00] =	vst v2  }
0x9d: {  	v2 =	vld [tilespmem:s22+$0x1D0];
	_ =	sdelay $0x3  }
0x9e: {  	s31 =	sor.u32 $0x1C40, s26  }
0x9f: {  	[tilespmem:s31+$0xCF00] =	vst v2;
	v2 =	vmov s25  }
0xa0: {  	v3 =	vld [tilespmem:s22+$0x1E0];
	v4 =	vshll.u32 v2, $0xA  }
0xa1: {  	v5 =	vor.u32 v0, v4;
	_ =	sdelay $0x1  }
0xa2: {  	v2 =	vshll.u32 v2, $0x7  }
0xa3: {  	s26 =	sor.u32 $0x1C50, s26;
	v2 =	vand.u32 $0x380, v2  }
0xa4: {  	v2 =	vor.u32 v2, v4;
	[tilespmem:s26+$0xCF00] =	vst v3  }
0xa5: {  	p0 =	sne.s32 s25, $0xF;
	v2 =	vor.u32 v1, v2;
	v3 =	vld.idx.msk [tilespmem:v5+s10+$0x0], $0xffff  }
.Ltmp0:
0xa6: {  	_ = 	snop;
	(pc) =	sbr.rel @p0 .LBB2_3-.Ltmp0, $3  }
0xa7: {  	_ =	sdelay $0x1  }
0xa8: {  	s24 =	sadd.s32 $0x80, s24;
	s21 =	sadd.s32 $0x1, s21  }
0xa9: {  	s23 =	sadd.s32 $0x400, s23;
	s25 =	sadd.s32 $0x1, s25;
	s22 =	sadd.s32 $0x400, s22;
	[tilespmem:v2+s15+$0x0] =	vst.idx.msk $0xffff, v3  }
0xaa: {  	s21 =	sadd.s32 $0x1, s20;
	p0 =	seq.s32 s20, $0x1F  }
0xab: {  	s22 =	smul.u32 @!p0 $0xE0, s21;
	_ =	sdelay $0x1  }
0xac: {  	s23 =	simm.s32 @!p0 $0x10;
	s24 =	simm.s32 @!p0 $0x700;
	s22 =	sshra.s32 @!p0 s22, $0x2  }
0xad: {  	[tilespmem:s24], [sflag:$0x1] =	stream.indirect.gather @!p0 [hbm4b:s2+s23], $0x400, s22, s23, $0xb8;
	[tilespmem:$0x1AF00] =	vst v63  }
0xae: {  	s25 =	simm.s32 $0x4000;
	_ =	swait.ge [sflag:s16], $0x4000  }
0xaf: {  	s26 =	simm.s32 $0x0;
	s28 =	simm.s32 $0x0;
	[sflag:s16] =	ssyncset.done $0x0  }
0xb0: {  	s23 =	simm.s32 $0x0;
	s24 =	simm.s32 $0x10;
	[sflag:s16] =	ssyncadd.s32 $0xFFFFC000  }
.LBB2_5:
0xb1: {  	s29 =	sshra.s32 s28, $0x2  }
0xb2: {  	v2 =	vld [tilespmem:s29+$0x4700];
	_ =	sdelay $0x2  }
0xb3: {  	s30 =	sand.u32 $0x6000, s25;
	s31 =	sand.u32 $0x380, s26  }
0xb4: {  	s30 =	sor.u32 s31, s30  }
0xb5: {  	[tilespmem:s30+$0xCF00] =	vst v2  }
0xb6: {  	v2 =	vld [tilespmem:s29+$0x4710];
	_ =	sdelay $0x4  }
0xb7: {  	[tilespmem:s30+$0xCF10] =	vst v2  }
0xb8: {  	v2 =	vld [tilespmem:s29+$0x4720];
	_ =	sdelay $0x4  }
0xb9: {  	[tilespmem:s30+$0xCF20] =	vst v2  }
0xba: {  	v2 =	vld [tilespmem:s29+$0x4730];
	_ =	sdelay $0x4  }
0xbb: {  	[tilespmem:s30+$0xCF30] =	vst v2  }
0xbc: {  	v2 =	vld [tilespmem:s29+$0x4740];
	_ =	sdelay $0x4  }
0xbd: {  	[tilespmem:s30+$0xCF40] =	vst v2  }
0xbe: {  	v2 =	vld [tilespmem:s29+$0x4750];
	_ =	sdelay $0x4  }
0xbf: {  	[tilespmem:s30+$0xCF50] =	vst v2  }
0xc0: {  	v2 =	vld [tilespmem:s29+$0x4760];
	_ =	sdelay $0x4  }
0xc1: {  	[tilespmem:s30+$0xCF60] =	vst v2  }
0xc2: {  	v2 =	vld [tilespmem:s29+$0x4770];
	_ =	sdelay $0x4  }
0xc3: {  	[tilespmem:s30+$0xCF70] =	vst v2  }
0xc4: {  	v2 =	vld [tilespmem:s29+$0x4780];
	_ =	sdelay $0x4  }
0xc5: {  	[tilespmem:s30+$0xD300] =	vst v2  }
0xc6: {  	v2 =	vld [tilespmem:s29+$0x4790];
	_ =	sdelay $0x4  }
0xc7: {  	[tilespmem:s30+$0xD310] =	vst v2  }
0xc8: {  	v2 =	vld [tilespmem:s29+$0x47A0];
	_ =	sdelay $0x4  }
0xc9: {  	[tilespmem:s30+$0xD320] =	vst v2  }
0xca: {  	v2 =	vld [tilespmem:s29+$0x47B0];
	_ =	sdelay $0x4  }
0xcb: {  	[tilespmem:s30+$0xD330] =	vst v2  }
0xcc: {  	v2 =	vld [tilespmem:s29+$0x47C0];
	_ =	sdelay $0x4  }
0xcd: {  	[tilespmem:s30+$0xD340] =	vst v2  }
0xce: {  	v2 =	vld [tilespmem:s29+$0x47D0];
	_ =	sdelay $0x4  }
0xcf: {  	[tilespmem:s30+$0xD350] =	vst v2  }
0xd0: {  	v2 =	vld [tilespmem:s29+$0x47E0];
	_ =	sdelay $0x4  }
0xd1: {  	[tilespmem:s30+$0xD360] =	vst v2  }
0xd2: {  	v2 =	vld [tilespmem:s29+$0x47F0];
	_ =	sdelay $0x4  }
0xd3: {  	[tilespmem:s30+$0xD370] =	vst v2  }
0xd4: {  	v2 =	vld [tilespmem:s29+$0x4800];
	_ =	sdelay $0x4  }
0xd5: {  	[tilespmem:s30+$0xD700] =	vst v2  }
0xd6: {  	v2 =	vld [tilespmem:s29+$0x4810];
	_ =	sdelay $0x4  }
0xd7: {  	[tilespmem:s30+$0xD710] =	vst v2  }
0xd8: {  	v2 =	vld [tilespmem:s29+$0x4820];
	_ =	sdelay $0x4  }
0xd9: {  	[tilespmem:s30+$0xD720] =	vst v2  }
0xda: {  	v2 =	vld [tilespmem:s29+$0x4830];
	_ =	sdelay $0x4  }
0xdb: {  	[tilespmem:s30+$0xD730] =	vst v2  }
0xdc: {  	v2 =	vld [tilespmem:s29+$0x4840];
	_ =	sdelay $0x4  }
0xdd: {  	[tilespmem:s30+$0xD740] =	vst v2  }
0xde: {  	v2 =	vld [tilespmem:s29+$0x4850];
	_ =	sdelay $0x4  }
0xdf: {  	[tilespmem:s30+$0xD750] =	vst v2  }
0xe0: {  	v2 =	vld [tilespmem:s29+$0x4860];
	_ =	sdelay $0x4  }
0xe1: {  	[tilespmem:s30+$0xD760] =	vst v2  }
0xe2: {  	v2 =	vld [tilespmem:s29+$0x4870];
	_ =	sdelay $0x4  }
0xe3: {  	[tilespmem:s30+$0xD770] =	vst v2  }
0xe4: {  	v2 =	vld [tilespmem:s29+$0x4880];
	_ =	sdelay $0x4  }
0xe5: {  	[tilespmem:s30+$0xDB00] =	vst v2  }
0xe6: {  	v2 =	vld [tilespmem:s29+$0x4890];
	_ =	sdelay $0x4  }
0xe7: {  	[tilespmem:s30+$0xDB10] =	vst v2  }
0xe8: {  	v2 =	vld [tilespmem:s29+$0x48A0];
	_ =	sdelay $0x4  }
0xe9: {  	[tilespmem:s30+$0xDB20] =	vst v2  }
0xea: {  	v2 =	vld [tilespmem:s29+$0x48B0];
	_ =	sdelay $0x4  }
0xeb: {  	[tilespmem:s30+$0xDB30] =	vst v2  }
0xec: {  	v2 =	vld [tilespmem:s29+$0x48C0];
	_ =	sdelay $0x4  }
0xed: {  	[tilespmem:s30+$0xDB40] =	vst v2  }
0xee: {  	v2 =	vld [tilespmem:s29+$0x48D0];
	_ =	sdelay $0x4  }
0xef: {  	[tilespmem:s30+$0xDB50] =	vst v2  }
0xf0: {  	v2 =	vld [tilespmem:s29+$0x48E0];
	_ =	sdelay $0x4  }
0xf1: {  	[tilespmem:s30+$0xDB60] =	vst v2  }
0xf2: {  	v2 =	vld [tilespmem:s29+$0x48F0];
	_ =	sdelay $0x4  }
0xf3: {  	[tilespmem:s30+$0xDB70] =	vst v2  }
0xf4: {  	v2 =	vld [tilespmem:s29+$0x4900];
	_ =	sdelay $0x4  }
0xf5: {  	[tilespmem:s30+$0xDF00] =	vst v2  }
0xf6: {  	v2 =	vld [tilespmem:s29+$0x4910];
	_ =	sdelay $0x4  }
0xf7: {  	[tilespmem:s30+$0xDF10] =	vst v2  }
0xf8: {  	v2 =	vld [tilespmem:s29+$0x4920];
	_ =	sdelay $0x4  }
0xf9: {  	[tilespmem:s30+$0xDF20] =	vst v2  }
0xfa: {  	v2 =	vld [tilespmem:s29+$0x4930];
	_ =	sdelay $0x4  }
0xfb: {  	[tilespmem:s30+$0xDF30] =	vst v2  }
0xfc: {  	v2 =	vld [tilespmem:s29+$0x4940];
	_ =	sdelay $0x4  }
0xfd: {  	[tilespmem:s30+$0xDF40] =	vst v2  }
0xfe: {  	v2 =	vld [tilespmem:s29+$0x4950];
	_ =	sdelay $0x4  }
0xff: {  	[tilespmem:s30+$0xDF50] =	vst v2  }
0x100: {  	v2 =	vld [tilespmem:s29+$0x4960];
	_ =	sdelay $0x4  }
0x101: {  	[tilespmem:s30+$0xDF60] =	vst v2  }
0x102: {  	v2 =	vld [tilespmem:s29+$0x4970];
	_ =	sdelay $0x4  }
0x103: {  	[tilespmem:s30+$0xDF70] =	vst v2  }
0x104: {  	v2 =	vld [tilespmem:s29+$0x4980];
	_ =	sdelay $0x4  }
0x105: {  	[tilespmem:s30+$0xE300] =	vst v2  }
0x106: {  	v2 =	vld [tilespmem:s29+$0x4990];
	_ =	sdelay $0x4  }
0x107: {  	[tilespmem:s30+$0xE310] =	vst v2  }
0x108: {  	v2 =	vld [tilespmem:s29+$0x49A0];
	_ =	sdelay $0x4  }
0x109: {  	[tilespmem:s30+$0xE320] =	vst v2  }
0x10a: {  	v2 =	vld [tilespmem:s29+$0x49B0];
	_ =	sdelay $0x4  }
0x10b: {  	[tilespmem:s30+$0xE330] =	vst v2  }
0x10c: {  	v2 =	vld [tilespmem:s29+$0x49C0];
	_ =	sdelay $0x4  }
0x10d: {  	[tilespmem:s30+$0xE340] =	vst v2  }
0x10e: {  	v2 =	vld [tilespmem:s29+$0x49D0];
	_ =	sdelay $0x4  }
0x10f: {  	[tilespmem:s30+$0xE350] =	vst v2  }
0x110: {  	v2 =	vld [tilespmem:s29+$0x49E0];
	_ =	sdelay $0x4  }
0x111: {  	[tilespmem:s30+$0xE360] =	vst v2  }
0x112: {  	v2 =	vld [tilespmem:s29+$0x49F0];
	_ =	sdelay $0x4  }
0x113: {  	[tilespmem:s30+$0xE370] =	vst v2  }
0x114: {  	v2 =	vld [tilespmem:s29+$0x4A00];
	_ =	sdelay $0x4  }
0x115: {  	[tilespmem:s30+$0xE700] =	vst v2  }
0x116: {  	v2 =	vld [tilespmem:s29+$0x4A10];
	_ =	sdelay $0x4  }
0x117: {  	[tilespmem:s30+$0xE710] =	vst v2  }
0x118: {  	v2 =	vld [tilespmem:s29+$0x4A20];
	_ =	sdelay $0x4  }
0x119: {  	[tilespmem:s30+$0xE720] =	vst v2  }
0x11a: {  	v2 =	vld [tilespmem:s29+$0x4A30];
	_ =	sdelay $0x4  }
0x11b: {  	[tilespmem:s30+$0xE730] =	vst v2  }
0x11c: {  	v2 =	vld [tilespmem:s29+$0x4A40];
	_ =	sdelay $0x4  }
0x11d: {  	[tilespmem:s30+$0xE740] =	vst v2  }
0x11e: {  	v2 =	vld [tilespmem:s29+$0x4A50];
	_ =	sdelay $0x4  }
0x11f: {  	[tilespmem:s30+$0xE750] =	vst v2  }
0x120: {  	v2 =	vld [tilespmem:s29+$0x4A60];
	_ =	sdelay $0x4  }
0x121: {  	[tilespmem:s30+$0xE760] =	vst v2  }
0x122: {  	v2 =	vld [tilespmem:s29+$0x4A70];
	_ =	sdelay $0x4  }
0x123: {  	[tilespmem:s30+$0xE770] =	vst v2  }
0x124: {  	v2 =	vld [tilespmem:s29+$0x4A80]  }
0x125: {  	s31 =	sand.u32 $0x7, s23  }
0x126: {  	s30 =	sshll.u32 s31, $0x7  }
0x127: {  	s30 =	sadd.s32 s25, s30  }
0x128: {  	s31 =	sor.u32 $0x1C00, s30  }
0x129: {  	[tilespmem:s31+$0xCF00] =	vst v2  }
0x12a: {  	v2 =	vld [tilespmem:s29+$0x4A90];
	_ =	sdelay $0x3  }
0x12b: {  	s31 =	sor.u32 $0x1C10, s30  }
0x12c: {  	[tilespmem:s31+$0xCF00] =	vst v2  }
0x12d: {  	v2 =	vld [tilespmem:s29+$0x4AA0];
	_ =	sdelay $0x3  }
0x12e: {  	s31 =	sor.u32 $0x1C20, s30  }
0x12f: {  	[tilespmem:s31+$0xCF00] =	vst v2  }
0x130: {  	v2 =	vld [tilespmem:s29+$0x4AB0];
	_ =	sdelay $0x3  }
0x131: {  	s31 =	sor.u32 $0x1C30, s30  }
0x132: {  	[tilespmem:s31+$0xCF00] =	vst v2  }
0x133: {  	v2 =	vld [tilespmem:s29+$0x4AC0];
	_ =	sdelay $0x3  }
0x134: {  	s31 =	sor.u32 $0x1C40, s30  }
0x135: {  	[tilespmem:s31+$0xCF00] =	vst v2;
	v2 =	vmov s24  }
0x136: {  	v3 =	vld [tilespmem:s29+$0x4AD0];
	v4 =	vshll.u32 v2, $0xA  }
0x137: {  	v5 =	vor.u32 v0, v4;
	_ =	sdelay $0x1  }
0x138: {  	v2 =	vshll.u32 v2, $0x7  }
0x139: {  	s31 =	sor.u32 $0x1C50, s30;
	v2 =	vand.u32 $0x380, v2  }
0x13a: {  	v2 =	vor.u32 v2, v4;
	[tilespmem:s31+$0xCF00] =	vst v3  }
0x13b: {  	p1 =	sne.s32 s28, $0xF000;
	v2 =	vor.u32 v1, v2;
	v3 =	vld.idx.msk [tilespmem:v5+s10+$0x0], $0xffff  }
.Ltmp1:
0x13c: {  	_ = 	snop;
	(pc) =	sbr.rel @p1 .LBB2_5-.Ltmp1, $3  }
0x13d: {  	_ =	sdelay $0x1  }
0x13e: {  	s26 =	sadd.s32 $0x80, s26;
	s28 =	sadd.s32 $0x1000, s28  }
0x13f: {  	s23 =	sadd.s32 $0x1, s23;
	s25 =	sadd.s32 $0x400, s25;
	s24 =	sadd.s32 $0x1, s24;
	[tilespmem:v2+s15+$0x0] =	vst.idx.msk $0xffff, v3  }
0x140: {  	s22 =	sadd.s32 @!p0 $0x10, s22;
	s23 =	simm.s32 @!p0 $0x10;
	s24 =	simm.s32 @!p0 $0x4700  }
0x141: {  	[tilespmem:s24], [sflag:$0x2] =	stream.indirect.gather @!p0 [hbm4b:s2+s23], $0x400, s22, s23, $0xb8;
	[tilespmem:$0x1AF00] =	vst v63  }
0x142: {  	s25 =	simm.s32 $0x0;
	_ =	swait.ge [sflag:s17], $0x4800  }
0x143: {  	s26 =	simm.s32 $0x0;
	s22 =	simm.s32 $0x0;
	[sflag:s17] =	ssyncset.done $0x0  }
0x144: {  	s23 =	simm.s32 $0x20;
	s24 =	simm.s32 $0x8000;
	[sflag:s17] =	ssyncadd.s32 $0xFFFFB800  }
.LBB2_7:
0x145: {  	s28 =	sshra.s32 s26, $0x2  }
0x146: {  	v2 =	vld [tilespmem:s28+$0x8700];
	_ =	sdelay $0x2  }
0x147: {  	s29 =	sand.u32 $0xE000, s24;
	s30 =	sand.u32 $0x380, s25  }
0x148: {  	s29 =	sor.u32 s30, s29  }
0x149: {  	[tilespmem:s29+$0xCF00] =	vst v2  }
0x14a: {  	v2 =	vld [tilespmem:s28+$0x8710];
	_ =	sdelay $0x4  }
0x14b: {  	[tilespmem:s29+$0xCF10] =	vst v2  }
0x14c: {  	v2 =	vld [tilespmem:s28+$0x8720];
	_ =	sdelay $0x4  }
0x14d: {  	[tilespmem:s29+$0xCF20] =	vst v2  }
0x14e: {  	v2 =	vld [tilespmem:s28+$0x8730];
	_ =	sdelay $0x4  }
0x14f: {  	[tilespmem:s29+$0xCF30] =	vst v2  }
0x150: {  	v2 =	vld [tilespmem:s28+$0x8740];
	_ =	sdelay $0x4  }
0x151: {  	[tilespmem:s29+$0xCF40] =	vst v2  }
0x152: {  	v2 =	vld [tilespmem:s28+$0x8750];
	_ =	sdelay $0x4  }
0x153: {  	[tilespmem:s29+$0xCF50] =	vst v2  }
0x154: {  	v2 =	vld [tilespmem:s28+$0x8760];
	_ =	sdelay $0x4  }
0x155: {  	[tilespmem:s29+$0xCF60] =	vst v2  }
0x156: {  	v2 =	vld [tilespmem:s28+$0x8770];
	_ =	sdelay $0x4  }
0x157: {  	[tilespmem:s29+$0xCF70] =	vst v2  }
0x158: {  	v2 =	vld [tilespmem:s28+$0x8780];
	_ =	sdelay $0x4  }
0x159: {  	[tilespmem:s29+$0xD300] =	vst v2  }
0x15a: {  	v2 =	vld [tilespmem:s28+$0x8790];
	_ =	sdelay $0x4  }
0x15b: {  	[tilespmem:s29+$0xD310] =	vst v2  }
0x15c: {  	v2 =	vld [tilespmem:s28+$0x87A0];
	_ =	sdelay $0x4  }
0x15d: {  	[tilespmem:s29+$0xD320] =	vst v2  }
0x15e: {  	v2 =	vld [tilespmem:s28+$0x87B0];
	_ =	sdelay $0x4  }
0x15f: {  	[tilespmem:s29+$0xD330] =	vst v2  }
0x160: {  	v2 =	vld [tilespmem:s28+$0x87C0];
	_ =	sdelay $0x4  }
0x161: {  	[tilespmem:s29+$0xD340] =	vst v2  }
0x162: {  	v2 =	vld [tilespmem:s28+$0x87D0];
	_ =	sdelay $0x4  }
0x163: {  	[tilespmem:s29+$0xD350] =	vst v2  }
0x164: {  	v2 =	vld [tilespmem:s28+$0x87E0];
	_ =	sdelay $0x4  }
0x165: {  	[tilespmem:s29+$0xD360] =	vst v2  }
0x166: {  	v2 =	vld [tilespmem:s28+$0x87F0];
	_ =	sdelay $0x4  }
0x167: {  	[tilespmem:s29+$0xD370] =	vst v2  }
0x168: {  	v2 =	vld [tilespmem:s28+$0x8800];
	_ =	sdelay $0x4  }
0x169: {  	[tilespmem:s29+$0xD700] =	vst v2  }
0x16a: {  	v2 =	vld [tilespmem:s28+$0x8810];
	_ =	sdelay $0x4  }
0x16b: {  	[tilespmem:s29+$0xD710] =	vst v2  }
0x16c: {  	v2 =	vld [tilespmem:s28+$0x8820];
	_ =	sdelay $0x4  }
0x16d: {  	[tilespmem:s29+$0xD720] =	vst v2  }
0x16e: {  	v2 =	vld [tilespmem:s28+$0x8830];
	_ =	sdelay $0x4  }
0x16f: {  	[tilespmem:s29+$0xD730] =	vst v2  }
0x170: {  	v2 =	vld [tilespmem:s28+$0x8840];
	_ =	sdelay $0x4  }
0x171: {  	[tilespmem:s29+$0xD740] =	vst v2  }
0x172: {  	v2 =	vld [tilespmem:s28+$0x8850];
	_ =	sdelay $0x4  }
0x173: {  	[tilespmem:s29+$0xD750] =	vst v2  }
0x174: {  	v2 =	vld [tilespmem:s28+$0x8860];
	_ =	sdelay $0x4  }
0x175: {  	[tilespmem:s29+$0xD760] =	vst v2  }
0x176: {  	v2 =	vld [tilespmem:s28+$0x8870];
	_ =	sdelay $0x4  }
0x177: {  	[tilespmem:s29+$0xD770] =	vst v2  }
0x178: {  	v2 =	vld [tilespmem:s28+$0x8880];
	_ =	sdelay $0x4  }
0x179: {  	[tilespmem:s29+$0xDB00] =	vst v2  }
0x17a: {  	v2 =	vld [tilespmem:s28+$0x8890];
	_ =	sdelay $0x4  }
0x17b: {  	[tilespmem:s29+$0xDB10] =	vst v2  }
0x17c: {  	v2 =	vld [tilespmem:s28+$0x88A0];
	_ =	sdelay $0x4  }
0x17d: {  	[tilespmem:s29+$0xDB20] =	vst v2  }
0x17e: {  	v2 =	vld [tilespmem:s28+$0x88B0];
	_ =	sdelay $0x4  }
0x17f: {  	[tilespmem:s29+$0xDB30] =	vst v2  }
0x180: {  	v2 =	vld [tilespmem:s28+$0x88C0];
	_ =	sdelay $0x4  }
0x181: {  	[tilespmem:s29+$0xDB40] =	vst v2  }
0x182: {  	v2 =	vld [tilespmem:s28+$0x88D0];
	_ =	sdelay $0x4  }
0x183: {  	[tilespmem:s29+$0xDB50] =	vst v2  }
0x184: {  	v2 =	vld [tilespmem:s28+$0x88E0];
	_ =	sdelay $0x4  }
0x185: {  	[tilespmem:s29+$0xDB60] =	vst v2  }
0x186: {  	v2 =	vld [tilespmem:s28+$0x88F0];
	_ =	sdelay $0x4  }
0x187: {  	[tilespmem:s29+$0xDB70] =	vst v2  }
0x188: {  	v2 =	vld [tilespmem:s28+$0x8900];
	_ =	sdelay $0x4  }
0x189: {  	[tilespmem:s29+$0xDF00] =	vst v2  }
0x18a: {  	v2 =	vld [tilespmem:s28+$0x8910];
	_ =	sdelay $0x4  }
0x18b: {  	[tilespmem:s29+$0xDF10] =	vst v2  }
0x18c: {  	v2 =	vld [tilespmem:s28+$0x8920];
	_ =	sdelay $0x4  }
0x18d: {  	[tilespmem:s29+$0xDF20] =	vst v2  }
0x18e: {  	v2 =	vld [tilespmem:s28+$0x8930];
	_ =	sdelay $0x4  }
0x18f: {  	[tilespmem:s29+$0xDF30] =	vst v2  }
0x190: {  	v2 =	vld [tilespmem:s28+$0x8940];
	_ =	sdelay $0x4  }
0x191: {  	[tilespmem:s29+$0xDF40] =	vst v2  }
0x192: {  	v2 =	vld [tilespmem:s28+$0x8950];
	_ =	sdelay $0x4  }
0x193: {  	[tilespmem:s29+$0xDF50] =	vst v2  }
0x194: {  	v2 =	vld [tilespmem:s28+$0x8960];
	_ =	sdelay $0x4  }
0x195: {  	[tilespmem:s29+$0xDF60] =	vst v2  }
0x196: {  	v2 =	vld [tilespmem:s28+$0x8970];
	_ =	sdelay $0x4  }
0x197: {  	[tilespmem:s29+$0xDF70] =	vst v2  }
0x198: {  	v2 =	vld [tilespmem:s28+$0x8980];
	_ =	sdelay $0x4  }
0x199: {  	[tilespmem:s29+$0xE300] =	vst v2  }
0x19a: {  	v2 =	vld [tilespmem:s28+$0x8990];
	_ =	sdelay $0x4  }
0x19b: {  	[tilespmem:s29+$0xE310] =	vst v2  }
0x19c: {  	v2 =	vld [tilespmem:s28+$0x89A0];
	_ =	sdelay $0x4  }
0x19d: {  	[tilespmem:s29+$0xE320] =	vst v2  }
0x19e: {  	v2 =	vld [tilespmem:s28+$0x89B0];
	_ =	sdelay $0x4  }
0x19f: {  	[tilespmem:s29+$0xE330] =	vst v2  }
0x1a0: {  	v2 =	vld [tilespmem:s28+$0x89C0];
	_ =	sdelay $0x4  }
0x1a1: {  	[tilespmem:s29+$0xE340] =	vst v2  }
0x1a2: {  	v2 =	vld [tilespmem:s28+$0x89D0];
	_ =	sdelay $0x4  }
0x1a3: {  	[tilespmem:s29+$0xE350] =	vst v2  }
0x1a4: {  	v2 =	vld [tilespmem:s28+$0x89E0];
	_ =	sdelay $0x4  }
0x1a5: {  	[tilespmem:s29+$0xE360] =	vst v2  }
0x1a6: {  	v2 =	vld [tilespmem:s28+$0x89F0];
	_ =	sdelay $0x4  }
0x1a7: {  	[tilespmem:s29+$0xE370] =	vst v2  }
0x1a8: {  	v2 =	vld [tilespmem:s28+$0x8A00];
	_ =	sdelay $0x4  }
0x1a9: {  	[tilespmem:s29+$0xE700] =	vst v2  }
0x1aa: {  	v2 =	vld [tilespmem:s28+$0x8A10];
	_ =	sdelay $0x4  }
0x1ab: {  	[tilespmem:s29+$0xE710] =	vst v2  }
0x1ac: {  	v2 =	vld [tilespmem:s28+$0x8A20];
	_ =	sdelay $0x4  }
0x1ad: {  	[tilespmem:s29+$0xE720] =	vst v2  }
0x1ae: {  	v2 =	vld [tilespmem:s28+$0x8A30];
	_ =	sdelay $0x4  }
0x1af: {  	[tilespmem:s29+$0xE730] =	vst v2  }
0x1b0: {  	v2 =	vld [tilespmem:s28+$0x8A40];
	_ =	sdelay $0x4  }
0x1b1: {  	[tilespmem:s29+$0xE740] =	vst v2  }
0x1b2: {  	v2 =	vld [tilespmem:s28+$0x8A50];
	_ =	sdelay $0x4  }
0x1b3: {  	[tilespmem:s29+$0xE750] =	vst v2  }
0x1b4: {  	v2 =	vld [tilespmem:s28+$0x8A60];
	_ =	sdelay $0x4  }
0x1b5: {  	[tilespmem:s29+$0xE760] =	vst v2  }
0x1b6: {  	v2 =	vld [tilespmem:s28+$0x8A70];
	_ =	sdelay $0x4  }
0x1b7: {  	[tilespmem:s29+$0xE770] =	vst v2  }
0x1b8: {  	v2 =	vld [tilespmem:s28+$0x8A80]  }
0x1b9: {  	s30 =	sand.u32 $0x7, s22  }
0x1ba: {  	s29 =	sshll.u32 s30, $0x7  }
0x1bb: {  	s29 =	sadd.s32 s24, s29  }
0x1bc: {  	s31 =	sor.u32 $0x1C00, s29  }
0x1bd: {  	[tilespmem:s31+$0xCF00] =	vst v2  }
0x1be: {  	v2 =	vld [tilespmem:s28+$0x8A90];
	_ =	sdelay $0x3  }
0x1bf: {  	s31 =	sor.u32 $0x1C10, s29  }
0x1c0: {  	[tilespmem:s31+$0xCF00] =	vst v2  }
0x1c1: {  	v2 =	vld [tilespmem:s28+$0x8AA0];
	_ =	sdelay $0x3  }
0x1c2: {  	s31 =	sor.u32 $0x1C20, s29  }
0x1c3: {  	[tilespmem:s31+$0xCF00] =	vst v2  }
0x1c4: {  	v2 =	vld [tilespmem:s28+$0x8AB0];
	_ =	sdelay $0x3  }
0x1c5: {  	s31 =	sor.u32 $0x1C30, s29  }
0x1c6: {  	[tilespmem:s31+$0xCF00] =	vst v2  }
0x1c7: {  	v2 =	vld [tilespmem:s28+$0x8AC0];
	_ =	sdelay $0x3  }
0x1c8: {  	s31 =	sor.u32 $0x1C40, s29  }
0x1c9: {  	[tilespmem:s31+$0xCF00] =	vst v2;
	v2 =	vmov s23  }
0x1ca: {  	v3 =	vld [tilespmem:s28+$0x8AD0];
	v4 =	vshll.u32 v2, $0xA  }
0x1cb: {  	v5 =	vor.u32 v0, v4;
	_ =	sdelay $0x1  }
0x1cc: {  	v2 =	vshll.u32 v2, $0x7  }
0x1cd: {  	s31 =	sor.u32 $0x1C50, s29;
	v2 =	vand.u32 $0x380, v2  }
0x1ce: {  	v2 =	vor.u32 v2, v4;
	[tilespmem:s31+$0xCF00] =	vst v3  }
0x1cf: {  	p0 =	sne.s32 s26, $0x11000;
	v2 =	vor.u32 v1, v2;
	v3 =	vld.idx.msk [tilespmem:v5+s10+$0x0], $0xffff  }
.Ltmp2:
0x1d0: {  	_ = 	snop;
	(pc) =	sbr.rel @p0 .LBB2_7-.Ltmp2, $3  }
0x1d1: {  	_ =	sdelay $0x1  }
0x1d2: {  	s25 =	sadd.s32 $0x80, s25;
	s26 =	sadd.s32 $0x1000, s26  }
0x1d3: {  	s22 =	sadd.s32 $0x1, s22;
	s24 =	sadd.s32 $0x400, s24;
	s23 =	sadd.s32 $0x1, s23;
	[tilespmem:v2+s15+$0x0] =	vst.idx.msk $0xffff, v3  }
0x1d4: {  	s20 =	sadd.s32 s6, s20  }
0x1d5: {  	p0 =	sne.s32 s21, $0x20;
	s20 =	smul.u32 $0x1C00, s20  }
.Ltmp3:
0x1d6: {  	_ = 	snop;
	(pc) =	sbr.rel @p0 .LBB2_2-.Ltmp3, $4  }
0x1d7: {  	_ = 	snop  }
0x1d8: {  	s20 =	sadd.s32 s4, s20  }
0x1d9: {  	[hbm4b:s20+s3] =	stream.linear.scatter [tilespmem:s15], [sflag:$0x4], $0xE000, $0x38;
	[tilespmem:$0x1AF00] =	vst v63  }
0x1da: {  	s20 =	smov.u32 s21  }
0x1db: {  	s19 =	sadd.s32 $0x1, s19  }
0x1dc: {  	p0 =	sne.s32 s19, s7  }
.Ltmp4:
0x1dd: {  	_ = 	snop;
	(pc) =	sbr.rel @p0 .LBB2_1-.Ltmp4, $4  }
0x1de: {  	_ = 	snop  }
0x1df: {  	_ =	swait.ge [sflag:s18], $0xE000  }
0x1e0: {  	[sflag:s18] =	ssyncset.done $0x0  }
0x1e1: {  	[sflag:s18] =	ssyncadd.s32 $0xFFFF2000  }
0x1e2: {  	_ =	sfence.sel $0x180000  }
0x1e3: {  	[bflag:$0x0] =	sbarrier.arrive $0xFFFF  }
0x1e4: {  	p0 =	sne.s32 s0, $0x0;
	_ =	strace $0x90000047  }
0x1e5: {  	s0 =	sadd.s32 @!p0 $0x100000, s1;
	[bflag:$0x2] =	sbarrier.arrive $0xFFFF  }
0x1e6: {  	[sflag:s0] =	ssyncadd.tile.s32 @!p0 $0x1;
	_ =	shalt  }
.Lfunc_end2:
_tile_overlayer_lowered:
.L_overlay_start_2:
0x1e7: {  	(tag) =	ssettag $0x2  }
0x1e8: {  	s0 =	rddreg [dreg:$0x0];
	s2 =	stileid.u32  }
0x1e9: {  	s1 =	rddreg [dreg:$0x1];
	p0 =	sne.s32 s2, $0x0  }
0x1ea: {  	s3 =	rddreg [dreg:$0x2];
	[bflag:$0x3] =	sbarrier.arrive $0xFFFF;
	s2 =	simm.s32 @!p0 $0x1C05  }
0x1eb: {  	[timem:s3], [sflag:s2] =	dma.local @!p0 [hbm:s0], s1  }
0x1ec: {  	s0 =	simm.s32 @!p0 $0x5  }
0x1ed: {  	_ =	swait.ge @!p0 [sflag:s0], s1  }
0x1ee: {  	s1 =	ssub.s32 @!p0 $0x0, s1;
	[sflag:s0] =	ssyncset.done @!p0 $0x0  }
0x1ef: {  	[sflag:s0] =	ssyncadd.s32 @!p0 s1  }
0x1f0: {  	[bflag:$0x3] =	sbarrier.arrive $0xFFFF  }
0x1f1: {  	_ =	shalt  }

</sc_bundles>
